<compile_context>
chip_gen: v7x
topology: tpu7x:2x2x1
jax: 0.10.2.dev20260603
libtpu: 0.0.44.dev20260713+nightly
codegen_flags: <defaults>
</compile_context>

<pallas_src>
import functools

import jax
import jax.numpy as jnp
from jax import lax
from jax.experimental import pallas as pl
from jax.experimental.pallas import tpu as pltpu
from jax.experimental.pallas import tpu_sc as plsc

_B, _S, _D = 1, 2048, 768
_HQ, _HKV, _HD = 12, 4, 64
_E, _FF, _TOPK, _CAP = 64, 512, 2, 128
_SFF = 2048
_EPS = 1e-6
_T = _B * _S
_NE = _TOPK * _T
_BS = 512
_NSLOT = _E * _CAP
_NW = 32



def _rope(x, cosf, sinf_signed):
    lane = lax.broadcasted_iota(jnp.int32, x.shape, 1)
    left = jnp.roll(x, -32, axis=1)
    right = jnp.roll(x, 32, axis=1)
    swap = jnp.where((lane % _HD) < (_HD // 2), left, right)
    return x * cosf + swap * sinf_signed


def _preattn_body(x_ref, wq_ref, wk_ref, wv_ref, bq_ref, bk_ref, bv_ref,
                  nw_ref, cq_ref, sq_ref,
                  q3_ref, k3_ref, v3_ref, k_ref, v_ref):
    x = x_ref[...]
    var = jnp.mean(x * x, axis=1, keepdims=True)
    h = (x * lax.rsqrt(var + _EPS) * nw_ref[...]).astype(jnp.bfloat16)
    q0 = jnp.dot(h, wq_ref[...].astype(jnp.bfloat16),
                 preferred_element_type=jnp.float32) + bq_ref[...]
    k0 = jnp.dot(h, wk_ref[...].astype(jnp.bfloat16),
                 preferred_element_type=jnp.float32) + bk_ref[...]
    v0 = jnp.dot(h, wv_ref[...].astype(jnp.bfloat16),
                 preferred_element_type=jnp.float32) + bv_ref[...]
    cos4 = jnp.concatenate([cq_ref[...]] * _HKV, axis=1)
    sin4 = jnp.concatenate([sq_ref[...]] * _HKV, axis=1)
    cos12 = jnp.concatenate([cos4] * (_HQ // _HKV), axis=1)
    sin12 = jnp.concatenate([sin4] * (_HQ // _HKV), axis=1)
    qro = _rope(q0, cos12, sin12)
    kro = _rope(k0, cos4, sin4)
    for hh in range(_HQ):
        q3_ref[hh] = qro[:, hh * _HD:(hh + 1) * _HD]
    for hh in range(_HKV):
        k3_ref[hh] = kro[:, hh * _HD:(hh + 1) * _HD]
        v3_ref[hh] = v0[:, hh * _HD:(hh + 1) * _HD]
    k_ref[...] = kro
    v_ref[...] = v0


def _preattn(x2d, p, cosq, sinq):
    full = lambda shape: pl.BlockSpec(shape, lambda i: (0,) * len(shape))
    row = lambda w: pl.BlockSpec((_BS, w), lambda i: (i, 0))
    return pl.pallas_call(
        _preattn_body,
        grid=(_S // _BS,),
        in_specs=[
            row(_D),
            full((_D, _HQ * _HD)), full((_D, _HKV * _HD)), full((_D, _HKV * _HD)),
            full((1, _HQ * _HD)), full((1, _HKV * _HD)), full((1, _HKV * _HD)),
            full((1, _D)),
            row(_HD), row(_HD),
        ],
        out_specs=[
            pl.BlockSpec((_HQ, _BS, _HD), lambda i: (0, i, 0)),
            pl.BlockSpec((_HKV, _BS, _HD), lambda i: (0, i, 0)),
            pl.BlockSpec((_HKV, _BS, _HD), lambda i: (0, i, 0)),
            row(_HKV * _HD), row(_HKV * _HD),
        ],
        out_shape=[
            jax.ShapeDtypeStruct((_HQ, _S, _HD), jnp.float32),
            jax.ShapeDtypeStruct((_HKV, _S, _HD), jnp.float32),
            jax.ShapeDtypeStruct((_HKV, _S, _HD), jnp.float32),
            jax.ShapeDtypeStruct((_S, _HKV * _HD), jnp.float32),
            jax.ShapeDtypeStruct((_S, _HKV * _HD), jnp.float32),
        ],
    )(x2d, p['Wq'], p['Wk'], p['Wv'],
      p['bq'].reshape(1, -1), p['bk'].reshape(1, -1), p['bv'].reshape(1, -1),
      p['attn_norm_w'].reshape(1, -1), cosq, sinq)



_AQ = 512


def _attn_body(q_ref, k_ref, v_ref, o_ref):
    i = pl.program_id(1)
    q = q_ref[0].astype(jnp.bfloat16)

    def branch(width):
        kb = k_ref[0, 0:width, :].astype(jnp.bfloat16)
        vb = v_ref[0, 0:width, :].astype(jnp.bfloat16)
        s = lax.dot_general(q, kb, (((1,), (1,)), ((), ())),
                            preferred_element_type=jnp.float32) * (1.0 / 8.0)
        rowi = i * _AQ + lax.broadcasted_iota(jnp.int32, s.shape, 0)
        coli = lax.broadcasted_iota(jnp.int32, s.shape, 1)
        s = jnp.where(coli <= rowi, s, -1e9)
        m = jnp.max(s, axis=1, keepdims=True)
        e = jnp.exp(s - m)
        o = lax.dot_general(e.astype(jnp.bfloat16), vb, (((1,), (0,)), ((), ())),
                            preferred_element_type=jnp.float32)
        o_ref[0] = o / jnp.sum(e, axis=1, keepdims=True)

    for bi in range(_S // _AQ):
        @pl.when(i == bi)
        def _(width=(bi + 1) * _AQ):
            branch(width)


def _attention(qT, kT, vT):
    rep = _HQ // _HKV
    return pl.pallas_call(
        _attn_body,
        grid=(_HQ, _S // _AQ),
        in_specs=[
            pl.BlockSpec((1, _AQ, _HD), lambda h, i: (h, i, 0)),
            pl.BlockSpec((1, _S, _HD), lambda h, i: (h // rep, 0, 0)),
            pl.BlockSpec((1, _S, _HD), lambda h, i: (h // rep, 0, 0)),
        ],
        out_specs=pl.BlockSpec((1, _AQ, _HD), lambda h, i: (h, i, 0)),
        out_shape=jax.ShapeDtypeStruct((_HQ, _S, _HD), jnp.float32),
    )(qT, kT, vT)



def _postattn_body(ao_ref, wo_ref, x_ref, nw_ref, wr_ref, x2_ref, h2_ref, lg_ref):
    aoc = jnp.concatenate([ao_ref[hh] for hh in range(_HQ)], axis=1)
    x2 = x_ref[...] + jnp.dot(aoc.astype(jnp.bfloat16),
                              wo_ref[...].astype(jnp.bfloat16),
                              preferred_element_type=jnp.float32)
    var = jnp.mean(x2 * x2, axis=1, keepdims=True)
    h2 = x2 * lax.rsqrt(var + _EPS) * nw_ref[...]
    x2_ref[...] = x2
    h2_ref[...] = h2
    lg_ref[...] = jnp.dot(h2, wr_ref[...], preferred_element_type=jnp.float32)


def _postattn(ao2, x2d, p):
    full = lambda shape: pl.BlockSpec(shape, lambda i: (0,) * len(shape))
    row = lambda w: pl.BlockSpec((_BS, w), lambda i: (i, 0))
    return pl.pallas_call(
        _postattn_body,
        grid=(_S // _BS,),
        in_specs=[pl.BlockSpec((_HQ, _BS, _HD), lambda i: (0, i, 0)),
                  full((_HQ * _HD, _D)), row(_D), full((1, _D)),
                  full((_D, _E))],
        out_specs=[row(_D), row(_D), row(_E)],
        out_shape=[
            jax.ShapeDtypeStruct((_S, _D), jnp.float32),
            jax.ShapeDtypeStruct((_S, _D), jnp.float32),
            jax.ShapeDtypeStruct((_S, _E), jnp.float32),
        ],
    )(ao2, p['Wo'], x2d, p['ffn_norm_w'].reshape(1, -1), p['Wr'])



def _route_body(lg_ref, dest_ref, wk_ref, aux_ref, counts_ref, psum_ref):
    b = pl.program_id(0)

    @pl.when(b == 0)
    def _():
        counts_ref[...] = jnp.zeros((1, _E), jnp.float32)
        psum_ref[...] = jnp.zeros((1, _E), jnp.float32)

    lg = lg_ref[...]
    m = jnp.max(lg, axis=1, keepdims=True)
    ex = jnp.exp(lg - m)
    prob = ex / jnp.sum(ex, axis=1, keepdims=True)

    @pl.when(b < _S // _BS)
    def _():
        psum_ref[...] += jnp.sum(prob, axis=0, keepdims=True)

    ie = lax.broadcasted_iota(jnp.int32, (_BS, _E), 1)
    m1 = jnp.max(prob, axis=1, keepdims=True)
    i1 = jnp.min(jnp.where(prob >= m1, ie, _E), axis=1, keepdims=True)
    p2 = jnp.where(ie == i1, -1.0, prob)
    m2 = jnp.max(p2, axis=1, keepdims=True)
    i2 = jnp.min(jnp.where(p2 >= m2, ie, _E), axis=1, keepdims=True)
    den = m1 + m2
    c = b // (_S // _BS)
    fe = jnp.where(c == 0, i1, i2)
    w = jnp.where(c == 0, m1, m2) / den
    oh = (ie == fe).astype(jnp.float32)
    ri = lax.broadcasted_iota(jnp.int32, (_BS, _BS), 0)
    ci = lax.broadcasted_iota(jnp.int32, (_BS, _BS), 1)
    ltri = (ci < ri).astype(jnp.bfloat16)
    before = jnp.dot(ltri, oh.astype(jnp.bfloat16),
                     preferred_element_type=jnp.float32)
    pos = jnp.sum((counts_ref[...] + before) * oh, axis=1,
                  keepdims=True).astype(jnp.int32)
    counts_ref[...] += jnp.sum(oh, axis=0, keepdims=True)
    keep = pos < _CAP
    posc = jnp.minimum(pos, _CAP - 1)
    entry = b * _BS + lax.broadcasted_iota(jnp.int32, (_BS, 1), 0)
    dest_ref[...] = jnp.where(keep, fe * _CAP + posc, _NSLOT + (entry & (_CAP - 1)))
    wk_ref[...] = jnp.where(keep, w, 0.0)

    @pl.when(b == _NE // _BS - 1)
    def _():
        aux_ref[...] = (_E * jnp.sum(counts_ref[...] * psum_ref[...],
                                     axis=1, keepdims=True)
                        / (float(_NE) * float(_T)))


def _route(logits):
    nb = _NE // _BS
    return pl.pallas_call(
        _route_body,
        grid=(nb,),
        in_specs=[pl.BlockSpec((_BS, _E), lambda b: (b % (_S // _BS), 0))],
        out_specs=[
            pl.BlockSpec((_BS, 1), lambda b: (b, 0)),
            pl.BlockSpec((_BS, 1), lambda b: (b, 0)),
            pl.BlockSpec((1, 1), lambda b: (0, 0)),
        ],
        out_shape=[
            jax.ShapeDtypeStruct((_NE, 1), jnp.int32),
            jax.ShapeDtypeStruct((_NE, 1), jnp.float32),
            jax.ShapeDtypeStruct((1, 1), jnp.float32),
        ],
        scratch_shapes=[pltpu.VMEM((1, _E), jnp.float32),
                        pltpu.VMEM((1, _E), jnp.float32)],
    )(logits)



def _sc_mesh():
    return plsc.VectorSubcoreMesh(core_axis_name="c", subcore_axis_name="s")


def _build_tables(dest, wk):
    per_w = _NSLOT // _NW

    @functools.partial(
        pl.kernel,
        out_type=(jax.ShapeDtypeStruct((_NSLOT,), jnp.int32),
                  jax.ShapeDtypeStruct((_NSLOT,), jnp.float32)),
        mesh=_sc_mesh(),
        scratch_types=[pltpu.VMEM((_NE,), jnp.int32),
                       pltpu.VMEM((_NE,), jnp.float32),
                       pltpu.VMEM((per_w,), jnp.int32),
                       pltpu.VMEM((per_w,), jnp.float32)],
        compiler_params=pltpu.CompilerParams(needs_layout_passes=False),
    )
    def k(dest_hbm, wk_hbm, src_hbm, sw_hbm, dest_v, wk_v, src_l, sw_l):
        wid = lax.axis_index("s") * 2 + lax.axis_index("c")
        lo = wid * per_w
        pltpu.sync_copy(dest_hbm, dest_v)
        pltpu.sync_copy(wk_hbm, wk_v)
        for i in range(per_w // 16):
            evec = lo + i * 16 + jnp.arange(16, dtype=jnp.int32)
            src_l[pl.ds(i * 16, 16)] = evec & (_T - 1)
            sw_l[pl.ds(i * 16, 16)] = jnp.zeros((16,), jnp.float32)

        def body(i, carry):
            d = dest_v[pl.ds(i * 16, 16)]
            w = wk_v[pl.ds(i * 16, 16)]
            evec = i * 16 + jnp.arange(16, dtype=jnp.int32)
            tok = jnp.where(evec >= _T, evec - _T, evec)
            msk = (d >= lo) & (d < lo + per_w)
            plsc.store_scatter(src_l, [d - lo], tok, mask=msk)
            plsc.store_scatter(sw_l, [d - lo], w, mask=msk)
            return carry

        lax.fori_loop(0, _NE // 16, body, 0)
        pltpu.sync_copy(src_l, src_hbm.at[pl.ds(lo, per_w)])
        pltpu.sync_copy(sw_l, sw_hbm.at[pl.ds(lo, per_w)])

    return k(dest, wk)



def _sc_gather(table, idx, n_rows, chunk):
    per_w = n_rows // _NW
    nch = per_w // chunk

    @functools.partial(
        pl.kernel,
        out_type=jax.ShapeDtypeStruct((n_rows, _D), jnp.float32),
        mesh=_sc_mesh(),
        scratch_types=[pltpu.VMEM((chunk,), jnp.int32),
                       pltpu.VMEM((chunk,), jnp.int32),
                       pltpu.VMEM((chunk, _D), jnp.float32),
                       pltpu.VMEM((chunk, _D), jnp.float32),
                       pltpu.SemaphoreType.DMA,
                       pltpu.SemaphoreType.DMA],
        compiler_params=pltpu.CompilerParams(needs_layout_passes=False),
    )
    def k(table_hbm, idx_hbm, out_hbm, ia, ib, ra, rb, sa, sb):
        wid = lax.axis_index("s") * 2 + lax.axis_index("c")
        base = wid * per_w
        bufs = [(ia, ra, sa), (ib, rb, sb)]
        copies = [None] * nch
        for ci in range(nch):
            iv, rv, sem = bufs[ci % 2]
            pltpu.sync_copy(idx_hbm.at[pl.ds(base + ci * chunk, chunk)], iv)
            copies[ci] = pltpu.async_copy(table_hbm.at[iv], rv, sem)
            if ci >= 1:
                pv = bufs[(ci - 1) % 2][1]
                copies[ci - 1].wait()
                pltpu.sync_copy(
                    pv, out_hbm.at[pl.ds(base + (ci - 1) * chunk, chunk)])
        copies[nch - 1].wait()
        pltpu.sync_copy(
            bufs[(nch - 1) % 2][1],
            out_hbm.at[pl.ds(base + (nch - 1) * chunk, chunk)])

    return k(table, idx)



def _expert_body(ein_ref, wg_ref, wu_ref, wd_ref, sw_ref, out_ref):
    e = pl.program_id(0)

    @pl.when(e < _E)
    def _():
        xin = ein_ref[0].astype(jnp.bfloat16)
        g = jnp.dot(xin, wg_ref[0].astype(jnp.bfloat16),
                    preferred_element_type=jnp.float32)
        u = jnp.dot(xin, wu_ref[0].astype(jnp.bfloat16),
                    preferred_element_type=jnp.float32)
        a = (g * lax.logistic(g) * u).astype(jnp.bfloat16)
        o = jnp.dot(a, wd_ref[0].astype(jnp.bfloat16),
                    preferred_element_type=jnp.float32)
        out_ref[0] = o * sw_ref[0]

    @pl.when(e == _E)
    def _():
        out_ref[0] = jnp.zeros((_CAP, _D), jnp.float32)


def _experts(ein3, sw3, p):
    cl = lambda e: (jnp.minimum(e, _E - 1), 0, 0)
    return pl.pallas_call(
        _expert_body,
        grid=(_E + 1,),
        in_specs=[
            pl.BlockSpec((1, _CAP, _D), cl),
            pl.BlockSpec((1, _D, _FF), cl),
            pl.BlockSpec((1, _D, _FF), cl),
            pl.BlockSpec((1, _FF, _D), cl),
            pl.BlockSpec((1, _CAP, 1), cl),
        ],
        out_specs=pl.BlockSpec((1, _CAP, _D), lambda e: (e, 0, 0)),
        out_shape=jax.ShapeDtypeStruct((_E + 1, _CAP, _D), jnp.float32),
    )(ein3, p['Wg'], p['Wu'], p['Wd'], sw3)



def _shared_body(h2_ref, sg_ref, su_ref, sd_ref, o_ref):
    h2 = h2_ref[...].astype(jnp.bfloat16)
    g = jnp.dot(h2, sg_ref[...].astype(jnp.bfloat16),
                preferred_element_type=jnp.float32)
    u = jnp.dot(h2, su_ref[...].astype(jnp.bfloat16),
                preferred_element_type=jnp.float32)
    o_ref[...] = jnp.dot((g * lax.logistic(g) * u).astype(jnp.bfloat16),
                         sd_ref[...].astype(jnp.bfloat16),
                         preferred_element_type=jnp.float32)


def _shared(h2, p):
    full = lambda shape: pl.BlockSpec(shape, lambda i: (0,) * len(shape))
    row = lambda w: pl.BlockSpec((_BS, w), lambda i: (i, 0))
    return pl.pallas_call(
        _shared_body,
        grid=(_S // _BS,),
        in_specs=[row(_D), full((_D, _SFF)), full((_D, _SFF)),
                  full((_SFF, _D))],
        out_specs=row(_D),
        out_shape=jax.ShapeDtypeStruct((_S, _D), jnp.float32),
    )(h2, p['Sg'], p['Su'], p['Sd'])



def _final_body(x2_ref, ta_ref, tb_ref, sh_ref, o_ref):
    o_ref[...] = x2_ref[...] + ta_ref[...] + tb_ref[...] + sh_ref[...]


def _final(x2, tok, shared):
    row = lambda w: pl.BlockSpec((_BS, w), lambda i: (i, 0))
    nb = _S // _BS
    return pl.pallas_call(
        _final_body,
        grid=(nb,),
        in_specs=[
            row(_D),
            pl.BlockSpec((_BS, _D), lambda i: (i, 0)),
            pl.BlockSpec((_BS, _D), lambda i: (i + nb, 0)),
            row(_D),
        ],
        out_specs=row(_D),
        out_shape=jax.ShapeDtypeStruct((_S, _D), jnp.float32),
    )(x2, tok, tok, shared)



def kernel(x, rope_cos, rope_sin, params):
    p = params
    x2d = x.reshape(_S, _D)
    sign = jnp.concatenate([-jnp.ones((_HD // 2,), jnp.float32),
                            jnp.ones((_HD // 2,), jnp.float32)])
    cosq = rope_cos
    sinq = rope_sin * sign[None, :]

    qT, kT, vT, kk, v = _preattn(x2d, p, cosq, sinq)
    kv_k = kk.reshape(_B, _S, _HKV, _HD)
    kv_v = v.reshape(_B, _S, _HKV, _HD)

    ao = _attention(qT, kT, vT)

    x2, h2, logits = _postattn(ao, x2d, p)
    shared = _shared(h2, p)
    dest2, wk2, aux = _route(logits)
    dest = dest2.reshape(_NE)
    wk = wk2.reshape(_NE)

    src, sw = _build_tables(dest, wk)

    ein = _sc_gather(h2, src, _NSLOT, 64)
    eout = _experts(ein.reshape(_E, _CAP, _D), sw.reshape(_E, _CAP, 1), p)
    eoutp = eout.reshape((_E + 1) * _CAP, _D)
    tok = _sc_gather(eoutp, dest, _NE, 64)

    out = _final(x2, tok, shared)
    return out.reshape(_B, _S, _D), (kv_k, kv_v), aux.reshape(())

# --- scband reference (transcript-rebuilt; emitter-appended) ---
"""Pipeline reference for scband-mo-edecoder-block-78855599554928 (READ-ONLY COPY).

The authoritative reference and input builder live on the scoring server;
editing this copy changes nothing except your own understanding.
"""

import jax, jax.numpy as jnp
import numpy as np

B, S, D = 1, 2048, 768
HQ, HKV, HD = 12, 4, 64
E, FF, TOPK, CAP = 64, 512, 2, 128
SFF = 2048
EPS = 1e-6


def rms_norm(x, w):
    v = jnp.mean(x * x, axis=-1, keepdims=True)
    return x * jax.lax.rsqrt(v + EPS) * w


def rotate_half(x):
    x1, x2 = jnp.split(x, 2, axis=-1)
    return jnp.concatenate([-x2, x1], axis=-1)


def setup_inputs(seed: int = 0):
    key = jax.random.key(seed)
    ks = jax.random.split(key, 16)
    x = jax.random.normal(ks[0], (B, S, D), jnp.float32)
    inv_freq = 1.0 / (10000.0 ** (jnp.arange(0, HD, 2, dtype=jnp.float32) / HD))
    t = jnp.arange(S, dtype=jnp.float32)
    freqs = jnp.outer(t, inv_freq)
    emb = jnp.concatenate([freqs, freqs], axis=-1)
    rope_cos = jnp.cos(emb)
    rope_sin = jnp.sin(emb)

    def w(k, shape, s=0.02):
        return jax.random.normal(k, shape, jnp.float32) * s

    params = {
        'attn_norm_w': jnp.ones((D,), jnp.float32),
        'ffn_norm_w': jnp.ones((D,), jnp.float32),
        'Wq': w(ks[1], (D, HQ * HD)), 'bq': w(ks[2], (HQ * HD,), 0.01),
        'Wk': w(ks[3], (D, HKV * HD)), 'bk': w(ks[4], (HKV * HD,), 0.01),
        'Wv': w(ks[5], (D, HKV * HD)), 'bv': w(ks[6], (HKV * HD,), 0.01),
        'Wo': w(ks[7], (HQ * HD, D)),
        'Wr': w(ks[8], (D, E)),
        'Wg': w(ks[9], (E, D, FF)), 'Wu': w(ks[10], (E, D, FF)), 'Wd': w(ks[11], (E, FF, D)),
        'Sg': w(ks[12], (D, SFF)), 'Su': w(ks[13], (D, SFF)), 'Sd': w(ks[14], (SFF, D)),
    }
    return {'x': x, 'rope_cos': rope_cos, 'rope_sin': rope_sin, 'params': params}


def _forward(x, rope_cos, rope_sin, params):
    p = params
    # --- GQA self-attention ---
    h = rms_norm(x, p['attn_norm_w'])
    q = (h @ p['Wq'] + p['bq']).reshape(B, S, HQ, HD)
    k = (h @ p['Wk'] + p['bk']).reshape(B, S, HKV, HD)
    v = (h @ p['Wv'] + p['bv']).reshape(B, S, HKV, HD)
    cos = rope_cos[None, :, None, :]
    sin = rope_sin[None, :, None, :]
    q = q * cos + rotate_half(q) * sin
    k = k * cos + rotate_half(k) * sin
    rep = HQ // HKV
    kr = jnp.repeat(k, rep, axis=2)
    vr = jnp.repeat(v, rep, axis=2)
    qt = q.transpose(0, 2, 1, 3)
    kt = kr.transpose(0, 2, 1, 3)
    vt = vr.transpose(0, 2, 1, 3)
    scores = (qt @ kt.transpose(0, 1, 3, 2)) / np.sqrt(HD).astype(np.float32)
    mask = jnp.tril(jnp.ones((S, S), bool))
    scores = jnp.where(mask[None, None], scores, -1e9)
    attn = jax.nn.softmax(scores, axis=-1)
    ao = (attn @ vt).transpose(0, 2, 1, 3).reshape(B, S, HQ * HD) @ p['Wo']
    x = x + ao
    # --- MoE FFN (top-k routed experts + shared expert) ---
    T = B * S
    h2 = rms_norm(x, p['ffn_norm_w']).reshape(T, D)
    logits = h2 @ p['Wr']
    probs = jax.nn.softmax(logits, axis=-1)
    topv, topi = jax.lax.top_k(probs, TOPK)
    wts = topv / jnp.sum(topv, axis=-1, keepdims=True)
    fe = topi.T.reshape(-1)          # [TOPK*T], first choices have priority
    fw = wts.T.reshape(-1)
    oh = jax.nn.one_hot(fe, E, dtype=jnp.float32)
    pos = jnp.take_along_axis(jnp.cumsum(oh, axis=0) - 1.0, fe[:, None], axis=1)[:, 0]
    pos = pos.astype(jnp.int32)
    keep = (pos < CAP).astype(jnp.float32)
    pos_c = jnp.minimum(pos, CAP - 1)
    h_rep = jnp.tile(h2, (TOPK, 1))
    ein = jnp.zeros((E, CAP, D), jnp.float32).at[fe, pos_c].add(h_rep * keep[:, None])
    gate = jnp.einsum('ecd,edf->ecf', ein, p['Wg'])
    up = jnp.einsum('ecd,edf->ecf', ein, p['Wu'])
    eout = jnp.einsum('ecf,efd->ecd', jax.nn.silu(gate) * up, p['Wd'])
    tok = eout[fe, pos_c] * (fw * keep)[:, None]
    routed = tok.reshape(TOPK, T, D).sum(0)
    shared = (jax.nn.silu(h2 @ p['Sg']) * (h2 @ p['Su'])) @ p['Sd']
    moe_out = (routed + shared).reshape(B, S, D)
    f = oh.mean(axis=0)
    Pm = probs.mean(axis=0)
    aux_loss = E * jnp.sum(f * Pm)
    out = x + moe_out
    return out, (k, v), aux_loss


def reference(x, rope_cos, rope_sin, params):
    return _forward(x, rope_cos, rope_sin, params)

if __name__ == "__main__":
    import jax
    _d = setup_inputs()
    print(jax.jit(kernel)(*tuple(_d.values())))

</pallas_src>

<mosaic_0001>
#map = affine_map<(d0, d1) -> (0, 0)>
#map1 = affine_map<(d0, d1) -> (0)>
module attributes {stable_mosaic.version = 14 : i64} {
  func.func @k(%arg0: i32, %arg1: i32, %arg2: memref<8320x768xf32, #tpu.memory_space<hbm>>, %arg3: memref<4096xi32, #tpu.memory_space<hbm>>, %arg4: memref<4096x768xf32, #tpu.memory_space<hbm>>, %arg5: memref<64xi32, #tpu.memory_space<vmem>>, %arg6: memref<64xi32, #tpu.memory_space<vmem>>, %arg7: memref<64x768xf32, #tpu.memory_space<vmem>>, %arg8: memref<64x768xf32, #tpu.memory_space<vmem>>, %arg9: memref<!tpu.dma_semaphore, #tpu.memory_space<semaphore_mem>>, %arg10: memref<!tpu.dma_semaphore, #tpu.memory_space<semaphore_mem>>) attributes {dimension_semantics = [#tpu.dimension_semantics<core_parallel>, #tpu.dimension_semantics<subcore_parallel>], iteration_bounds = array<i64: 2, 16>, scalar_prefetch = 0 : i64, scratch_operands = 6 : i64, tpu.core_type = #tpu.core_type<sc_vector_subcore>, window_params = [{transform_indices = #map}, {transform_indices = #map1}, {transform_indices = #map}]} {
    %mul3A = arith.constant 2 : i32
    %mul3A_0 = arith.muli %arg1, %mul3A : i32
    %add3A = arith.addi %mul3A_0, %arg0 : i32
    %mul3A_1 = arith.constant 128 : i32
    %mul3A_2 = arith.muli %add3A, %mul3A_1 : i32
    %add3A_3 = arith.constant 0 : i32
    %add3A_4 = arith.addi %mul3A_2, %add3A_3 : i32
    "tpu.region"() ({
      %run_scoped3A = tpu.sem_alloc : memref<!tpu.dma_semaphore, #tpu.memory_space<semaphore_mem>>
      %dma_start3A_21 = tpu.memref_slice %arg3[%add3A_4] : memref<4096xi32, #tpu.memory_space<hbm>> -> memref<64xi32, #tpu.memory_space<hbm>>
      %dma_start3A_22 = tpu.memref_slice %arg3[%add3A_4] : memref<4096xi32, #tpu.memory_space<hbm>> -> memref<64xi32, #tpu.memory_space<hbm>>
      tpu.enqueue_dma source(%dma_start3A_22 : memref<64xi32, #tpu.memory_space<hbm>>) target(%arg5 : memref<64xi32, #tpu.memory_space<vmem>>) target_semaphore(%run_scoped3A : memref<!tpu.dma_semaphore, #tpu.memory_space<semaphore_mem>>)
      %dma_wait3A_23 = tpu.memref_slice %arg3[%add3A_4] : memref<4096xi32, #tpu.memory_space<hbm>> -> memref<64xi32, #tpu.memory_space<hbm>>
      %dma_wait3A_24 = tpu.memref_slice %arg3[%add3A_4] : memref<4096xi32, #tpu.memory_space<hbm>> -> memref<64xi32, #tpu.memory_space<hbm>>
      tpu.wait_dma2 semaphore(%run_scoped3A : memref<!tpu.dma_semaphore, #tpu.memory_space<semaphore_mem>>) src(%dma_wait3A_24 : memref<64xi32, #tpu.memory_space<hbm>>) dst(%arg5 : memref<64xi32, #tpu.memory_space<vmem>>)
      tpu.yield
    }) : () -> ()
    %dma_start3A = arith.constant 0 : i32
    %dma_start3A_5 = arith.constant 0 : i32
    %dma_start3A_6 = tpu.memref_slice %arg2[%dma_start3A, %dma_start3A_5] : memref<8320x768xf32, #tpu.memory_space<hbm>> -> memref<8320x768xf32, #tpu.memory_space<hbm>>
    tpu.enqueue_indirect_dma source(%dma_start3A_6 : memref<8320x768xf32, #tpu.memory_space<hbm>>) target(%arg7 : memref<64x768xf32, #tpu.memory_space<vmem>>) offsets(%arg5 : memref<64xi32, #tpu.memory_space<vmem>>) semaphore(%arg9 : memref<!tpu.dma_semaphore, #tpu.memory_space<semaphore_mem>>)
    %add3A_7 = arith.constant 64 : i32
    %add3A_8 = arith.addi %mul3A_2, %add3A_7 : i32
    "tpu.region"() ({
      %run_scoped3A = tpu.sem_alloc : memref<!tpu.dma_semaphore, #tpu.memory_space<semaphore_mem>>
      %dma_start3A_21 = tpu.memref_slice %arg3[%add3A_8] : memref<4096xi32, #tpu.memory_space<hbm>> -> memref<64xi32, #tpu.memory_space<hbm>>
      %dma_start3A_22 = tpu.memref_slice %arg3[%add3A_8] : memref<4096xi32, #tpu.memory_space<hbm>> -> memref<64xi32, #tpu.memory_space<hbm>>
      tpu.enqueue_dma source(%dma_start3A_22 : memref<64xi32, #tpu.memory_space<hbm>>) target(%arg6 : memref<64xi32, #tpu.memory_space<vmem>>) target_semaphore(%run_scoped3A : memref<!tpu.dma_semaphore, #tpu.memory_space<semaphore_mem>>)
      %dma_wait3A_23 = tpu.memref_slice %arg3[%add3A_8] : memref<4096xi32, #tpu.memory_space<hbm>> -> memref<64xi32, #tpu.memory_space<hbm>>
      %dma_wait3A_24 = tpu.memref_slice %arg3[%add3A_8] : memref<4096xi32, #tpu.memory_space<hbm>> -> memref<64xi32, #tpu.memory_space<hbm>>
      tpu.wait_dma2 semaphore(%run_scoped3A : memref<!tpu.dma_semaphore, #tpu.memory_space<semaphore_mem>>) src(%dma_wait3A_24 : memref<64xi32, #tpu.memory_space<hbm>>) dst(%arg6 : memref<64xi32, #tpu.memory_space<vmem>>)
      tpu.yield
    }) : () -> ()
    %dma_start3A_9 = arith.constant 0 : i32
    %dma_start3A_10 = arith.constant 0 : i32
    %dma_start3A_11 = tpu.memref_slice %arg2[%dma_start3A_9, %dma_start3A_10] : memref<8320x768xf32, #tpu.memory_space<hbm>> -> memref<8320x768xf32, #tpu.memory_space<hbm>>
    tpu.enqueue_indirect_dma source(%dma_start3A_11 : memref<8320x768xf32, #tpu.memory_space<hbm>>) target(%arg8 : memref<64x768xf32, #tpu.memory_space<vmem>>) offsets(%arg6 : memref<64xi32, #tpu.memory_space<vmem>>) semaphore(%arg10 : memref<!tpu.dma_semaphore, #tpu.memory_space<semaphore_mem>>)
    %dma_wait3A = arith.constant 0 : i32
    %dma_wait3A_12 = arith.constant 0 : i32
    %dma_wait3A_13 = tpu.memref_slice %arg2[%dma_wait3A, %dma_wait3A_12] : memref<8320x768xf32, #tpu.memory_space<hbm>> -> memref<8320x768xf32, #tpu.memory_space<hbm>>
    tpu.wait_indirect_dma semaphore(%arg9 : memref<!tpu.dma_semaphore, #tpu.memory_space<semaphore_mem>>) src(%dma_wait3A_13 : memref<8320x768xf32, #tpu.memory_space<hbm>>) dst(%arg7 : memref<64x768xf32, #tpu.memory_space<vmem>>)
    %add3A_14 = arith.constant 0 : i32
    %add3A_15 = arith.addi %mul3A_2, %add3A_14 : i32
    "tpu.region"() ({
      %run_scoped3A = tpu.sem_alloc : memref<!tpu.dma_semaphore, #tpu.memory_space<semaphore_mem>>
      %dma_start3A_21 = arith.constant 0 : i32
      %dma_start3A_22 = tpu.memref_slice %arg4[%add3A_15, %dma_start3A_21] : memref<4096x768xf32, #tpu.memory_space<hbm>> -> memref<64x768xf32, #tpu.memory_space<hbm>>
      %dma_start3A_23 = arith.constant 0 : i32
      %dma_start3A_24 = tpu.memref_slice %arg4[%add3A_15, %dma_start3A_23] : memref<4096x768xf32, #tpu.memory_space<hbm>> -> memref<64x768xf32, #tpu.memory_space<hbm>>
      tpu.enqueue_dma source(%arg7 : memref<64x768xf32, #tpu.memory_space<vmem>>) target(%dma_start3A_24 : memref<64x768xf32, #tpu.memory_space<hbm>>) target_semaphore(%run_scoped3A : memref<!tpu.dma_semaphore, #tpu.memory_space<semaphore_mem>>)
      %dma_wait3A_25 = arith.constant 0 : i32
      %dma_wait3A_26 = tpu.memref_slice %arg4[%add3A_15, %dma_wait3A_25] : memref<4096x768xf32, #tpu.memory_space<hbm>> -> memref<64x768xf32, #tpu.memory_space<hbm>>
      %dma_wait3A_27 = arith.constant 0 : i32
      %dma_wait3A_28 = tpu.memref_slice %arg4[%add3A_15, %dma_wait3A_27] : memref<4096x768xf32, #tpu.memory_space<hbm>> -> memref<64x768xf32, #tpu.memory_space<hbm>>
      tpu.wait_dma2 semaphore(%run_scoped3A : memref<!tpu.dma_semaphore, #tpu.memory_space<semaphore_mem>>) src(%arg7 : memref<64x768xf32, #tpu.memory_space<vmem>>) dst(%dma_wait3A_28 : memref<64x768xf32, #tpu.memory_space<hbm>>)
      tpu.yield
    }) : () -> ()
    %dma_wait3A_16 = arith.constant 0 : i32
    %dma_wait3A_17 = arith.constant 0 : i32
    %dma_wait3A_18 = tpu.memref_slice %arg2[%dma_wait3A_16, %dma_wait3A_17] : memref<8320x768xf32, #tpu.memory_space<hbm>> -> memref<8320x768xf32, #tpu.memory_space<hbm>>
    tpu.wait_indirect_dma semaphore(%arg10 : memref<!tpu.dma_semaphore, #tpu.memory_space<semaphore_mem>>) src(%dma_wait3A_18 : memref<8320x768xf32, #tpu.memory_space<hbm>>) dst(%arg8 : memref<64x768xf32, #tpu.memory_space<vmem>>)
    %add3A_19 = arith.constant 64 : i32
    %add3A_20 = arith.addi %mul3A_2, %add3A_19 : i32
    "tpu.region"() ({
      %run_scoped3A = tpu.sem_alloc : memref<!tpu.dma_semaphore, #tpu.memory_space<semaphore_mem>>
      %dma_start3A_21 = arith.constant 0 : i32
      %dma_start3A_22 = tpu.memref_slice %arg4[%add3A_20, %dma_start3A_21] : memref<4096x768xf32, #tpu.memory_space<hbm>> -> memref<64x768xf32, #tpu.memory_space<hbm>>
      %dma_start3A_23 = arith.constant 0 : i32
      %dma_start3A_24 = tpu.memref_slice %arg4[%add3A_20, %dma_start3A_23] : memref<4096x768xf32, #tpu.memory_space<hbm>> -> memref<64x768xf32, #tpu.memory_space<hbm>>
      tpu.enqueue_dma source(%arg8 : memref<64x768xf32, #tpu.memory_space<vmem>>) target(%dma_start3A_24 : memref<64x768xf32, #tpu.memory_space<hbm>>) target_semaphore(%run_scoped3A : memref<!tpu.dma_semaphore, #tpu.memory_space<semaphore_mem>>)
      %dma_wait3A_25 = arith.constant 0 : i32
      %dma_wait3A_26 = tpu.memref_slice %arg4[%add3A_20, %dma_wait3A_25] : memref<4096x768xf32, #tpu.memory_space<hbm>> -> memref<64x768xf32, #tpu.memory_space<hbm>>
      %dma_wait3A_27 = arith.constant 0 : i32
      %dma_wait3A_28 = tpu.memref_slice %arg4[%add3A_20, %dma_wait3A_27] : memref<4096x768xf32, #tpu.memory_space<hbm>> -> memref<64x768xf32, #tpu.memory_space<hbm>>
      tpu.wait_dma2 semaphore(%run_scoped3A : memref<!tpu.dma_semaphore, #tpu.memory_space<semaphore_mem>>) src(%arg8 : memref<64x768xf32, #tpu.memory_space<vmem>>) dst(%dma_wait3A_28 : memref<64x768xf32, #tpu.memory_space<hbm>>)
      tpu.yield
    }) : () -> ()
    return
  }
}

#map = affine_map<(d0, d1) -> (0, 0)>
#map1 = affine_map<(d0, d1) -> (0)>
module attributes {stable_mosaic.version = 14 : i64} {
  func.func @k(%arg0: i32, %arg1: i32, %arg2: memref<2048x768xf32, #tpu.memory_space<hbm>>, %arg3: memref<8192xi32, #tpu.memory_space<hbm>>, %arg4: memref<8192x768xf32, #tpu.memory_space<hbm>>, %arg5: memref<64xi32, #tpu.memory_space<vmem>>, %arg6: memref<64xi32, #tpu.memory_space<vmem>>, %arg7: memref<64x768xf32, #tpu.memory_space<vmem>>, %arg8: memref<64x768xf32, #tpu.memory_space<vmem>>, %arg9: memref<!tpu.dma_semaphore, #tpu.memory_space<semaphore_mem>>, %arg10: memref<!tpu.dma_semaphore, #tpu.memory_space<semaphore_mem>>) attributes {dimension_semantics = [#tpu.dimension_semantics<core_parallel>, #tpu.dimension_semantics<subcore_parallel>], iteration_bounds = array<i64: 2, 16>, scalar_prefetch = 0 : i64, scratch_operands = 6 : i64, tpu.core_type = #tpu.core_type<sc_vector_subcore>, window_params = [{transform_indices = #map}, {transform_indices = #map1}, {transform_indices = #map}]} {
    %mul3A = arith.constant 2 : i32
    %mul3A_0 = arith.muli %arg1, %mul3A : i32
    %add3A = arith.addi %mul3A_0, %arg0 : i32
    %mul3A_1 = arith.constant 256 : i32
    %mul3A_2 = arith.muli %add3A, %mul3A_1 : i32
    %add3A_3 = arith.constant 0 : i32
    %add3A_4 = arith.addi %mul3A_2, %add3A_3 : i32
    "tpu.region"() ({
      %run_scoped3A = tpu.sem_alloc : memref<!tpu.dma_semaphore, #tpu.memory_space<semaphore_mem>>
      %dma_start3A_41 = tpu.memref_slice %arg3[%add3A_4] : memref<8192xi32, #tpu.memory_space<hbm>> -> memref<64xi32, #tpu.memory_space<hbm>>
      %dma_start3A_42 = tpu.memref_slice %arg3[%add3A_4] : memref<8192xi32, #tpu.memory_space<hbm>> -> memref<64xi32, #tpu.memory_space<hbm>>
      tpu.enqueue_dma source(%dma_start3A_42 : memref<64xi32, #tpu.memory_space<hbm>>) target(%arg5 : memref<64xi32, #tpu.memory_space<vmem>>) target_semaphore(%run_scoped3A : memref<!tpu.dma_semaphore, #tpu.memory_space<semaphore_mem>>)
      %dma_wait3A_43 = tpu.memref_slice %arg3[%add3A_4] : memref<8192xi32, #tpu.memory_space<hbm>> -> memref<64xi32, #tpu.memory_space<hbm>>
      %dma_wait3A_44 = tpu.memref_slice %arg3[%add3A_4] : memref<8192xi32, #tpu.memory_space<hbm>> -> memref<64xi32, #tpu.memory_space<hbm>>
      tpu.wait_dma2 semaphore(%run_scoped3A : memref<!tpu.dma_semaphore, #tpu.memory_space<semaphore_mem>>) src(%dma_wait3A_44 : memref<64xi32, #tpu.memory_space<hbm>>) dst(%arg5 : memref<64xi32, #tpu.memory_space<vmem>>)
      tpu.yield
    }) : () -> ()
    %dma_start3A = arith.constant 0 : i32
    %dma_start3A_5 = arith.constant 0 : i32
    %dma_start3A_6 = tpu.memref_slice %arg2[%dma_start3A, %dma_start3A_5] : memref<2048x768xf32, #tpu.memory_space<hbm>> -> memref<2048x768xf32, #tpu.memory_space<hbm>>
    tpu.enqueue_indirect_dma source(%dma_start3A_6 : memref<2048x768xf32, #tpu.memory_space<hbm>>) target(%arg7 : memref<64x768xf32, #tpu.memory_space<vmem>>) offsets(%arg5 : memref<64xi32, #tpu.memory_space<vmem>>) semaphore(%arg9 : memref<!tpu.dma_semaphore, #tpu.memory_space<semaphore_mem>>)
    %add3A_7 = arith.constant 64 : i32
    %add3A_8 = arith.addi %mul3A_2, %add3A_7 : i32
    "tpu.region"() ({
      %run_scoped3A = tpu.sem_alloc : memref<!tpu.dma_semaphore, #tpu.memory_space<semaphore_mem>>
      %dma_start3A_41 = tpu.memref_slice %arg3[%add3A_8] : memref<8192xi32, #tpu.memory_space<hbm>> -> memref<64xi32, #tpu.memory_space<hbm>>
      %dma_start3A_42 = tpu.memref_slice %arg3[%add3A_8] : memref<8192xi32, #tpu.memory_space<hbm>> -> memref<64xi32, #tpu.memory_space<hbm>>
      tpu.enqueue_dma source(%dma_start3A_42 : memref<64xi32, #tpu.memory_space<hbm>>) target(%arg6 : memref<64xi32, #tpu.memory_space<vmem>>) target_semaphore(%run_scoped3A : memref<!tpu.dma_semaphore, #tpu.memory_space<semaphore_mem>>)
      %dma_wait3A_43 = tpu.memref_slice %arg3[%add3A_8] : memref<8192xi32, #tpu.memory_space<hbm>> -> memref<64xi32, #tpu.memory_space<hbm>>
      %dma_wait3A_44 = tpu.memref_slice %arg3[%add3A_8] : memref<8192xi32, #tpu.memory_space<hbm>> -> memref<64xi32, #tpu.memory_space<hbm>>
      tpu.wait_dma2 semaphore(%run_scoped3A : memref<!tpu.dma_semaphore, #tpu.memory_space<semaphore_mem>>) src(%dma_wait3A_44 : memref<64xi32, #tpu.memory_space<hbm>>) dst(%arg6 : memref<64xi32, #tpu.memory_space<vmem>>)
      tpu.yield
    }) : () -> ()
    %dma_start3A_9 = arith.constant 0 : i32
    %dma_start3A_10 = arith.constant 0 : i32
    %dma_start3A_11 = tpu.memref_slice %arg2[%dma_start3A_9, %dma_start3A_10] : memref<2048x768xf32, #tpu.memory_space<hbm>> -> memref<2048x768xf32, #tpu.memory_space<hbm>>
    tpu.enqueue_indirect_dma source(%dma_start3A_11 : memref<2048x768xf32, #tpu.memory_space<hbm>>) target(%arg8 : memref<64x768xf32, #tpu.memory_space<vmem>>) offsets(%arg6 : memref<64xi32, #tpu.memory_space<vmem>>) semaphore(%arg10 : memref<!tpu.dma_semaphore, #tpu.memory_space<semaphore_mem>>)
    %dma_wait3A = arith.constant 0 : i32
    %dma_wait3A_12 = arith.constant 0 : i32
    %dma_wait3A_13 = tpu.memref_slice %arg2[%dma_wait3A, %dma_wait3A_12] : memref<2048x768xf32, #tpu.memory_space<hbm>> -> memref<2048x768xf32, #tpu.memory_space<hbm>>
    tpu.wait_indirect_dma semaphore(%arg9 : memref<!tpu.dma_semaphore, #tpu.memory_space<semaphore_mem>>) src(%dma_wait3A_13 : memref<2048x768xf32, #tpu.memory_space<hbm>>) dst(%arg7 : memref<64x768xf32, #tpu.memory_space<vmem>>)
    %add3A_14 = arith.constant 0 : i32
    %add3A_15 = arith.addi %mul3A_2, %add3A_14 : i32
    "tpu.region"() ({
      %run_scoped3A = tpu.sem_alloc : memref<!tpu.dma_semaphore, #tpu.memory_space<semaphore_mem>>
      %dma_start3A_41 = arith.constant 0 : i32
      %dma_start3A_42 = tpu.memref_slice %arg4[%add3A_15, %dma_start3A_41] : memref<8192x768xf32, #tpu.memory_space<hbm>> -> memref<64x768xf32, #tpu.memory_space<hbm>>
      %dma_start3A_43 = arith.constant 0 : i32
      %dma_start3A_44 = tpu.memref_slice %arg4[%add3A_15, %dma_start3A_43] : memref<8192x768xf32, #tpu.memory_space<hbm>> -> memref<64x768xf32, #tpu.memory_space<hbm>>
      tpu.enqueue_dma source(%arg7 : memref<64x768xf32, #tpu.memory_space<vmem>>) target(%dma_start3A_44 : memref<64x768xf32, #tpu.memory_space<hbm>>) target_semaphore(%run_scoped3A : memref<!tpu.dma_semaphore, #tpu.memory_space<semaphore_mem>>)
      %dma_wait3A_45 = arith.constant 0 : i32
      %dma_wait3A_46 = tpu.memref_slice %arg4[%add3A_15, %dma_wait3A_45] : memref<8192x768xf32, #tpu.memory_space<hbm>> -> memref<64x768xf32, #tpu.memory_space<hbm>>
      %dma_wait3A_47 = arith.constant 0 : i32
      %dma_wait3A_48 = tpu.memref_slice %arg4[%add3A_15, %dma_wait3A_47] : memref<8192x768xf32, #tpu.memory_space<hbm>> -> memref<64x768xf32, #tpu.memory_space<hbm>>
      tpu.wait_dma2 semaphore(%run_scoped3A : memref<!tpu.dma_semaphore, #tpu.memory_space<semaphore_mem>>) src(%arg7 : memref<64x768xf32, #tpu.memory_space<vmem>>) dst(%dma_wait3A_48 : memref<64x768xf32, #tpu.memory_space<hbm>>)
      tpu.yield
    }) : () -> ()
    %add3A_16 = arith.constant 128 : i32
    %add3A_17 = arith.addi %mul3A_2, %add3A_16 : i32
    "tpu.region"() ({
      %run_scoped3A = tpu.sem_alloc : memref<!tpu.dma_semaphore, #tpu.memory_space<semaphore_mem>>
      %dma_start3A_41 = tpu.memref_slice %arg3[%add3A_17] : memref<8192xi32, #tpu.memory_space<hbm>> -> memref<64xi32, #tpu.memory_space<hbm>>
      %dma_start3A_42 = tpu.memref_slice %arg3[%add3A_17] : memref<8192xi32, #tpu.memory_space<hbm>> -> memref<64xi32, #tpu.memory_space<hbm>>
      tpu.enqueue_dma source(%dma_start3A_42 : memref<64xi32, #tpu.memory_space<hbm>>) target(%arg5 : memref<64xi32, #tpu.memory_space<vmem>>) target_semaphore(%run_scoped3A : memref<!tpu.dma_semaphore, #tpu.memory_space<semaphore_mem>>)
      %dma_wait3A_43 = tpu.memref_slice %arg3[%add3A_17] : memref<8192xi32, #tpu.memory_space<hbm>> -> memref<64xi32, #tpu.memory_space<hbm>>
      %dma_wait3A_44 = tpu.memref_slice %arg3[%add3A_17] : memref<8192xi32, #tpu.memory_space<hbm>> -> memref<64xi32, #tpu.memory_space<hbm>>
      tpu.wait_dma2 semaphore(%run_scoped3A : memref<!tpu.dma_semaphore, #tpu.memory_space<semaphore_mem>>) src(%dma_wait3A_44 : memref<64xi32, #tpu.memory_space<hbm>>) dst(%arg5 : memref<64xi32, #tpu.memory_space<vmem>>)
      tpu.yield
    }) : () -> ()
    %dma_start3A_18 = arith.constant 0 : i32
    %dma_start3A_19 = arith.constant 0 : i32
    %dma_start3A_20 = tpu.memref_slice %arg2[%dma_start3A_18, %dma_start3A_19] : memref<2048x768xf32, #tpu.memory_space<hbm>> -> memref<2048x768xf32, #tpu.memory_space<hbm>>
    tpu.enqueue_indirect_dma source(%dma_start3A_20 : memref<2048x768xf32, #tpu.memory_space<hbm>>) target(%arg7 : memref<64x768xf32, #tpu.memory_space<vmem>>) offsets(%arg5 : memref<64xi32, #tpu.memory_space<vmem>>) semaphore(%arg9 : memref<!tpu.dma_semaphore, #tpu.memory_space<semaphore_mem>>)
    %dma_wait3A_21 = arith.constant 0 : i32
    %dma_wait3A_22 = arith.constant 0 : i32
    %dma_wait3A_23 = tpu.memref_slice %arg2[%dma_wait3A_21, %dma_wait3A_22] : memref<2048x768xf32, #tpu.memory_space<hbm>> -> memref<2048x768xf32, #tpu.memory_space<hbm>>
    tpu.wait_indirect_dma semaphore(%arg10 : memref<!tpu.dma_semaphore, #tpu.memory_space<semaphore_mem>>) src(%dma_wait3A_23 : memref<2048x768xf32, #tpu.memory_space<hbm>>) dst(%arg8 : memref<64x768xf32, #tpu.memory_space<vmem>>)
    %add3A_24 = arith.constant 64 : i32
    %add3A_25 = arith.addi %mul3A_2, %add3A_24 : i32
    "tpu.region"() ({
      %run_scoped3A = tpu.sem_alloc : memref<!tpu.dma_semaphore, #tpu.memory_space<semaphore_mem>>
      %dma_start3A_41 = arith.constant 0 : i32
      %dma_start3A_42 = tpu.memref_slice %arg4[%add3A_25, %dma_start3A_41] : memref<8192x768xf32, #tpu.memory_space<hbm>> -> memref<64x768xf32, #tpu.memory_space<hbm>>
      %dma_start3A_43 = arith.constant 0 : i32
      %dma_start3A_44 = tpu.memref_slice %arg4[%add3A_25, %dma_start3A_43] : memref<8192x768xf32, #tpu.memory_space<hbm>> -> memref<64x768xf32, #tpu.memory_space<hbm>>
      tpu.enqueue_dma source(%arg8 : memref<64x768xf32, #tpu.memory_space<vmem>>) target(%dma_start3A_44 : memref<64x768xf32, #tpu.memory_space<hbm>>) target_semaphore(%run_scoped3A : memref<!tpu.dma_semaphore, #tpu.memory_space<semaphore_mem>>)
      %dma_wait3A_45 = arith.constant 0 : i32
      %dma_wait3A_46 = tpu.memref_slice %arg4[%add3A_25, %dma_wait3A_45] : memref<8192x768xf32, #tpu.memory_space<hbm>> -> memref<64x768xf32, #tpu.memory_space<hbm>>
      %dma_wait3A_47 = arith.constant 0 : i32
      %dma_wait3A_48 = tpu.memref_slice %arg4[%add3A_25, %dma_wait3A_47] : memref<8192x768xf32, #tpu.memory_space<hbm>> -> memref<64x768xf32, #tpu.memory_space<hbm>>
      tpu.wait_dma2 semaphore(%run_scoped3A : memref<!tpu.dma_semaphore, #tpu.memory_space<semaphore_mem>>) src(%arg8 : memref<64x768xf32, #tpu.memory_space<vmem>>) dst(%dma_wait3A_48 : memref<64x768xf32, #tpu.memory_space<hbm>>)
      tpu.yield
    }) : () -> ()
    %add3A_26 = arith.constant 192 : i32
    %add3A_27 = arith.addi %mul3A_2, %add3A_26 : i32
    "tpu.region"() ({
      %run_scoped3A = tpu.sem_alloc : memref<!tpu.dma_semaphore, #tpu.memory_space<semaphore_mem>>
      %dma_start3A_41 = tpu.memref_slice %arg3[%add3A_27] : memref<8192xi32, #tpu.memory_space<hbm>> -> memref<64xi32, #tpu.memory_space<hbm>>
      %dma_start3A_42 = tpu.memref_slice %arg3[%add3A_27] : memref<8192xi32, #tpu.memory_space<hbm>> -> memref<64xi32, #tpu.memory_space<hbm>>
      tpu.enqueue_dma source(%dma_start3A_42 : memref<64xi32, #tpu.memory_space<hbm>>) target(%arg6 : memref<64xi32, #tpu.memory_space<vmem>>) target_semaphore(%run_scoped3A : memref<!tpu.dma_semaphore, #tpu.memory_space<semaphore_mem>>)
      %dma_wait3A_43 = tpu.memref_slice %arg3[%add3A_27] : memref<8192xi32, #tpu.memory_space<hbm>> -> memref<64xi32, #tpu.memory_space<hbm>>
      %dma_wait3A_44 = tpu.memref_slice %arg3[%add3A_27] : memref<8192xi32, #tpu.memory_space<hbm>> -> memref<64xi32, #tpu.memory_space<hbm>>
      tpu.wait_dma2 semaphore(%run_scoped3A : memref<!tpu.dma_semaphore, #tpu.memory_space<semaphore_mem>>) src(%dma_wait3A_44 : memref<64xi32, #tpu.memory_space<hbm>>) dst(%arg6 : memref<64xi32, #tpu.memory_space<vmem>>)
      tpu.yield
    }) : () -> ()
    %dma_start3A_28 = arith.constant 0 : i32
    %dma_start3A_29 = arith.constant 0 : i32
    %dma_start3A_30 = tpu.memref_slice %arg2[%dma_start3A_28, %dma_start3A_29] : memref<2048x768xf32, #tpu.memory_space<hbm>> -> memref<2048x768xf32, #tpu.memory_space<hbm>>
    tpu.enqueue_indirect_dma source(%dma_start3A_30 : memref<2048x768xf32, #tpu.memory_space<hbm>>) target(%arg8 : memref<64x768xf32, #tpu.memory_space<vmem>>) offsets(%arg6 : memref<64xi32, #tpu.memory_space<vmem>>) semaphore(%arg10 : memref<!tpu.dma_semaphore, #tpu.memory_space<semaphore_mem>>)
    %dma_wait3A_31 = arith.constant 0 : i32
    %dma_wait3A_32 = arith.constant 0 : i32
    %dma_wait3A_33 = tpu.memref_slice %arg2[%dma_wait3A_31, %dma_wait3A_32] : memref<2048x768xf32, #tpu.memory_space<hbm>> -> memref<2048x768xf32, #tpu.memory_space<hbm>>
    tpu.wait_indirect_dma semaphore(%arg9 : memref<!tpu.dma_semaphore, #tpu.memory_space<semaphore_mem>>) src(%dma_wait3A_33 : memref<2048x768xf32, #tpu.memory_space<hbm>>) dst(%arg7 : memref<64x768xf32, #tpu.memory_space<vmem>>)
    %add3A_34 = arith.constant 128 : i32
    %add3A_35 = arith.addi %mul3A_2, %add3A_34 : i32
    "tpu.region"() ({
      %run_scoped3A = tpu.sem_alloc : memref<!tpu.dma_semaphore, #tpu.memory_space<semaphore_mem>>
      %dma_start3A_41 = arith.constant 0 : i32
      %dma_start3A_42 = tpu.memref_slice %arg4[%add3A_35, %dma_start3A_41] : memref<8192x768xf32, #tpu.memory_space<hbm>> -> memref<64x768xf32, #tpu.memory_space<hbm>>
      %dma_start3A_43 = arith.constant 0 : i32
      %dma_start3A_44 = tpu.memref_slice %arg4[%add3A_35, %dma_start3A_43] : memref<8192x768xf32, #tpu.memory_space<hbm>> -> memref<64x768xf32, #tpu.memory_space<hbm>>
      tpu.enqueue_dma source(%arg7 : memref<64x768xf32, #tpu.memory_space<vmem>>) target(%dma_start3A_44 : memref<64x768xf32, #tpu.memory_space<hbm>>) target_semaphore(%run_scoped3A : memref<!tpu.dma_semaphore, #tpu.memory_space<semaphore_mem>>)
      %dma_wait3A_45 = arith.constant 0 : i32
      %dma_wait3A_46 = tpu.memref_slice %arg4[%add3A_35, %dma_wait3A_45] : memref<8192x768xf32, #tpu.memory_space<hbm>> -> memref<64x768xf32, #tpu.memory_space<hbm>>
      %dma_wait3A_47 = arith.constant 0 : i32
      %dma_wait3A_48 = tpu.memref_slice %arg4[%add3A_35, %dma_wait3A_47] : memref<8192x768xf32, #tpu.memory_space<hbm>> -> memref<64x768xf32, #tpu.memory_space<hbm>>
      tpu.wait_dma2 semaphore(%run_scoped3A : memref<!tpu.dma_semaphore, #tpu.memory_space<semaphore_mem>>) src(%arg7 : memref<64x768xf32, #tpu.memory_space<vmem>>) dst(%dma_wait3A_48 : memref<64x768xf32, #tpu.memory_space<hbm>>)
      tpu.yield
    }) : () -> ()
    %dma_wait3A_36 = arith.constant 0 : i32
    %dma_wait3A_37 = arith.constant 0 : i32
    %dma_wait3A_38 = tpu.memref_slice %arg2[%dma_wait3A_36, %dma_wait3A_37] : memref<2048x768xf32, #tpu.memory_space<hbm>> -> memref<2048x768xf32, #tpu.memory_space<hbm>>
    tpu.wait_indirect_dma semaphore(%arg10 : memref<!tpu.dma_semaphore, #tpu.memory_space<semaphore_mem>>) src(%dma_wait3A_38 : memref<2048x768xf32, #tpu.memory_space<hbm>>) dst(%arg8 : memref<64x768xf32, #tpu.memory_space<vmem>>)
    %add3A_39 = arith.constant 192 : i32
    %add3A_40 = arith.addi %mul3A_2, %add3A_39 : i32
    "tpu.region"() ({
      %run_scoped3A = tpu.sem_alloc : memref<!tpu.dma_semaphore, #tpu.memory_space<semaphore_mem>>
      %dma_start3A_41 = arith.constant 0 : i32
      %dma_start3A_42 = tpu.memref_slice %arg4[%add3A_40, %dma_start3A_41] : memref<8192x768xf32, #tpu.memory_space<hbm>> -> memref<64x768xf32, #tpu.memory_space<hbm>>
      %dma_start3A_43 = arith.constant 0 : i32
      %dma_start3A_44 = tpu.memref_slice %arg4[%add3A_40, %dma_start3A_43] : memref<8192x768xf32, #tpu.memory_space<hbm>> -> memref<64x768xf32, #tpu.memory_space<hbm>>
      tpu.enqueue_dma source(%arg8 : memref<64x768xf32, #tpu.memory_space<vmem>>) target(%dma_start3A_44 : memref<64x768xf32, #tpu.memory_space<hbm>>) target_semaphore(%run_scoped3A : memref<!tpu.dma_semaphore, #tpu.memory_space<semaphore_mem>>)
      %dma_wait3A_45 = arith.constant 0 : i32
      %dma_wait3A_46 = tpu.memref_slice %arg4[%add3A_40, %dma_wait3A_45] : memref<8192x768xf32, #tpu.memory_space<hbm>> -> memref<64x768xf32, #tpu.memory_space<hbm>>
      %dma_wait3A_47 = arith.constant 0 : i32
      %dma_wait3A_48 = tpu.memref_slice %arg4[%add3A_40, %dma_wait3A_47] : memref<8192x768xf32, #tpu.memory_space<hbm>> -> memref<64x768xf32, #tpu.memory_space<hbm>>
      tpu.wait_dma2 semaphore(%run_scoped3A : memref<!tpu.dma_semaphore, #tpu.memory_space<semaphore_mem>>) src(%arg8 : memref<64x768xf32, #tpu.memory_space<vmem>>) dst(%dma_wait3A_48 : memref<64x768xf32, #tpu.memory_space<hbm>>)
      tpu.yield
    }) : () -> ()
    return
  }
}

#map = affine_map<(d0, d1) -> (0)>
module attributes {stable_mosaic.version = 14 : i64} {
  func.func @k(%arg0: i32, %arg1: i32, %arg2: memref<4096xi32, #tpu.memory_space<hbm>>, %arg3: memref<4096xf32, #tpu.memory_space<hbm>>, %arg4: memref<8192xi32, #tpu.memory_space<hbm>>, %arg5: memref<8192xf32, #tpu.memory_space<hbm>>, %arg6: memref<4096xi32, #tpu.memory_space<vmem>>, %arg7: memref<4096xf32, #tpu.memory_space<vmem>>, %arg8: memref<256xi32, #tpu.memory_space<vmem>>, %arg9: memref<256xf32, #tpu.memory_space<vmem>>) attributes {dimension_semantics = [#tpu.dimension_semantics<core_parallel>, #tpu.dimension_semantics<subcore_parallel>], iteration_bounds = array<i64: 2, 16>, scalar_prefetch = 0 : i64, scratch_operands = 4 : i64, tpu.core_type = #tpu.core_type<sc_vector_subcore>, window_params = [{transform_indices = #map}, {transform_indices = #map}, {transform_indices = #map}, {transform_indices = #map}]} {
    %mul3A = arith.constant 2 : i32
    %mul3A_0 = arith.muli %arg1, %mul3A : i32
    %add3A = arith.addi %mul3A_0, %arg0 : i32
    %mul3A_1 = arith.constant 256 : i32
    %mul3A_2 = arith.muli %add3A, %mul3A_1 : i32
    "tpu.region"() ({
      %run_scoped3A = tpu.sem_alloc : memref<!tpu.dma_semaphore, #tpu.memory_space<semaphore_mem>>
      tpu.enqueue_dma source(%arg2 : memref<4096xi32, #tpu.memory_space<hbm>>) target(%arg6 : memref<4096xi32, #tpu.memory_space<vmem>>) target_semaphore(%run_scoped3A : memref<!tpu.dma_semaphore, #tpu.memory_space<semaphore_mem>>)
      tpu.wait_dma2 semaphore(%run_scoped3A : memref<!tpu.dma_semaphore, #tpu.memory_space<semaphore_mem>>) src(%arg2 : memref<4096xi32, #tpu.memory_space<hbm>>) dst(%arg6 : memref<4096xi32, #tpu.memory_space<vmem>>)
      tpu.yield
    }) : () -> ()
    "tpu.region"() ({
      %run_scoped3A = tpu.sem_alloc : memref<!tpu.dma_semaphore, #tpu.memory_space<semaphore_mem>>
      tpu.enqueue_dma source(%arg3 : memref<4096xf32, #tpu.memory_space<hbm>>) target(%arg7 : memref<4096xf32, #tpu.memory_space<vmem>>) target_semaphore(%run_scoped3A : memref<!tpu.dma_semaphore, #tpu.memory_space<semaphore_mem>>)
      tpu.wait_dma2 semaphore(%run_scoped3A : memref<!tpu.dma_semaphore, #tpu.memory_space<semaphore_mem>>) src(%arg3 : memref<4096xf32, #tpu.memory_space<hbm>>) dst(%arg7 : memref<4096xf32, #tpu.memory_space<vmem>>)
      tpu.yield
    }) : () -> ()
    %add3A_3 = arith.constant 0 : i32
    %add3A_4 = arith.addi %mul3A_2, %add3A_3 : i32
    %iota3A = tpu.iota {dimensions = array<i32: 0>} : vector<16xi32>
    %add3A_5 = vector.broadcast %add3A_4 : i32 to vector<16xi32>
    %add3A_6 = arith.addi %add3A_5, %iota3A : vector<16xi32>
    %and3A = arith.constant 2047 : i32
    %and3A_7 = vector.broadcast %and3A : i32 to vector<16xi32>
    %and3A_8 = arith.andi %add3A_6, %and3A_7 : vector<16xi32>
    %swap3A = arith.constant 0 : index
    %swap3A_9 = tpu.vector_load %arg8[%swap3A] {strides = array<i32>} : memref<256xi32, #tpu.memory_space<vmem>>, vector<16xi32>,
    tpu.vector_store %arg8[%swap3A], %and3A_8 {strides = array<i32>} : memref<256xi32, #tpu.memory_space<vmem>>, vector<16xi32>,
    %broadcast_in_dim3A = arith.constant 0.000000e+00 : f32
    %broadcast_in_dim3A_10 = vector.broadcast %broadcast_in_dim3A : f32 to vector<16xf32>
    %swap3A_11 = arith.constant 0 : index
    %swap3A_12 = tpu.vector_load %arg9[%swap3A_11] {strides = array<i32>} : memref<256xf32, #tpu.memory_space<vmem>>, vector<16xf32>,
    tpu.vector_store %arg9[%swap3A_11], %broadcast_in_dim3A_10 {strides = array<i32>} : memref<256xf32, #tpu.memory_space<vmem>>, vector<16xf32>,
    %add3A_13 = arith.constant 16 : i32
    %add3A_14 = arith.addi %mul3A_2, %add3A_13 : i32
    %iota3A_15 = tpu.iota {dimensions = array<i32: 0>} : vector<16xi32>
    %add3A_16 = vector.broadcast %add3A_14 : i32 to vector<16xi32>
    %add3A_17 = arith.addi %add3A_16, %iota3A_15 : vector<16xi32>
    %and3A_18 = arith.constant 2047 : i32
    %and3A_19 = vector.broadcast %and3A_18 : i32 to vector<16xi32>
    %and3A_20 = arith.andi %add3A_17, %and3A_19 : vector<16xi32>
    %swap3A_21 = arith.constant 16 : index
    %swap3A_22 = tpu.vector_load %arg8[%swap3A_21] {strides = array<i32>} : memref<256xi32, #tpu.memory_space<vmem>>, vector<16xi32>,
    tpu.vector_store %arg8[%swap3A_21], %and3A_20 {strides = array<i32>} : memref<256xi32, #tpu.memory_space<vmem>>, vector<16xi32>,
    %broadcast_in_dim3A_23 = arith.constant 0.000000e+00 : f32
    %broadcast_in_dim3A_24 = vector.broadcast %broadcast_in_dim3A_23 : f32 to vector<16xf32>
    %swap3A_25 = arith.constant 16 : index
    %swap3A_26 = tpu.vector_load %arg9[%swap3A_25] {strides = array<i32>} : memref<256xf32, #tpu.memory_space<vmem>>, vector<16xf32>,
    tpu.vector_store %arg9[%swap3A_25], %broadcast_in_dim3A_24 {strides = array<i32>} : memref<256xf32, #tpu.memory_space<vmem>>, vector<16xf32>,
    %add3A_27 = arith.constant 32 : i32
    %add3A_28 = arith.addi %mul3A_2, %add3A_27 : i32
    %iota3A_29 = tpu.iota {dimensions = array<i32: 0>} : vector<16xi32>
    %add3A_30 = vector.broadcast %add3A_28 : i32 to vector<16xi32>
    %add3A_31 = arith.addi %add3A_30, %iota3A_29 : vector<16xi32>
    %and3A_32 = arith.constant 2047 : i32
    %and3A_33 = vector.broadcast %and3A_32 : i32 to vector<16xi32>
    %and3A_34 = arith.andi %add3A_31, %and3A_33 : vector<16xi32>
    %swap3A_35 = arith.constant 32 : index
    %swap3A_36 = tpu.vector_load %arg8[%swap3A_35] {strides = array<i32>} : memref<256xi32, #tpu.memory_space<vmem>>, vector<16xi32>,
    tpu.vector_store %arg8[%swap3A_35], %and3A_34 {strides = array<i32>} : memref<256xi32, #tpu.memory_space<vmem>>, vector<16xi32>,
    %broadcast_in_dim3A_37 = arith.constant 0.000000e+00 : f32
    %broadcast_in_dim3A_38 = vector.broadcast %broadcast_in_dim3A_37 : f32 to vector<16xf32>
    %swap3A_39 = arith.constant 32 : index
    %swap3A_40 = tpu.vector_load %arg9[%swap3A_39] {strides = array<i32>} : memref<256xf32, #tpu.memory_space<vmem>>, vector<16xf32>,
    tpu.vector_store %arg9[%swap3A_39], %broadcast_in_dim3A_38 {strides = array<i32>} : memref<256xf32, #tpu.memory_space<vmem>>, vector<16xf32>,
    %add3A_41 = arith.constant 48 : i32
    %add3A_42 = arith.addi %mul3A_2, %add3A_41 : i32
    %iota3A_43 = tpu.iota {dimensions = array<i32: 0>} : vector<16xi32>
    %add3A_44 = vector.broadcast %add3A_42 : i32 to vector<16xi32>
    %add3A_45 = arith.addi %add3A_44, %iota3A_43 : vector<16xi32>
    %and3A_46 = arith.constant 2047 : i32
    %and3A_47 = vector.broadcast %and3A_46 : i32 to vector<16xi32>
    %and3A_48 = arith.andi %add3A_45, %and3A_47 : vector<16xi32>
    %swap3A_49 = arith.constant 48 : index
    %swap3A_50 = tpu.vector_load %arg8[%swap3A_49] {strides = array<i32>} : memref<256xi32, #tpu.memory_space<vmem>>, vector<16xi32>,
    tpu.vector_store %arg8[%swap3A_49], %and3A_48 {strides = array<i32>} : memref<256xi32, #tpu.memory_space<vmem>>, vector<16xi32>,
    %broadcast_in_dim3A_51 = arith.constant 0.000000e+00 : f32
    %broadcast_in_dim3A_52 = vector.broadcast %broadcast_in_dim3A_51 : f32 to vector<16xf32>
    %swap3A_53 = arith.constant 48 : index
    %swap3A_54 = tpu.vector_load %arg9[%swap3A_53] {strides = array<i32>} : memref<256xf32, #tpu.memory_space<vmem>>, vector<16xf32>,
    tpu.vector_store %arg9[%swap3A_53], %broadcast_in_dim3A_52 {strides = array<i32>} : memref<256xf32, #tpu.memory_space<vmem>>, vector<16xf32>,
    %add3A_55 = arith.constant 64 : i32
    %add3A_56 = arith.addi %mul3A_2, %add3A_55 : i32
    %iota3A_57 = tpu.iota {dimensions = array<i32: 0>} : vector<16xi32>
    %add3A_58 = vector.broadcast %add3A_56 : i32 to vector<16xi32>
    %add3A_59 = arith.addi %add3A_58, %iota3A_57 : vector<16xi32>
    %and3A_60 = arith.constant 2047 : i32
    %and3A_61 = vector.broadcast %and3A_60 : i32 to vector<16xi32>
    %and3A_62 = arith.andi %add3A_59, %and3A_61 : vector<16xi32>
    %swap3A_63 = arith.constant 64 : index
    %swap3A_64 = tpu.vector_load %arg8[%swap3A_63] {strides = array<i32>} : memref<256xi32, #tpu.memory_space<vmem>>, vector<16xi32>,
    tpu.vector_store %arg8[%swap3A_63], %and3A_62 {strides = array<i32>} : memref<256xi32, #tpu.memory_space<vmem>>, vector<16xi32>,
    %broadcast_in_dim3A_65 = arith.constant 0.000000e+00 : f32
    %broadcast_in_dim3A_66 = vector.broadcast %broadcast_in_dim3A_65 : f32 to vector<16xf32>
    %swap3A_67 = arith.constant 64 : index
    %swap3A_68 = tpu.vector_load %arg9[%swap3A_67] {strides = array<i32>} : memref<256xf32, #tpu.memory_space<vmem>>, vector<16xf32>,
    tpu.vector_store %arg9[%swap3A_67], %broadcast_in_dim3A_66 {strides = array<i32>} : memref<256xf32, #tpu.memory_space<vmem>>, vector<16xf32>,
    %add3A_69 = arith.constant 80 : i32
    %add3A_70 = arith.addi %mul3A_2, %add3A_69 : i32
    %iota3A_71 = tpu.iota {dimensions = array<i32: 0>} : vector<16xi32>
    %add3A_72 = vector.broadcast %add3A_70 : i32 to vector<16xi32>
    %add3A_73 = arith.addi %add3A_72, %iota3A_71 : vector<16xi32>
    %and3A_74 = arith.constant 2047 : i32
    %and3A_75 = vector.broadcast %and3A_74 : i32 to vector<16xi32>
    %and3A_76 = arith.andi %add3A_73, %and3A_75 : vector<16xi32>
    %swap3A_77 = arith.constant 80 : index
    %swap3A_78 = tpu.vector_load %arg8[%swap3A_77] {strides = array<i32>} : memref<256xi32, #tpu.memory_space<vmem>>, vector<16xi32>,
    tpu.vector_store %arg8[%swap3A_77], %and3A_76 {strides = array<i32>} : memref<256xi32, #tpu.memory_space<vmem>>, vector<16xi32>,
    %broadcast_in_dim3A_79 = arith.constant 0.000000e+00 : f32
    %broadcast_in_dim3A_80 = vector.broadcast %broadcast_in_dim3A_79 : f32 to vector<16xf32>
    %swap3A_81 = arith.constant 80 : index
    %swap3A_82 = tpu.vector_load %arg9[%swap3A_81] {strides = array<i32>} : memref<256xf32, #tpu.memory_space<vmem>>, vector<16xf32>,
    tpu.vector_store %arg9[%swap3A_81], %broadcast_in_dim3A_80 {strides = array<i32>} : memref<256xf32, #tpu.memory_space<vmem>>, vector<16xf32>,
    %add3A_83 = arith.constant 96 : i32
    %add3A_84 = arith.addi %mul3A_2, %add3A_83 : i32
    %iota3A_85 = tpu.iota {dimensions = array<i32: 0>} : vector<16xi32>
    %add3A_86 = vector.broadcast %add3A_84 : i32 to vector<16xi32>
    %add3A_87 = arith.addi %add3A_86, %iota3A_85 : vector<16xi32>
    %and3A_88 = arith.constant 2047 : i32
    %and3A_89 = vector.broadcast %and3A_88 : i32 to vector<16xi32>
    %and3A_90 = arith.andi %add3A_87, %and3A_89 : vector<16xi32>
    %swap3A_91 = arith.constant 96 : index
    %swap3A_92 = tpu.vector_load %arg8[%swap3A_91] {strides = array<i32>} : memref<256xi32, #tpu.memory_space<vmem>>, vector<16xi32>,
    tpu.vector_store %arg8[%swap3A_91], %and3A_90 {strides = array<i32>} : memref<256xi32, #tpu.memory_space<vmem>>, vector<16xi32>,
    %broadcast_in_dim3A_93 = arith.constant 0.000000e+00 : f32
    %broadcast_in_dim3A_94 = vector.broadcast %broadcast_in_dim3A_93 : f32 to vector<16xf32>
    %swap3A_95 = arith.constant 96 : index
    %swap3A_96 = tpu.vector_load %arg9[%swap3A_95] {strides = array<i32>} : memref<256xf32, #tpu.memory_space<vmem>>, vector<16xf32>,
    tpu.vector_store %arg9[%swap3A_95], %broadcast_in_dim3A_94 {strides = array<i32>} : memref<256xf32, #tpu.memory_space<vmem>>, vector<16xf32>,
    %add3A_97 = arith.constant 112 : i32
    %add3A_98 = arith.addi %mul3A_2, %add3A_97 : i32
    %iota3A_99 = tpu.iota {dimensions = array<i32: 0>} : vector<16xi32>
    %add3A_100 = vector.broadcast %add3A_98 : i32 to vector<16xi32>
    %add3A_101 = arith.addi %add3A_100, %iota3A_99 : vector<16xi32>
    %and3A_102 = arith.constant 2047 : i32
    %and3A_103 = vector.broadcast %and3A_102 : i32 to vector<16xi32>
    %and3A_104 = arith.andi %add3A_101, %and3A_103 : vector<16xi32>
    %swap3A_105 = arith.constant 112 : index
    %swap3A_106 = tpu.vector_load %arg8[%swap3A_105] {strides = array<i32>} : memref<256xi32, #tpu.memory_space<vmem>>, vector<16xi32>,
    tpu.vector_store %arg8[%swap3A_105], %and3A_104 {strides = array<i32>} : memref<256xi32, #tpu.memory_space<vmem>>, vector<16xi32>,
    %broadcast_in_dim3A_107 = arith.constant 0.000000e+00 : f32
    %broadcast_in_dim3A_108 = vector.broadcast %broadcast_in_dim3A_107 : f32 to vector<16xf32>
    %swap3A_109 = arith.constant 112 : index
    %swap3A_110 = tpu.vector_load %arg9[%swap3A_109] {strides = array<i32>} : memref<256xf32, #tpu.memory_space<vmem>>, vector<16xf32>,
    tpu.vector_store %arg9[%swap3A_109], %broadcast_in_dim3A_108 {strides = array<i32>} : memref<256xf32, #tpu.memory_space<vmem>>, vector<16xf32>,
    %add3A_111 = arith.constant 128 : i32
    %add3A_112 = arith.addi %mul3A_2, %add3A_111 : i32
    %iota3A_113 = tpu.iota {dimensions = array<i32: 0>} : vector<16xi32>
    %add3A_114 = vector.broadcast %add3A_112 : i32 to vector<16xi32>
    %add3A_115 = arith.addi %add3A_114, %iota3A_113 : vector<16xi32>
    %and3A_116 = arith.constant 2047 : i32
    %and3A_117 = vector.broadcast %and3A_116 : i32 to vector<16xi32>
    %and3A_118 = arith.andi %add3A_115, %and3A_117 : vector<16xi32>
    %swap3A_119 = arith.constant 128 : index
    %swap3A_120 = tpu.vector_load %arg8[%swap3A_119] {strides = array<i32>} : memref<256xi32, #tpu.memory_space<vmem>>, vector<16xi32>,
    tpu.vector_store %arg8[%swap3A_119], %and3A_118 {strides = array<i32>} : memref<256xi32, #tpu.memory_space<vmem>>, vector<16xi32>,
    %broadcast_in_dim3A_121 = arith.constant 0.000000e+00 : f32
    %broadcast_in_dim3A_122 = vector.broadcast %broadcast_in_dim3A_121 : f32 to vector<16xf32>
    %swap3A_123 = arith.constant 128 : index
    %swap3A_124 = tpu.vector_load %arg9[%swap3A_123] {strides = array<i32>} : memref<256xf32, #tpu.memory_space<vmem>>, vector<16xf32>,
    tpu.vector_store %arg9[%swap3A_123], %broadcast_in_dim3A_122 {strides = array<i32>} : memref<256xf32, #tpu.memory_space<vmem>>, vector<16xf32>,
    %add3A_125 = arith.constant 144 : i32
    %add3A_126 = arith.addi %mul3A_2, %add3A_125 : i32
    %iota3A_127 = tpu.iota {dimensions = array<i32: 0>} : vector<16xi32>
    %add3A_128 = vector.broadcast %add3A_126 : i32 to vector<16xi32>
    %add3A_129 = arith.addi %add3A_128, %iota3A_127 : vector<16xi32>
    %and3A_130 = arith.constant 2047 : i32
    %and3A_131 = vector.broadcast %and3A_130 : i32 to vector<16xi32>
    %and3A_132 = arith.andi %add3A_129, %and3A_131 : vector<16xi32>
    %swap3A_133 = arith.constant 144 : index
    %swap3A_134 = tpu.vector_load %arg8[%swap3A_133] {strides = array<i32>} : memref<256xi32, #tpu.memory_space<vmem>>, vector<16xi32>,
    tpu.vector_store %arg8[%swap3A_133], %and3A_132 {strides = array<i32>} : memref<256xi32, #tpu.memory_space<vmem>>, vector<16xi32>,
    %broadcast_in_dim3A_135 = arith.constant 0.000000e+00 : f32
    %broadcast_in_dim3A_136 = vector.broadcast %broadcast_in_dim3A_135 : f32 to vector<16xf32>
    %swap3A_137 = arith.constant 144 : index
    %swap3A_138 = tpu.vector_load %arg9[%swap3A_137] {strides = array<i32>} : memref<256xf32, #tpu.memory_space<vmem>>, vector<16xf32>,
    tpu.vector_store %arg9[%swap3A_137], %broadcast_in_dim3A_136 {strides = array<i32>} : memref<256xf32, #tpu.memory_space<vmem>>, vector<16xf32>,
    %add3A_139 = arith.constant 160 : i32
    %add3A_140 = arith.addi %mul3A_2, %add3A_139 : i32
    %iota3A_141 = tpu.iota {dimensions = array<i32: 0>} : vector<16xi32>
    %add3A_142 = vector.broadcast %add3A_140 : i32 to vector<16xi32>
    %add3A_143 = arith.addi %add3A_142, %iota3A_141 : vector<16xi32>
    %and3A_144 = arith.constant 2047 : i32
    %and3A_145 = vector.broadcast %and3A_144 : i32 to vector<16xi32>
    %and3A_146 = arith.andi %add3A_143, %and3A_145 : vector<16xi32>
    %swap3A_147 = arith.constant 160 : index
    %swap3A_148 = tpu.vector_load %arg8[%swap3A_147] {strides = array<i32>} : memref<256xi32, #tpu.memory_space<vmem>>, vector<16xi32>,
    tpu.vector_store %arg8[%swap3A_147], %and3A_146 {strides = array<i32>} : memref<256xi32, #tpu.memory_space<vmem>>, vector<16xi32>,
    %broadcast_in_dim3A_149 = arith.constant 0.000000e+00 : f32
    %broadcast_in_dim3A_150 = vector.broadcast %broadcast_in_dim3A_149 : f32 to vector<16xf32>
    %swap3A_151 = arith.constant 160 : index
    %swap3A_152 = tpu.vector_load %arg9[%swap3A_151] {strides = array<i32>} : memref<256xf32, #tpu.memory_space<vmem>>, vector<16xf32>,
    tpu.vector_store %arg9[%swap3A_151], %broadcast_in_dim3A_150 {strides = array<i32>} : memref<256xf32, #tpu.memory_space<vmem>>, vector<16xf32>,
    %add3A_153 = arith.constant 176 : i32
    %add3A_154 = arith.addi %mul3A_2, %add3A_153 : i32
    %iota3A_155 = tpu.iota {dimensions = array<i32: 0>} : vector<16xi32>
    %add3A_156 = vector.broadcast %add3A_154 : i32 to vector<16xi32>
    %add3A_157 = arith.addi %add3A_156, %iota3A_155 : vector<16xi32>
    %and3A_158 = arith.constant 2047 : i32
    %and3A_159 = vector.broadcast %and3A_158 : i32 to vector<16xi32>
    %and3A_160 = arith.andi %add3A_157, %and3A_159 : vector<16xi32>
    %swap3A_161 = arith.constant 176 : index
    %swap3A_162 = tpu.vector_load %arg8[%swap3A_161] {strides = array<i32>} : memref<256xi32, #tpu.memory_space<vmem>>, vector<16xi32>,
    tpu.vector_store %arg8[%swap3A_161], %and3A_160 {strides = array<i32>} : memref<256xi32, #tpu.memory_space<vmem>>, vector<16xi32>,
    %broadcast_in_dim3A_163 = arith.constant 0.000000e+00 : f32
    %broadcast_in_dim3A_164 = vector.broadcast %broadcast_in_dim3A_163 : f32 to vector<16xf32>
    %swap3A_165 = arith.constant 176 : index
    %swap3A_166 = tpu.vector_load %arg9[%swap3A_165] {strides = array<i32>} : memref<256xf32, #tpu.memory_space<vmem>>, vector<16xf32>,
    tpu.vector_store %arg9[%swap3A_165], %broadcast_in_dim3A_164 {strides = array<i32>} : memref<256xf32, #tpu.memory_space<vmem>>, vector<16xf32>,
    %add3A_167 = arith.constant 192 : i32
    %add3A_168 = arith.addi %mul3A_2, %add3A_167 : i32
    %iota3A_169 = tpu.iota {dimensions = array<i32: 0>} : vector<16xi32>
    %add3A_170 = vector.broadcast %add3A_168 : i32 to vector<16xi32>
    %add3A_171 = arith.addi %add3A_170, %iota3A_169 : vector<16xi32>
    %and3A_172 = arith.constant 2047 : i32
    %and3A_173 = vector.broadcast %and3A_172 : i32 to vector<16xi32>
    %and3A_174 = arith.andi %add3A_171, %and3A_173 : vector<16xi32>
    %swap3A_175 = arith.constant 192 : index
    %swap3A_176 = tpu.vector_load %arg8[%swap3A_175] {strides = array<i32>} : memref<256xi32, #tpu.memory_space<vmem>>, vector<16xi32>,
    tpu.vector_store %arg8[%swap3A_175], %and3A_174 {strides = array<i32>} : memref<256xi32, #tpu.memory_space<vmem>>, vector<16xi32>,
    %broadcast_in_dim3A_177 = arith.constant 0.000000e+00 : f32
    %broadcast_in_dim3A_178 = vector.broadcast %broadcast_in_dim3A_177 : f32 to vector<16xf32>
    %swap3A_179 = arith.constant 192 : index
    %swap3A_180 = tpu.vector_load %arg9[%swap3A_179] {strides = array<i32>} : memref<256xf32, #tpu.memory_space<vmem>>, vector<16xf32>,
    tpu.vector_store %arg9[%swap3A_179], %broadcast_in_dim3A_178 {strides = array<i32>} : memref<256xf32, #tpu.memory_space<vmem>>, vector<16xf32>,
    %add3A_181 = arith.constant 208 : i32
    %add3A_182 = arith.addi %mul3A_2, %add3A_181 : i32
    %iota3A_183 = tpu.iota {dimensions = array<i32: 0>} : vector<16xi32>
    %add3A_184 = vector.broadcast %add3A_182 : i32 to vector<16xi32>
    %add3A_185 = arith.addi %add3A_184, %iota3A_183 : vector<16xi32>
    %and3A_186 = arith.constant 2047 : i32
    %and3A_187 = vector.broadcast %and3A_186 : i32 to vector<16xi32>
    %and3A_188 = arith.andi %add3A_185, %and3A_187 : vector<16xi32>
    %swap3A_189 = arith.constant 208 : index
    %swap3A_190 = tpu.vector_load %arg8[%swap3A_189] {strides = array<i32>} : memref<256xi32, #tpu.memory_space<vmem>>, vector<16xi32>,
    tpu.vector_store %arg8[%swap3A_189], %and3A_188 {strides = array<i32>} : memref<256xi32, #tpu.memory_space<vmem>>, vector<16xi32>,
    %broadcast_in_dim3A_191 = arith.constant 0.000000e+00 : f32
    %broadcast_in_dim3A_192 = vector.broadcast %broadcast_in_dim3A_191 : f32 to vector<16xf32>
    %swap3A_193 = arith.constant 208 : index
    %swap3A_194 = tpu.vector_load %arg9[%swap3A_193] {strides = array<i32>} : memref<256xf32, #tpu.memory_space<vmem>>, vector<16xf32>,
    tpu.vector_store %arg9[%swap3A_193], %broadcast_in_dim3A_192 {strides = array<i32>} : memref<256xf32, #tpu.memory_space<vmem>>, vector<16xf32>,
    %add3A_195 = arith.constant 224 : i32
    %add3A_196 = arith.addi %mul3A_2, %add3A_195 : i32
    %iota3A_197 = tpu.iota {dimensions = array<i32: 0>} : vector<16xi32>
    %add3A_198 = vector.broadcast %add3A_196 : i32 to vector<16xi32>
    %add3A_199 = arith.addi %add3A_198, %iota3A_197 : vector<16xi32>
    %and3A_200 = arith.constant 2047 : i32
    %and3A_201 = vector.broadcast %and3A_200 : i32 to vector<16xi32>
    %and3A_202 = arith.andi %add3A_199, %and3A_201 : vector<16xi32>
    %swap3A_203 = arith.constant 224 : index
    %swap3A_204 = tpu.vector_load %arg8[%swap3A_203] {strides = array<i32>} : memref<256xi32, #tpu.memory_space<vmem>>, vector<16xi32>,
    tpu.vector_store %arg8[%swap3A_203], %and3A_202 {strides = array<i32>} : memref<256xi32, #tpu.memory_space<vmem>>, vector<16xi32>,
    %broadcast_in_dim3A_205 = arith.constant 0.000000e+00 : f32
    %broadcast_in_dim3A_206 = vector.broadcast %broadcast_in_dim3A_205 : f32 to vector<16xf32>
    %swap3A_207 = arith.constant 224 : index
    %swap3A_208 = tpu.vector_load %arg9[%swap3A_207] {strides = array<i32>} : memref<256xf32, #tpu.memory_space<vmem>>, vector<16xf32>,
    tpu.vector_store %arg9[%swap3A_207], %broadcast_in_dim3A_206 {strides = array<i32>} : memref<256xf32, #tpu.memory_space<vmem>>, vector<16xf32>,
    %add3A_209 = arith.constant 240 : i32
    %add3A_210 = arith.addi %mul3A_2, %add3A_209 : i32
    %iota3A_211 = tpu.iota {dimensions = array<i32: 0>} : vector<16xi32>
    %add3A_212 = vector.broadcast %add3A_210 : i32 to vector<16xi32>
    %add3A_213 = arith.addi %add3A_212, %iota3A_211 : vector<16xi32>
    %and3A_214 = arith.constant 2047 : i32
    %and3A_215 = vector.broadcast %and3A_214 : i32 to vector<16xi32>
    %and3A_216 = arith.andi %add3A_213, %and3A_215 : vector<16xi32>
    %swap3A_217 = arith.constant 240 : index
    %swap3A_218 = tpu.vector_load %arg8[%swap3A_217] {strides = array<i32>} : memref<256xi32, #tpu.memory_space<vmem>>, vector<16xi32>,
    tpu.vector_store %arg8[%swap3A_217], %and3A_216 {strides = array<i32>} : memref<256xi32, #tpu.memory_space<vmem>>, vector<16xi32>,
    %broadcast_in_dim3A_219 = arith.constant 0.000000e+00 : f32
    %broadcast_in_dim3A_220 = vector.broadcast %broadcast_in_dim3A_219 : f32 to vector<16xf32>
    %swap3A_221 = arith.constant 240 : index
    %swap3A_222 = tpu.vector_load %arg9[%swap3A_221] {strides = array<i32>} : memref<256xf32, #tpu.memory_space<vmem>>, vector<16xf32>,
    tpu.vector_store %arg9[%swap3A_221], %broadcast_in_dim3A_220 {strides = array<i32>} : memref<256xf32, #tpu.memory_space<vmem>>, vector<16xf32>,
    %scan3A = arith.constant 0 : i32
    %scan3A_223 = arith.constant 0 : i32
    %scan3A_224 = arith.constant 256 : i32
    %scan3A_225 = arith.addi %scan3A_223, %scan3A_224 : i32
    %scan3A_226 = arith.constant 1 : i32
    scf.for %scan3A_228 = %scan3A_223 to %scan3A_225 step %scan3A_226  : i32 {
      %mul3A_229 = arith.constant 16 : i32
      %mul3A_230 = arith.muli %scan3A_228, %mul3A_229 : i32
      %get3A = arith.index_cast %mul3A_230 : i32 to index
      %get3A_231 = tpu.vector_load %arg6[%get3A] {strides = array<i32>} : memref<4096xi32, #tpu.memory_space<vmem>>, vector<16xi32>,
      %mul3A_232 = arith.constant 16 : i32
      %mul3A_233 = arith.muli %scan3A_228, %mul3A_232 : i32
      %get3A_234 = arith.index_cast %mul3A_233 : i32 to index
      %get3A_235 = tpu.vector_load %arg7[%get3A_234] {strides = array<i32>} : memref<4096xf32, #tpu.memory_space<vmem>>, vector<16xf32>,
      %mul3A_236 = arith.constant 16 : i32
      %mul3A_237 = arith.muli %scan3A_228, %mul3A_236 : i32
      %iota3A_238 = tpu.iota {dimensions = array<i32: 0>} : vector<16xi32>
      %add3A_239 = vector.broadcast %mul3A_237 : i32 to vector<16xi32>
      %add3A_240 = arith.addi %add3A_239, %iota3A_238 : vector<16xi32>
      %ge3A = arith.constant 2048 : i32
      %ge3A_241 = vector.broadcast %ge3A : i32 to vector<16xi32>
      %ge3A_242 = arith.cmpi sge, %add3A_240, %ge3A_241 : vector<16xi32>
      %sub3A = arith.constant 2048 : i32
      %sub3A_243 = vector.broadcast %sub3A : i32 to vector<16xi32>
      %sub3A_244 = arith.subi %add3A_240, %sub3A_243 : vector<16xi32>
      %select_n3A = arith.select %ge3A_242, %sub3A_244, %add3A_240 : vector<16xi1>, vector<16xi32>
      %ge3A_245 = vector.broadcast %mul3A_2 : i32 to vector<16xi32>
      %ge3A_246 = arith.cmpi sge, %get3A_231, %ge3A_245 : vector<16xi32>
      %add3A_247 = arith.constant 256 : i32
      %add3A_248 = arith.addi %mul3A_2, %add3A_247 : i32
      %lt3A = vector.broadcast %add3A_248 : i32 to vector<16xi32>
      %lt3A_249 = arith.cmpi slt, %get3A_231, %lt3A : vector<16xi32>
      %and3A_250 = arith.andi %ge3A_246, %lt3A_249 : vector<16xi1>
      %sub3A_251 = vector.broadcast %mul3A_2 : i32 to vector<16xi32>
      %sub3A_252 = arith.subi %get3A_231, %sub3A_251 : vector<16xi32>
      tpu.vector_store_idx %arg8[%sub3A_252], %select_n3A masked %and3A_250 : memref<256xi32, #tpu.memory_space<vmem>>[vector<16xi32>], vector<16xi32>, vector<16xi1>
      %sub3A_253 = vector.broadcast %mul3A_2 : i32 to vector<16xi32>
      %sub3A_254 = arith.subi %get3A_231, %sub3A_253 : vector<16xi32>
      tpu.vector_store_idx %arg9[%sub3A_254], %get3A_235 masked %and3A_250 : memref<256xf32, #tpu.memory_space<vmem>>[vector<16xi32>], vector<16xf32>, vector<16xi1>
    }
    %scan3A_227 = arith.constant 256 : i32
    "tpu.region"() ({
      %run_scoped3A = tpu.sem_alloc : memref<!tpu.dma_semaphore, #tpu.memory_space<semaphore_mem>>
      %dma_start3A = tpu.memref_slice %arg4[%mul3A_2] : memref<8192xi32, #tpu.memory_space<hbm>> -> memref<256xi32, #tpu.memory_space<hbm>>
      %dma_start3A_228 = tpu.memref_slice %arg4[%mul3A_2] : memref<8192xi32, #tpu.memory_space<hbm>> -> memref<256xi32, #tpu.memory_space<hbm>>
      tpu.enqueue_dma source(%arg8 : memref<256xi32, #tpu.memory_space<vmem>>) target(%dma_start3A_228 : memref<256xi32, #tpu.memory_space<hbm>>) target_semaphore(%run_scoped3A : memref<!tpu.dma_semaphore, #tpu.memory_space<semaphore_mem>>)
      %dma_wait3A = tpu.memref_slice %arg4[%mul3A_2] : memref<8192xi32, #tpu.memory_space<hbm>> -> memref<256xi32, #tpu.memory_space<hbm>>
      %dma_wait3A_229 = tpu.memref_slice %arg4[%mul3A_2] : memref<8192xi32, #tpu.memory_space<hbm>> -> memref<256xi32, #tpu.memory_space<hbm>>
      tpu.wait_dma2 semaphore(%run_scoped3A : memref<!tpu.dma_semaphore, #tpu.memory_space<semaphore_mem>>) src(%arg8 : memref<256xi32, #tpu.memory_space<vmem>>) dst(%dma_wait3A_229 : memref<256xi32, #tpu.memory_space<hbm>>)
      tpu.yield
    }) : () -> ()
    "tpu.region"() ({
      %run_scoped3A = tpu.sem_alloc : memref<!tpu.dma_semaphore, #tpu.memory_space<semaphore_mem>>
      %dma_start3A = tpu.memref_slice %arg5[%mul3A_2] : memref<8192xf32, #tpu.memory_space<hbm>> -> memref<256xf32, #tpu.memory_space<hbm>>
      %dma_start3A_228 = tpu.memref_slice %arg5[%mul3A_2] : memref<8192xf32, #tpu.memory_space<hbm>> -> memref<256xf32, #tpu.memory_space<hbm>>
      tpu.enqueue_dma source(%arg9 : memref<256xf32, #tpu.memory_space<vmem>>) target(%dma_start3A_228 : memref<256xf32, #tpu.memory_space<hbm>>) target_semaphore(%run_scoped3A : memref<!tpu.dma_semaphore, #tpu.memory_space<semaphore_mem>>)
      %dma_wait3A = tpu.memref_slice %arg5[%mul3A_2] : memref<8192xf32, #tpu.memory_space<hbm>> -> memref<256xf32, #tpu.memory_space<hbm>>
      %dma_wait3A_229 = tpu.memref_slice %arg5[%mul3A_2] : memref<8192xf32, #tpu.memory_space<hbm>> -> memref<256xf32, #tpu.memory_space<hbm>>
      tpu.wait_dma2 semaphore(%run_scoped3A : memref<!tpu.dma_semaphore, #tpu.memory_space<semaphore_mem>>) src(%arg9 : memref<256xf32, #tpu.memory_space<vmem>>) dst(%dma_wait3A_229 : memref<256xf32, #tpu.memory_space<hbm>>)
      tpu.yield
    }) : () -> ()
    return
  }
}

module attributes {stable_mosaic.version = 14 : i64} {
  func.func @_preattn_body(%arg0: i32, %arg1: memref<512x768xf32, #tpu.memory_space<vmem>>, %arg2: memref<768x768xf32, #tpu.memory_space<vmem>>, %arg3: memref<768x256xf32, #tpu.memory_space<vmem>>, %arg4: memref<768x256xf32, #tpu.memory_space<vmem>>, %arg5: memref<1x768xf32, #tpu.memory_space<vmem>>, %arg6: memref<1x256xf32, #tpu.memory_space<vmem>>, %arg7: memref<1x256xf32, #tpu.memory_space<vmem>>, %arg8: memref<1x768xf32, #tpu.memory_space<vmem>>, %arg9: memref<512x64xf32, #tpu.memory_space<vmem>>, %arg10: memref<512x64xf32, #tpu.memory_space<vmem>>, %arg11: memref<12x512x64xf32, #tpu.memory_space<vmem>>, %arg12: memref<4x512x64xf32, #tpu.memory_space<vmem>>, %arg13: memref<4x512x64xf32, #tpu.memory_space<vmem>>, %arg14: memref<512x256xf32, #tpu.memory_space<vmem>>, %arg15: memref<512x256xf32, #tpu.memory_space<vmem>>) attributes {dimension_semantics = [#tpu.dimension_semantics<arbitrary>], iteration_bounds = array<i64: 4>, scalar_prefetch = 0 : i64, scratch_operands = 0 : i64, tpu.core_type = #tpu.core_type<tc>, window_params = [{transform_indices = @transform_0, window_bounds = array<i64: 512, 768>}, {pipeline_mode = #tpu.pipeline_mode<synchronous>, transform_indices = @transform_1, window_bounds = array<i64: 768, 768>}, {pipeline_mode = #tpu.pipeline_mode<synchronous>, transform_indices = @transform_2, window_bounds = array<i64: 768, 256>}, {pipeline_mode = #tpu.pipeline_mode<synchronous>, transform_indices = @transform_3, window_bounds = array<i64: 768, 256>}, {pipeline_mode = #tpu.pipeline_mode<synchronous>, transform_indices = @transform_4, window_bounds = array<i64: 1, 768>}, {pipeline_mode = #tpu.pipeline_mode<synchronous>, transform_indices = @transform_5, window_bounds = array<i64: 1, 256>}, {pipeline_mode = #tpu.pipeline_mode<synchronous>, transform_indices = @transform_6, window_bounds = array<i64: 1, 256>}, {pipeline_mode = #tpu.pipeline_mode<synchronous>, transform_indices = @transform_7, window_bounds = array<i64: 1, 768>}, {transform_indices = @transform_8, window_bounds = array<i64: 512, 64>}, {transform_indices = @transform_9, window_bounds = array<i64: 512, 64>}, {transform_indices = @transform_10, window_bounds = array<i64: 12, 512, 64>}, {transform_indices = @transform_11, window_bounds = array<i64: 4, 512, 64>}, {transform_indices = @transform_12, window_bounds = array<i64: 4, 512, 64>}, {transform_indices = @transform_13, window_bounds = array<i64: 512, 256>}, {transform_indices = @transform_14, window_bounds = array<i64: 512, 256>}]} {
    %get3A = arith.constant 0 : index
    %get3A_0 = arith.constant 0 : index
    %get3A_1 = vector.load %arg1[%get3A, %get3A_0] : memref<512x768xf32, #tpu.memory_space<vmem>>, vector<512x768xf32>
    %mul3A = arith.mulf %get3A_1, %get3A_1 : vector<512x768xf32>
    %reduce_sum3A = arith.constant dense<0.000000e+00> : vector<512xf32>
    %reduce_sum3A_2 = vector.multi_reduction <add>, %mul3A, %reduce_sum3A [1] : vector<512x768xf32> to vector<512xf32>
    %broadcast_in_dim3A = vector.shape_cast %reduce_sum3A_2 : vector<512xf32> to vector<512x1xf32>
    %div3A = arith.constant 7.680000e+02 : f32
    %div3A_3 = vector.broadcast %div3A : f32 to vector<512x1xf32>
    %div3A_4 = arith.divf %broadcast_in_dim3A, %div3A_3 : vector<512x1xf32>
    %add3A = arith.constant 9.99999997E-7 : f32
    %add3A_5 = vector.broadcast %add3A : f32 to vector<512x1xf32>
    %add3A_6 = arith.addf %div3A_4, %add3A_5 : vector<512x1xf32>
    %rsqrt3A = math.rsqrt %add3A_6 : vector<512x1xf32>
    %mul3A_7 = vector.broadcast %rsqrt3A : vector<512x1xf32> to vector<512x768xf32>
    %mul3A_8 = arith.mulf %get3A_1, %mul3A_7 : vector<512x768xf32>
    %get3A_9 = arith.constant 0 : index
    %get3A_10 = arith.constant 0 : index
    %get3A_11 = vector.load %arg8[%get3A_9, %get3A_10] : memref<1x768xf32, #tpu.memory_space<vmem>>, vector<1x768xf32>
    %mul3A_12 = vector.broadcast %get3A_11 : vector<1x768xf32> to vector<512x768xf32>
    %mul3A_13 = arith.mulf %mul3A_8, %mul3A_12 : vector<512x768xf32>
    %convert_element_type3A = arith.truncf %mul3A_13 : vector<512x768xf32> to vector<512x768xbf16>
    %get3A_14 = arith.constant 0 : index
    %get3A_15 = arith.constant 0 : index
    %get3A_16 = vector.load %arg2[%get3A_14, %get3A_15] : memref<768x768xf32, #tpu.memory_space<vmem>>, vector<768x768xf32>
    %convert_element_type3A_17 = arith.truncf %get3A_16 : vector<768x768xf32> to vector<768x768xbf16>
    %dot_general3A = arith.constant dense<0.000000e+00> : vector<512x768xf32>
    %dot_general3A_18 = tpu.matmul %convert_element_type3A, %convert_element_type3A_17, %dot_general3A {dimension_numbers = #tpu.dot_dimension_numbers<[1], [0], [0], [1], [0, 0, 1, 1], [], []>, transpose_lhs_hint = false} : vector<512x768xbf16>, vector<768x768xbf16>, vector<512x768xf32> -> vector<512x768xf32>
    %get3A_19 = arith.constant 0 : index
    %get3A_20 = arith.constant 0 : index
    %get3A_21 = vector.load %arg5[%get3A_19, %get3A_20] : memref<1x768xf32, #tpu.memory_space<vmem>>, vector<1x768xf32>
    %add3A_22 = vector.broadcast %get3A_21 : vector<1x768xf32> to vector<512x768xf32>
    %add3A_23 = arith.addf %dot_general3A_18, %add3A_22 : vector<512x768xf32>
    %get3A_24 = arith.constant 0 : index
    %get3A_25 = arith.constant 0 : index
    %get3A_26 = vector.load %arg3[%get3A_24, %get3A_25] : memref<768x256xf32, #tpu.memory_space<vmem>>, vector<768x256xf32>
    %convert_element_type3A_27 = arith.truncf %get3A_26 : vector<768x256xf32> to vector<768x256xbf16>
    %dot_general3A_28 = arith.constant dense<0.000000e+00> : vector<512x256xf32>
    %dot_general3A_29 = tpu.matmul %convert_element_type3A, %convert_element_type3A_27, %dot_general3A_28 {dimension_numbers = #tpu.dot_dimension_numbers<[1], [0], [0], [1], [0, 0, 1, 1], [], []>, transpose_lhs_hint = false} : vector<512x768xbf16>, vector<768x256xbf16>, vector<512x256xf32> -> vector<512x256xf32>
    %get3A_30 = arith.constant 0 : index
    %get3A_31 = arith.constant 0 : index
    %get3A_32 = vector.load %arg6[%get3A_30, %get3A_31] : memref<1x256xf32, #tpu.memory_space<vmem>>, vector<1x256xf32>
    %add3A_33 = vector.broadcast %get3A_32 : vector<1x256xf32> to vector<512x256xf32>
    %add3A_34 = arith.addf %dot_general3A_29, %add3A_33 : vector<512x256xf32>
    %get3A_35 = arith.constant 0 : index
    %get3A_36 = arith.constant 0 : index
    %get3A_37 = vector.load %arg4[%get3A_35, %get3A_36] : memref<768x256xf32, #tpu.memory_space<vmem>>, vector<768x256xf32>
    %convert_element_type3A_38 = arith.truncf %get3A_37 : vector<768x256xf32> to vector<768x256xbf16>
    %dot_general3A_39 = arith.constant dense<0.000000e+00> : vector<512x256xf32>
    %dot_general3A_40 = tpu.matmul %convert_element_type3A, %convert_element_type3A_38, %dot_general3A_39 {dimension_numbers = #tpu.dot_dimension_numbers<[1], [0], [0], [1], [0, 0, 1, 1], [], []>, transpose_lhs_hint = false} : vector<512x768xbf16>, vector<768x256xbf16>, vector<512x256xf32> -> vector<512x256xf32>
    %get3A_41 = arith.constant 0 : index
    %get3A_42 = arith.constant 0 : index
    %get3A_43 = vector.load %arg7[%get3A_41, %get3A_42] : memref<1x256xf32, #tpu.memory_space<vmem>>, vector<1x256xf32>
    %add3A_44 = vector.broadcast %get3A_43 : vector<1x256xf32> to vector<512x256xf32>
    %add3A_45 = arith.addf %dot_general3A_40, %add3A_44 : vector<512x256xf32>
    %get3A_46 = arith.constant 0 : index
    %get3A_47 = arith.constant 0 : index
    %get3A_48 = vector.load %arg9[%get3A_46, %get3A_47] : memref<512x64xf32, #tpu.memory_space<vmem>>, vector<512x64xf32>
    %concatenate3A = tpu.concatenate %get3A_48, %get3A_48, %get3A_48, %get3A_48 in 1 : vector<512x64xf32>, vector<512x64xf32>, vector<512x64xf32>, vector<512x64xf32> -> vector<512x256xf32>
    %get3A_49 = arith.constant 0 : index
    %get3A_50 = arith.constant 0 : index
    %get3A_51 = vector.load %arg10[%get3A_49, %get3A_50] : memref<512x64xf32, #tpu.memory_space<vmem>>, vector<512x64xf32>
    %concatenate3A_52 = tpu.concatenate %get3A_51, %get3A_51, %get3A_51, %get3A_51 in 1 : vector<512x64xf32>, vector<512x64xf32>, vector<512x64xf32>, vector<512x64xf32> -> vector<512x256xf32>
    %concatenate3A_53 = tpu.concatenate %concatenate3A, %concatenate3A, %concatenate3A in 1 : vector<512x256xf32>, vector<512x256xf32>, vector<512x256xf32> -> vector<512x768xf32>
    %concatenate3A_54 = tpu.concatenate %concatenate3A_52, %concatenate3A_52, %concatenate3A_52 in 1 : vector<512x256xf32>, vector<512x256xf32>, vector<512x256xf32> -> vector<512x768xf32>
    %iota3A = tpu.iota {dimensions = array<i32: 1>} : vector<512x768xi32>
    %slice3A = vector.extract_strided_slice %add3A_23 {offsets = [0, 32], sizes = [512, 736], strides = [1, 1]} : vector<512x768xf32> to vector<512x736xf32>
    %slice3A_55 = vector.extract_strided_slice %add3A_23 {offsets = [0, 0], sizes = [512, 32], strides = [1, 1]} : vector<512x768xf32> to vector<512x32xf32>
    %concatenate3A_56 = tpu.concatenate %slice3A, %slice3A_55 in 1 : vector<512x736xf32>, vector<512x32xf32> -> vector<512x768xf32>
    %slice3A_57 = vector.extract_strided_slice %add3A_23 {offsets = [0, 736], sizes = [512, 32], strides = [1, 1]} : vector<512x768xf32> to vector<512x32xf32>
    %slice3A_58 = vector.extract_strided_slice %add3A_23 {offsets = [0, 0], sizes = [512, 736], strides = [1, 1]} : vector<512x768xf32> to vector<512x736xf32>
    %concatenate3A_59 = tpu.concatenate %slice3A_57, %slice3A_58 in 1 : vector<512x32xf32>, vector<512x736xf32> -> vector<512x768xf32>
    %jit3A = arith.constant 64 : i32
    %eq3A = arith.constant 0 : i32
    %eq3A_60 = arith.cmpi eq, %jit3A, %eq3A : i32
    %jit3A_61 = arith.constant 1 : i32
    %select_n3A = arith.select %eq3A_60, %jit3A_61, %jit3A : i32
    %rem3A = vector.broadcast %select_n3A : i32 to vector<512x768xi32>
    %rem3A_62 = arith.remsi %iota3A, %rem3A : vector<512x768xi32>
    %ne3A = arith.constant 0 : i32
    %ne3A_63 = vector.broadcast %ne3A : i32 to vector<512x768xi32>
    %ne3A_64 = arith.cmpi ne, %rem3A_62, %ne3A_63 : vector<512x768xi32>
    %lt3A = arith.constant 0 : i32
    %lt3A_65 = vector.broadcast %lt3A : i32 to vector<512x768xi32>
    %lt3A_66 = arith.cmpi slt, %rem3A_62, %lt3A_65 : vector<512x768xi32>
    %lt3A_67 = arith.constant 0 : i32
    %lt3A_68 = arith.cmpi slt, %select_n3A, %lt3A_67 : i32
    %ne3A_69 = vector.broadcast %lt3A_68 : i1 to vector<512x768xi1>
    %ne3A_70 = vector.broadcast %ne3A_69 : vector<512x768xi1> to vector<512x768xi1>
    %ne3A_71 = arith.xori %lt3A_66, %ne3A_70 : vector<512x768xi1>
    %and3A = arith.andi %ne3A_71, %ne3A_64 : vector<512x768xi1>
    %add3A_72 = vector.broadcast %select_n3A : i32 to vector<512x768xi32>
    %add3A_73 = arith.addi %rem3A_62, %add3A_72 : vector<512x768xi32>
    %select_n3A_74 = arith.select %and3A, %add3A_73, %rem3A_62 : vector<512x768xi1>, vector<512x768xi32>
    %lt3A_75 = arith.constant 32 : i32
    %lt3A_76 = vector.broadcast %lt3A_75 : i32 to vector<512x768xi32>
    %lt3A_77 = arith.cmpi slt, %select_n3A_74, %lt3A_76 : vector<512x768xi32>
    %select_n3A_78 = arith.select %lt3A_77, %concatenate3A_56, %concatenate3A_59 : vector<512x768xi1>, vector<512x768xf32>
    %mul3A_79 = arith.mulf %add3A_23, %concatenate3A_53 : vector<512x768xf32>
    %mul3A_80 = arith.mulf %select_n3A_78, %concatenate3A_54 : vector<512x768xf32>
    %add3A_81 = arith.addf %mul3A_79, %mul3A_80 : vector<512x768xf32>
    %iota3A_82 = tpu.iota {dimensions = array<i32: 1>} : vector<512x256xi32>
    %slice3A_83 = vector.extract_strided_slice %add3A_34 {offsets = [0, 32], sizes = [512, 224], strides = [1, 1]} : vector<512x256xf32> to vector<512x224xf32>
    %slice3A_84 = vector.extract_strided_slice %add3A_34 {offsets = [0, 0], sizes = [512, 32], strides = [1, 1]} : vector<512x256xf32> to vector<512x32xf32>
    %concatenate3A_85 = tpu.concatenate %slice3A_83, %slice3A_84 in 1 : vector<512x224xf32>, vector<512x32xf32> -> vector<512x256xf32>
    %slice3A_86 = vector.extract_strided_slice %add3A_34 {offsets = [0, 224], sizes = [512, 32], strides = [1, 1]} : vector<512x256xf32> to vector<512x32xf32>
    %slice3A_87 = vector.extract_strided_slice %add3A_34 {offsets = [0, 0], sizes = [512, 224], strides = [1, 1]} : vector<512x256xf32> to vector<512x224xf32>
    %concatenate3A_88 = tpu.concatenate %slice3A_86, %slice3A_87 in 1 : vector<512x32xf32>, vector<512x224xf32> -> vector<512x256xf32>
    %jit3A_89 = arith.constant 64 : i32
    %eq3A_90 = arith.constant 0 : i32
    %eq3A_91 = arith.cmpi eq, %jit3A_89, %eq3A_90 : i32
    %jit3A_92 = arith.constant 1 : i32
    %select_n3A_93 = arith.select %eq3A_91, %jit3A_92, %jit3A_89 : i32
    %rem3A_94 = vector.broadcast %select_n3A_93 : i32 to vector<512x256xi32>
    %rem3A_95 = arith.remsi %iota3A_82, %rem3A_94 : vector<512x256xi32>
    %ne3A_96 = arith.constant 0 : i32
    %ne3A_97 = vector.broadcast %ne3A_96 : i32 to vector<512x256xi32>
    %ne3A_98 = arith.cmpi ne, %rem3A_95, %ne3A_97 : vector<512x256xi32>
    %lt3A_99 = arith.constant 0 : i32
    %lt3A_100 = vector.broadcast %lt3A_99 : i32 to vector<512x256xi32>
    %lt3A_101 = arith.cmpi slt, %rem3A_95, %lt3A_100 : vector<512x256xi32>
    %lt3A_102 = arith.constant 0 : i32
    %lt3A_103 = arith.cmpi slt, %select_n3A_93, %lt3A_102 : i32
    %ne3A_104 = vector.broadcast %lt3A_103 : i1 to vector<512x256xi1>
    %ne3A_105 = vector.broadcast %ne3A_104 : vector<512x256xi1> to vector<512x256xi1>
    %ne3A_106 = arith.xori %lt3A_101, %ne3A_105 : vector<512x256xi1>
    %and3A_107 = arith.andi %ne3A_106, %ne3A_98 : vector<512x256xi1>
    %add3A_108 = vector.broadcast %select_n3A_93 : i32 to vector<512x256xi32>
    %add3A_109 = arith.addi %rem3A_95, %add3A_108 : vector<512x256xi32>
    %select_n3A_110 = arith.select %and3A_107, %add3A_109, %rem3A_95 : vector<512x256xi1>, vector<512x256xi32>
    %lt3A_111 = arith.constant 32 : i32
    %lt3A_112 = vector.broadcast %lt3A_111 : i32 to vector<512x256xi32>
    %lt3A_113 = arith.cmpi slt, %select_n3A_110, %lt3A_112 : vector<512x256xi32>
    %select_n3A_114 = arith.select %lt3A_113, %concatenate3A_85, %concatenate3A_88 : vector<512x256xi1>, vector<512x256xf32>
    %mul3A_115 = arith.mulf %add3A_34, %concatenate3A : vector<512x256xf32>
    %mul3A_116 = arith.mulf %select_n3A_114, %concatenate3A_52 : vector<512x256xf32>
    %add3A_117 = arith.addf %mul3A_115, %mul3A_116 : vector<512x256xf32>
    %slice3A_118 = vector.extract_strided_slice %add3A_81 {offsets = [0, 0], sizes = [512, 64], strides = [1, 1]} : vector<512x768xf32> to vector<512x64xf32>
    %swap3A = arith.constant 0 : index
    %swap3A_119 = arith.constant 0 : index
    %swap3A_120 = arith.constant 0 : index
    %swap3A_121 = vector.load %arg11[%swap3A, %swap3A_119, %swap3A_120] : memref<12x512x64xf32, #tpu.memory_space<vmem>>, vector<1x512x64xf32>
    %swap3A_122 = vector.shape_cast %swap3A_121 : vector<1x512x64xf32> to vector<512x64xf32>
    %swap3A_123 = vector.shape_cast %slice3A_118 : vector<512x64xf32> to vector<1x512x64xf32>
    tpu.vector_store %arg11[%swap3A, %swap3A_119, %swap3A_120], %swap3A_123 {strides = array<i32>} : memref<12x512x64xf32, #tpu.memory_space<vmem>>, vector<1x512x64xf32>,
    %slice3A_124 = vector.extract_strided_slice %add3A_81 {offsets = [0, 64], sizes = [512, 64], strides = [1, 1]} : vector<512x768xf32> to vector<512x64xf32>
    %swap3A_125 = arith.constant 1 : index
    %swap3A_126 = arith.constant 0 : index
    %swap3A_127 = arith.constant 0 : index
    %swap3A_128 = vector.load %arg11[%swap3A_125, %swap3A_126, %swap3A_127] : memref<12x512x64xf32, #tpu.memory_space<vmem>>, vector<1x512x64xf32>
    %swap3A_129 = vector.shape_cast %swap3A_128 : vector<1x512x64xf32> to vector<512x64xf32>
    %swap3A_130 = vector.shape_cast %slice3A_124 : vector<512x64xf32> to vector<1x512x64xf32>
    tpu.vector_store %arg11[%swap3A_125, %swap3A_126, %swap3A_127], %swap3A_130 {strides = array<i32>} : memref<12x512x64xf32, #tpu.memory_space<vmem>>, vector<1x512x64xf32>,
    %slice3A_131 = vector.extract_strided_slice %add3A_81 {offsets = [0, 128], sizes = [512, 64], strides = [1, 1]} : vector<512x768xf32> to vector<512x64xf32>
    %swap3A_132 = arith.constant 2 : index
    %swap3A_133 = arith.constant 0 : index
    %swap3A_134 = arith.constant 0 : index
    %swap3A_135 = vector.load %arg11[%swap3A_132, %swap3A_133, %swap3A_134] : memref<12x512x64xf32, #tpu.memory_space<vmem>>, vector<1x512x64xf32>
    %swap3A_136 = vector.shape_cast %swap3A_135 : vector<1x512x64xf32> to vector<512x64xf32>
    %swap3A_137 = vector.shape_cast %slice3A_131 : vector<512x64xf32> to vector<1x512x64xf32>
    tpu.vector_store %arg11[%swap3A_132, %swap3A_133, %swap3A_134], %swap3A_137 {strides = array<i32>} : memref<12x512x64xf32, #tpu.memory_space<vmem>>, vector<1x512x64xf32>,
    %slice3A_138 = vector.extract_strided_slice %add3A_81 {offsets = [0, 192], sizes = [512, 64], strides = [1, 1]} : vector<512x768xf32> to vector<512x64xf32>
    %swap3A_139 = arith.constant 3 : index
    %swap3A_140 = arith.constant 0 : index
    %swap3A_141 = arith.constant 0 : index
    %swap3A_142 = vector.load %arg11[%swap3A_139, %swap3A_140, %swap3A_141] : memref<12x512x64xf32, #tpu.memory_space<vmem>>, vector<1x512x64xf32>
    %swap3A_143 = vector.shape_cast %swap3A_142 : vector<1x512x64xf32> to vector<512x64xf32>
    %swap3A_144 = vector.shape_cast %slice3A_138 : vector<512x64xf32> to vector<1x512x64xf32>
    tpu.vector_store %arg11[%swap3A_139, %swap3A_140, %swap3A_141], %swap3A_144 {strides = array<i32>} : memref<12x512x64xf32, #tpu.memory_space<vmem>>, vector<1x512x64xf32>,
    %slice3A_145 = vector.extract_strided_slice %add3A_81 {offsets = [0, 256], sizes = [512, 64], strides = [1, 1]} : vector<512x768xf32> to vector<512x64xf32>
    %swap3A_146 = arith.constant 4 : index
    %swap3A_147 = arith.constant 0 : index
    %swap3A_148 = arith.constant 0 : index
    %swap3A_149 = vector.load %arg11[%swap3A_146, %swap3A_147, %swap3A_148] : memref<12x512x64xf32, #tpu.memory_space<vmem>>, vector<1x512x64xf32>
    %swap3A_150 = vector.shape_cast %swap3A_149 : vector<1x512x64xf32> to vector<512x64xf32>
    %swap3A_151 = vector.shape_cast %slice3A_145 : vector<512x64xf32> to vector<1x512x64xf32>
    tpu.vector_store %arg11[%swap3A_146, %swap3A_147, %swap3A_148], %swap3A_151 {strides = array<i32>} : memref<12x512x64xf32, #tpu.memory_space<vmem>>, vector<1x512x64xf32>,
    %slice3A_152 = vector.extract_strided_slice %add3A_81 {offsets = [0, 320], sizes = [512, 64], strides = [1, 1]} : vector<512x768xf32> to vector<512x64xf32>
    %swap3A_153 = arith.constant 5 : index
    %swap3A_154 = arith.constant 0 : index
    %swap3A_155 = arith.constant 0 : index
    %swap3A_156 = vector.load %arg11[%swap3A_153, %swap3A_154, %swap3A_155] : memref<12x512x64xf32, #tpu.memory_space<vmem>>, vector<1x512x64xf32>
    %swap3A_157 = vector.shape_cast %swap3A_156 : vector<1x512x64xf32> to vector<512x64xf32>
    %swap3A_158 = vector.shape_cast %slice3A_152 : vector<512x64xf32> to vector<1x512x64xf32>
    tpu.vector_store %arg11[%swap3A_153, %swap3A_154, %swap3A_155], %swap3A_158 {strides = array<i32>} : memref<12x512x64xf32, #tpu.memory_space<vmem>>, vector<1x512x64xf32>,
    %slice3A_159 = vector.extract_strided_slice %add3A_81 {offsets = [0, 384], sizes = [512, 64], strides = [1, 1]} : vector<512x768xf32> to vector<512x64xf32>
    %swap3A_160 = arith.constant 6 : index
    %swap3A_161 = arith.constant 0 : index
    %swap3A_162 = arith.constant 0 : index
    %swap3A_163 = vector.load %arg11[%swap3A_160, %swap3A_161, %swap3A_162] : memref<12x512x64xf32, #tpu.memory_space<vmem>>, vector<1x512x64xf32>
    %swap3A_164 = vector.shape_cast %swap3A_163 : vector<1x512x64xf32> to vector<512x64xf32>
    %swap3A_165 = vector.shape_cast %slice3A_159 : vector<512x64xf32> to vector<1x512x64xf32>
    tpu.vector_store %arg11[%swap3A_160, %swap3A_161, %swap3A_162], %swap3A_165 {strides = array<i32>} : memref<12x512x64xf32, #tpu.memory_space<vmem>>, vector<1x512x64xf32>,
    %slice3A_166 = vector.extract_strided_slice %add3A_81 {offsets = [0, 448], sizes = [512, 64], strides = [1, 1]} : vector<512x768xf32> to vector<512x64xf32>
    %swap3A_167 = arith.constant 7 : index
    %swap3A_168 = arith.constant 0 : index
    %swap3A_169 = arith.constant 0 : index
    %swap3A_170 = vector.load %arg11[%swap3A_167, %swap3A_168, %swap3A_169] : memref<12x512x64xf32, #tpu.memory_space<vmem>>, vector<1x512x64xf32>
    %swap3A_171 = vector.shape_cast %swap3A_170 : vector<1x512x64xf32> to vector<512x64xf32>
    %swap3A_172 = vector.shape_cast %slice3A_166 : vector<512x64xf32> to vector<1x512x64xf32>
    tpu.vector_store %arg11[%swap3A_167, %swap3A_168, %swap3A_169], %swap3A_172 {strides = array<i32>} : memref<12x512x64xf32, #tpu.memory_space<vmem>>, vector<1x512x64xf32>,
    %slice3A_173 = vector.extract_strided_slice %add3A_81 {offsets = [0, 512], sizes = [512, 64], strides = [1, 1]} : vector<512x768xf32> to vector<512x64xf32>
    %swap3A_174 = arith.constant 8 : index
    %swap3A_175 = arith.constant 0 : index
    %swap3A_176 = arith.constant 0 : index
    %swap3A_177 = vector.load %arg11[%swap3A_174, %swap3A_175, %swap3A_176] : memref<12x512x64xf32, #tpu.memory_space<vmem>>, vector<1x512x64xf32>
    %swap3A_178 = vector.shape_cast %swap3A_177 : vector<1x512x64xf32> to vector<512x64xf32>
    %swap3A_179 = vector.shape_cast %slice3A_173 : vector<512x64xf32> to vector<1x512x64xf32>
    tpu.vector_store %arg11[%swap3A_174, %swap3A_175, %swap3A_176], %swap3A_179 {strides = array<i32>} : memref<12x512x64xf32, #tpu.memory_space<vmem>>, vector<1x512x64xf32>,
    %slice3A_180 = vector.extract_strided_slice %add3A_81 {offsets = [0, 576], sizes = [512, 64], strides = [1, 1]} : vector<512x768xf32> to vector<512x64xf32>
    %swap3A_181 = arith.constant 9 : index
    %swap3A_182 = arith.constant 0 : index
    %swap3A_183 = arith.constant 0 : index
    %swap3A_184 = vector.load %arg11[%swap3A_181, %swap3A_182, %swap3A_183] : memref<12x512x64xf32, #tpu.memory_space<vmem>>, vector<1x512x64xf32>
    %swap3A_185 = vector.shape_cast %swap3A_184 : vector<1x512x64xf32> to vector<512x64xf32>
    %swap3A_186 = vector.shape_cast %slice3A_180 : vector<512x64xf32> to vector<1x512x64xf32>
    tpu.vector_store %arg11[%swap3A_181, %swap3A_182, %swap3A_183], %swap3A_186 {strides = array<i32>} : memref<12x512x64xf32, #tpu.memory_space<vmem>>, vector<1x512x64xf32>,
    %slice3A_187 = vector.extract_strided_slice %add3A_81 {offsets = [0, 640], sizes = [512, 64], strides = [1, 1]} : vector<512x768xf32> to vector<512x64xf32>
    %swap3A_188 = arith.constant 10 : index
    %swap3A_189 = arith.constant 0 : index
    %swap3A_190 = arith.constant 0 : index
    %swap3A_191 = vector.load %arg11[%swap3A_188, %swap3A_189, %swap3A_190] : memref<12x512x64xf32, #tpu.memory_space<vmem>>, vector<1x512x64xf32>
    %swap3A_192 = vector.shape_cast %swap3A_191 : vector<1x512x64xf32> to vector<512x64xf32>
    %swap3A_193 = vector.shape_cast %slice3A_187 : vector<512x64xf32> to vector<1x512x64xf32>
    tpu.vector_store %arg11[%swap3A_188, %swap3A_189, %swap3A_190], %swap3A_193 {strides = array<i32>} : memref<12x512x64xf32, #tpu.memory_space<vmem>>, vector<1x512x64xf32>,
    %slice3A_194 = vector.extract_strided_slice %add3A_81 {offsets = [0, 704], sizes = [512, 64], strides = [1, 1]} : vector<512x768xf32> to vector<512x64xf32>
    %swap3A_195 = arith.constant 11 : index
    %swap3A_196 = arith.constant 0 : index
    %swap3A_197 = arith.constant 0 : index
    %swap3A_198 = vector.load %arg11[%swap3A_195, %swap3A_196, %swap3A_197] : memref<12x512x64xf32, #tpu.memory_space<vmem>>, vector<1x512x64xf32>
    %swap3A_199 = vector.shape_cast %swap3A_198 : vector<1x512x64xf32> to vector<512x64xf32>
    %swap3A_200 = vector.shape_cast %slice3A_194 : vector<512x64xf32> to vector<1x512x64xf32>
    tpu.vector_store %arg11[%swap3A_195, %swap3A_196, %swap3A_197], %swap3A_200 {strides = array<i32>} : memref<12x512x64xf32, #tpu.memory_space<vmem>>, vector<1x512x64xf32>,
    %slice3A_201 = vector.extract_strided_slice %add3A_117 {offsets = [0, 0], sizes = [512, 64], strides = [1, 1]} : vector<512x256xf32> to vector<512x64xf32>
    %swap3A_202 = arith.constant 0 : index
    %swap3A_203 = arith.constant 0 : index
    %swap3A_204 = arith.constant 0 : index
    %swap3A_205 = vector.load %arg12[%swap3A_202, %swap3A_203, %swap3A_204] : memref<4x512x64xf32, #tpu.memory_space<vmem>>, vector<1x512x64xf32>
    %swap3A_206 = vector.shape_cast %swap3A_205 : vector<1x512x64xf32> to vector<512x64xf32>
    %swap3A_207 = vector.shape_cast %slice3A_201 : vector<512x64xf32> to vector<1x512x64xf32>
    tpu.vector_store %arg12[%swap3A_202, %swap3A_203, %swap3A_204], %swap3A_207 {strides = array<i32>} : memref<4x512x64xf32, #tpu.memory_space<vmem>>, vector<1x512x64xf32>,
    %slice3A_208 = vector.extract_strided_slice %add3A_45 {offsets = [0, 0], sizes = [512, 64], strides = [1, 1]} : vector<512x256xf32> to vector<512x64xf32>
    %swap3A_209 = arith.constant 0 : index
    %swap3A_210 = arith.constant 0 : index
    %swap3A_211 = arith.constant 0 : index
    %swap3A_212 = vector.load %arg13[%swap3A_209, %swap3A_210, %swap3A_211] : memref<4x512x64xf32, #tpu.memory_space<vmem>>, vector<1x512x64xf32>
    %swap3A_213 = vector.shape_cast %swap3A_212 : vector<1x512x64xf32> to vector<512x64xf32>
    %swap3A_214 = vector.shape_cast %slice3A_208 : vector<512x64xf32> to vector<1x512x64xf32>
    tpu.vector_store %arg13[%swap3A_209, %swap3A_210, %swap3A_211], %swap3A_214 {strides = array<i32>} : memref<4x512x64xf32, #tpu.memory_space<vmem>>, vector<1x512x64xf32>,
    %slice3A_215 = vector.extract_strided_slice %add3A_117 {offsets = [0, 64], sizes = [512, 64], strides = [1, 1]} : vector<512x256xf32> to vector<512x64xf32>
    %swap3A_216 = arith.constant 1 : index
    %swap3A_217 = arith.constant 0 : index
    %swap3A_218 = arith.constant 0 : index
    %swap3A_219 = vector.load %arg12[%swap3A_216, %swap3A_217, %swap3A_218] : memref<4x512x64xf32, #tpu.memory_space<vmem>>, vector<1x512x64xf32>
    %swap3A_220 = vector.shape_cast %swap3A_219 : vector<1x512x64xf32> to vector<512x64xf32>
    %swap3A_221 = vector.shape_cast %slice3A_215 : vector<512x64xf32> to vector<1x512x64xf32>
    tpu.vector_store %arg12[%swap3A_216, %swap3A_217, %swap3A_218], %swap3A_221 {strides = array<i32>} : memref<4x512x64xf32, #tpu.memory_space<vmem>>, vector<1x512x64xf32>,
    %slice3A_222 = vector.extract_strided_slice %add3A_45 {offsets = [0, 64], sizes = [512, 64], strides = [1, 1]} : vector<512x256xf32> to vector<512x64xf32>
    %swap3A_223 = arith.constant 1 : index
    %swap3A_224 = arith.constant 0 : index
    %swap3A_225 = arith.constant 0 : index
    %swap3A_226 = vector.load %arg13[%swap3A_223, %swap3A_224, %swap3A_225] : memref<4x512x64xf32, #tpu.memory_space<vmem>>, vector<1x512x64xf32>
    %swap3A_227 = vector.shape_cast %swap3A_226 : vector<1x512x64xf32> to vector<512x64xf32>
    %swap3A_228 = vector.shape_cast %slice3A_222 : vector<512x64xf32> to vector<1x512x64xf32>
    tpu.vector_store %arg13[%swap3A_223, %swap3A_224, %swap3A_225], %swap3A_228 {strides = array<i32>} : memref<4x512x64xf32, #tpu.memory_space<vmem>>, vector<1x512x64xf32>,
    %slice3A_229 = vector.extract_strided_slice %add3A_117 {offsets = [0, 128], sizes = [512, 64], strides = [1, 1]} : vector<512x256xf32> to vector<512x64xf32>
    %swap3A_230 = arith.constant 2 : index
    %swap3A_231 = arith.constant 0 : index
    %swap3A_232 = arith.constant 0 : index
    %swap3A_233 = vector.load %arg12[%swap3A_230, %swap3A_231, %swap3A_232] : memref<4x512x64xf32, #tpu.memory_space<vmem>>, vector<1x512x64xf32>
    %swap3A_234 = vector.shape_cast %swap3A_233 : vector<1x512x64xf32> to vector<512x64xf32>
    %swap3A_235 = vector.shape_cast %slice3A_229 : vector<512x64xf32> to vector<1x512x64xf32>
    tpu.vector_store %arg12[%swap3A_230, %swap3A_231, %swap3A_232], %swap3A_235 {strides = array<i32>} : memref<4x512x64xf32, #tpu.memory_space<vmem>>, vector<1x512x64xf32>,
    %slice3A_236 = vector.extract_strided_slice %add3A_45 {offsets = [0, 128], sizes = [512, 64], strides = [1, 1]} : vector<512x256xf32> to vector<512x64xf32>
    %swap3A_237 = arith.constant 2 : index
    %swap3A_238 = arith.constant 0 : index
    %swap3A_239 = arith.constant 0 : index
    %swap3A_240 = vector.load %arg13[%swap3A_237, %swap3A_238, %swap3A_239] : memref<4x512x64xf32, #tpu.memory_space<vmem>>, vector<1x512x64xf32>
    %swap3A_241 = vector.shape_cast %swap3A_240 : vector<1x512x64xf32> to vector<512x64xf32>
    %swap3A_242 = vector.shape_cast %slice3A_236 : vector<512x64xf32> to vector<1x512x64xf32>
    tpu.vector_store %arg13[%swap3A_237, %swap3A_238, %swap3A_239], %swap3A_242 {strides = array<i32>} : memref<4x512x64xf32, #tpu.memory_space<vmem>>, vector<1x512x64xf32>,
    %slice3A_243 = vector.extract_strided_slice %add3A_117 {offsets = [0, 192], sizes = [512, 64], strides = [1, 1]} : vector<512x256xf32> to vector<512x64xf32>
    %swap3A_244 = arith.constant 3 : index
    %swap3A_245 = arith.constant 0 : index
    %swap3A_246 = arith.constant 0 : index
    %swap3A_247 = vector.load %arg12[%swap3A_244, %swap3A_245, %swap3A_246] : memref<4x512x64xf32, #tpu.memory_space<vmem>>, vector<1x512x64xf32>
    %swap3A_248 = vector.shape_cast %swap3A_247 : vector<1x512x64xf32> to vector<512x64xf32>
    %swap3A_249 = vector.shape_cast %slice3A_243 : vector<512x64xf32> to vector<1x512x64xf32>
    tpu.vector_store %arg12[%swap3A_244, %swap3A_245, %swap3A_246], %swap3A_249 {strides = array<i32>} : memref<4x512x64xf32, #tpu.memory_space<vmem>>, vector<1x512x64xf32>,
    %slice3A_250 = vector.extract_strided_slice %add3A_45 {offsets = [0, 192], sizes = [512, 64], strides = [1, 1]} : vector<512x256xf32> to vector<512x64xf32>
    %swap3A_251 = arith.constant 3 : index
    %swap3A_252 = arith.constant 0 : index
    %swap3A_253 = arith.constant 0 : index
    %swap3A_254 = vector.load %arg13[%swap3A_251, %swap3A_252, %swap3A_253] : memref<4x512x64xf32, #tpu.memory_space<vmem>>, vector<1x512x64xf32>
    %swap3A_255 = vector.shape_cast %swap3A_254 : vector<1x512x64xf32> to vector<512x64xf32>
    %swap3A_256 = vector.shape_cast %slice3A_250 : vector<512x64xf32> to vector<1x512x64xf32>
    tpu.vector_store %arg13[%swap3A_251, %swap3A_252, %swap3A_253], %swap3A_256 {strides = array<i32>} : memref<4x512x64xf32, #tpu.memory_space<vmem>>, vector<1x512x64xf32>,
    %swap3A_257 = arith.constant 0 : index
    %swap3A_258 = arith.constant 0 : index
    %swap3A_259 = vector.load %arg14[%swap3A_257, %swap3A_258] : memref<512x256xf32, #tpu.memory_space<vmem>>, vector<512x256xf32>
    tpu.vector_store %arg14[%swap3A_257, %swap3A_258], %add3A_117 {strides = array<i32>} : memref<512x256xf32, #tpu.memory_space<vmem>>, vector<512x256xf32>,
    %swap3A_260 = arith.constant 0 : index
    %swap3A_261 = arith.constant 0 : index
    %swap3A_262 = vector.load %arg15[%swap3A_260, %swap3A_261] : memref<512x256xf32, #tpu.memory_space<vmem>>, vector<512x256xf32>
    tpu.vector_store %arg15[%swap3A_260, %swap3A_261], %add3A_45 {strides = array<i32>} : memref<512x256xf32, #tpu.memory_space<vmem>>, vector<512x256xf32>,
    return
  }
  func.func @transform_0(%arg0: i32) -> (i32, i32) {
    %c0_i32 = arith.constant 0 : i32
    %c0_i32_0 = arith.constant 0 : i32
    return %arg0, %c0_i32 : i32, i32
  }
  func.func @transform_1(%arg0: i32) -> (i32, i32) {
    %c0_i32 = arith.constant 0 : i32
    %c0_i32_0 = arith.constant 0 : i32
    %c0_i32_1 = arith.constant 0 : i32
    return %c0_i32, %c0_i32_0 : i32, i32
  }
  func.func @transform_2(%arg0: i32) -> (i32, i32) {
    %c0_i32 = arith.constant 0 : i32
    %c0_i32_0 = arith.constant 0 : i32
    %c0_i32_1 = arith.constant 0 : i32
    return %c0_i32, %c0_i32_0 : i32, i32
  }
  func.func @transform_3(%arg0: i32) -> (i32, i32) {
    %c0_i32 = arith.constant 0 : i32
    %c0_i32_0 = arith.constant 0 : i32
    %c0_i32_1 = arith.constant 0 : i32
    return %c0_i32, %c0_i32_0 : i32, i32
  }
  func.func @transform_4(%arg0: i32) -> (i32, i32) {
    %c0_i32 = arith.constant 0 : i32
    %c0_i32_0 = arith.constant 0 : i32
    %c0_i32_1 = arith.constant 0 : i32
    return %c0_i32, %c0_i32_0 : i32, i32
  }
  func.func @transform_5(%arg0: i32) -> (i32, i32) {
    %c0_i32 = arith.constant 0 : i32
    %c0_i32_0 = arith.constant 0 : i32
    %c0_i32_1 = arith.constant 0 : i32
    return %c0_i32, %c0_i32_0 : i32, i32
  }
  func.func @transform_6(%arg0: i32) -> (i32, i32) {
    %c0_i32 = arith.constant 0 : i32
    %c0_i32_0 = arith.constant 0 : i32
    %c0_i32_1 = arith.constant 0 : i32
    return %c0_i32, %c0_i32_0 : i32, i32
  }
  func.func @transform_7(%arg0: i32) -> (i32, i32) {
    %c0_i32 = arith.constant 0 : i32
    %c0_i32_0 = arith.constant 0 : i32
    %c0_i32_1 = arith.constant 0 : i32
    return %c0_i32, %c0_i32_0 : i32, i32
  }
  func.func @transform_8(%arg0: i32) -> (i32, i32) {
    %c0_i32 = arith.constant 0 : i32
    %c0_i32_0 = arith.constant 0 : i32
    return %arg0, %c0_i32 : i32, i32
  }
  func.func @transform_9(%arg0: i32) -> (i32, i32) {
    %c0_i32 = arith.constant 0 : i32
    %c0_i32_0 = arith.constant 0 : i32
    return %arg0, %c0_i32 : i32, i32
  }
  func.func @transform_10(%arg0: i32) -> (i32, i32, i32) {
    %c0_i32 = arith.constant 0 : i32
    %c0_i32_0 = arith.constant 0 : i32
    %c0_i32_1 = arith.constant 0 : i32
    return %c0_i32, %arg0, %c0_i32_0 : i32, i32, i32
  }
  func.func @transform_11(%arg0: i32) -> (i32, i32, i32) {
    %c0_i32 = arith.constant 0 : i32
    %c0_i32_0 = arith.constant 0 : i32
    %c0_i32_1 = arith.constant 0 : i32
    return %c0_i32, %arg0, %c0_i32_0 : i32, i32, i32
  }
  func.func @transform_12(%arg0: i32) -> (i32, i32, i32) {
    %c0_i32 = arith.constant 0 : i32
    %c0_i32_0 = arith.constant 0 : i32
    %c0_i32_1 = arith.constant 0 : i32
    return %c0_i32, %arg0, %c0_i32_0 : i32, i32, i32
  }
  func.func @transform_13(%arg0: i32) -> (i32, i32) {
    %c0_i32 = arith.constant 0 : i32
    %c0_i32_0 = arith.constant 0 : i32
    return %arg0, %c0_i32 : i32, i32
  }
  func.func @transform_14(%arg0: i32) -> (i32, i32) {
    %c0_i32 = arith.constant 0 : i32
    %c0_i32_0 = arith.constant 0 : i32
    return %arg0, %c0_i32 : i32, i32
  }
}

module attributes {stable_mosaic.version = 14 : i64} {
  func.func @_attn_body(%arg0: i32, %arg1: i32, %arg2: memref<1x512x64xf32, #tpu.memory_space<vmem>>, %arg3: memref<1x2048x64xf32, #tpu.memory_space<vmem>>, %arg4: memref<1x2048x64xf32, #tpu.memory_space<vmem>>, %arg5: memref<1x512x64xf32, #tpu.memory_space<vmem>>) attributes {dimension_semantics = [#tpu.dimension_semantics<arbitrary>, #tpu.dimension_semantics<arbitrary>], iteration_bounds = array<i64: 12, 4>, scalar_prefetch = 0 : i64, scratch_operands = 0 : i64, tpu.core_type = #tpu.core_type<tc>, window_params = [{transform_indices = @transform_0, window_bounds = array<i64: 1, 512, 64>}, {transform_indices = @transform_1, window_bounds = array<i64: 1, 2048, 64>}, {transform_indices = @transform_2, window_bounds = array<i64: 1, 2048, 64>}, {transform_indices = @transform_3, window_bounds = array<i64: 1, 512, 64>}]} {
    %get3A = arith.constant 0 : index
    %get3A_0 = arith.constant 0 : index
    %get3A_1 = arith.constant 0 : index
    %get3A_2 = vector.load %arg2[%get3A, %get3A_0, %get3A_1] : memref<1x512x64xf32, #tpu.memory_space<vmem>>, vector<1x512x64xf32>
    %get3A_3 = vector.shape_cast %get3A_2 : vector<1x512x64xf32> to vector<512x64xf32>
    %convert_element_type3A = arith.truncf %get3A_3 : vector<512x64xf32> to vector<512x64xbf16>
    %eq3A = arith.constant 0 : i32
    %eq3A_4 = arith.cmpi eq, %arg1, %eq3A : i32
    %convert_element_type3A_5 = arith.extui %eq3A_4 : i1 to i32
    %cond3A = arith.constant 0 : i32
    %cond3A_6 = arith.cmpi ne, %convert_element_type3A_5, %cond3A : i32
    scf.if %cond3A_6 {
      %get3A_22 = arith.constant 0 : index
      %get3A_23 = arith.constant 0 : index
      %get3A_24 = arith.constant 0 : index
      %get3A_25 = vector.load %arg3[%get3A_22, %get3A_23, %get3A_24] : memref<1x2048x64xf32, #tpu.memory_space<vmem>>, vector<1x512x64xf32>
      %get3A_26 = vector.shape_cast %get3A_25 : vector<1x512x64xf32> to vector<512x64xf32>
      %convert_element_type3A_27 = arith.truncf %get3A_26 : vector<512x64xf32> to vector<512x64xbf16>
      %get3A_28 = arith.constant 0 : index
      %get3A_29 = arith.constant 0 : index
      %get3A_30 = arith.constant 0 : index
      %get3A_31 = vector.load %arg4[%get3A_28, %get3A_29, %get3A_30] : memref<1x2048x64xf32, #tpu.memory_space<vmem>>, vector<1x512x64xf32>
      %get3A_32 = vector.shape_cast %get3A_31 : vector<1x512x64xf32> to vector<512x64xf32>
      %convert_element_type3A_33 = arith.truncf %get3A_32 : vector<512x64xf32> to vector<512x64xbf16>
      %dot_general3A = arith.constant dense<0.000000e+00> : vector<512x512xf32>
      %dot_general3A_34 = tpu.matmul %convert_element_type3A, %convert_element_type3A_27, %dot_general3A {dimension_numbers = #tpu.dot_dimension_numbers<[1], [1], [0], [0], [0, 0, 1, 0], [], []>, transpose_lhs_hint = false} : vector<512x64xbf16>, vector<512x64xbf16>, vector<512x512xf32> -> vector<512x512xf32>
      %mul3A = arith.constant 1.250000e-01 : f32
      %mul3A_35 = vector.broadcast %mul3A : f32 to vector<512x512xf32>
      %mul3A_36 = arith.mulf %dot_general3A_34, %mul3A_35 : vector<512x512xf32>
      %mul3A_37 = arith.constant 512 : i32
      %mul3A_38 = arith.muli %arg1, %mul3A_37 : i32
      %iota3A = tpu.iota {dimensions = array<i32: 0>} : vector<512x512xi32>
      %add3A = vector.broadcast %mul3A_38 : i32 to vector<512x512xi32>
      %add3A_39 = arith.addi %add3A, %iota3A : vector<512x512xi32>
      %iota3A_40 = tpu.iota {dimensions = array<i32: 1>} : vector<512x512xi32>
      %le3A = arith.cmpi sle, %iota3A_40, %add3A_39 : vector<512x512xi32>
      %jit3A = arith.constant -1.000000e+09 : f32
      %broadcast_in_dim3A = vector.broadcast %jit3A : f32 to vector<512x512xf32>
      %select_n3A = arith.select %le3A, %mul3A_36, %broadcast_in_dim3A : vector<512x512xi1>, vector<512x512xf32>
      %reduce_max3A = arith.constant dense<0xFF800000> : vector<512xf32>
      %reduce_max3A_41 = vector.multi_reduction <maximumf>, %select_n3A, %reduce_max3A [1] : vector<512x512xf32> to vector<512xf32>
      %broadcast_in_dim3A_42 = vector.shape_cast %reduce_max3A_41 : vector<512xf32> to vector<512x1xf32>
      %sub3A = vector.broadcast %broadcast_in_dim3A_42 : vector<512x1xf32> to vector<512x512xf32>
      %sub3A_43 = arith.subf %select_n3A, %sub3A : vector<512x512xf32>
      %exp3A = math.exp %sub3A_43 : vector<512x512xf32>
      %convert_element_type3A_44 = arith.truncf %exp3A : vector<512x512xf32> to vector<512x512xbf16>
      %dot_general3A_45 = arith.constant dense<0.000000e+00> : vector<512x64xf32>
      %dot_general3A_46 = tpu.matmul %convert_element_type3A_44, %convert_element_type3A_33, %dot_general3A_45 {dimension_numbers = #tpu.dot_dimension_numbers<[1], [0], [0], [1], [0, 0, 1, 1], [], []>, transpose_lhs_hint = false} : vector<512x512xbf16>, vector<512x64xbf16>, vector<512x64xf32> -> vector<512x64xf32>
      %reduce_sum3A = arith.constant dense<0.000000e+00> : vector<512xf32>
      %reduce_sum3A_47 = vector.multi_reduction <add>, %exp3A, %reduce_sum3A [1] : vector<512x512xf32> to vector<512xf32>
      %broadcast_in_dim3A_48 = vector.shape_cast %reduce_sum3A_47 : vector<512xf32> to vector<512x1xf32>
      %div3A = vector.broadcast %broadcast_in_dim3A_48 : vector<512x1xf32> to vector<512x64xf32>
      %div3A_49 = arith.divf %dot_general3A_46, %div3A : vector<512x64xf32>
      %swap3A = arith.constant 0 : index
      %swap3A_50 = arith.constant 0 : index
      %swap3A_51 = arith.constant 0 : index
      %swap3A_52 = vector.load %arg5[%swap3A, %swap3A_50, %swap3A_51] : memref<1x512x64xf32, #tpu.memory_space<vmem>>, vector<1x512x64xf32>
      %swap3A_53 = vector.shape_cast %swap3A_52 : vector<1x512x64xf32> to vector<512x64xf32>
      %swap3A_54 = vector.shape_cast %div3A_49 : vector<512x64xf32> to vector<1x512x64xf32>
      tpu.vector_store %arg5[%swap3A, %swap3A_50, %swap3A_51], %swap3A_54 {strides = array<i32>} : memref<1x512x64xf32, #tpu.memory_space<vmem>>, vector<1x512x64xf32>,
    } else {
    }
    %eq3A_7 = arith.constant 1 : i32
    %eq3A_8 = arith.cmpi eq, %arg1, %eq3A_7 : i32
    %convert_element_type3A_9 = arith.extui %eq3A_8 : i1 to i32
    %cond3A_10 = arith.constant 0 : i32
    %cond3A_11 = arith.cmpi ne, %convert_element_type3A_9, %cond3A_10 : i32
    scf.if %cond3A_11 {
      %get3A_22 = arith.constant 0 : index
      %get3A_23 = arith.constant 0 : index
      %get3A_24 = arith.constant 0 : index
      %get3A_25 = vector.load %arg3[%get3A_22, %get3A_23, %get3A_24] : memref<1x2048x64xf32, #tpu.memory_space<vmem>>, vector<1x1024x64xf32>
      %get3A_26 = vector.shape_cast %get3A_25 : vector<1x1024x64xf32> to vector<1024x64xf32>
      %convert_element_type3A_27 = arith.truncf %get3A_26 : vector<1024x64xf32> to vector<1024x64xbf16>
      %get3A_28 = arith.constant 0 : index
      %get3A_29 = arith.constant 0 : index
      %get3A_30 = arith.constant 0 : index
      %get3A_31 = vector.load %arg4[%get3A_28, %get3A_29, %get3A_30] : memref<1x2048x64xf32, #tpu.memory_space<vmem>>, vector<1x1024x64xf32>
      %get3A_32 = vector.shape_cast %get3A_31 : vector<1x1024x64xf32> to vector<1024x64xf32>
      %convert_element_type3A_33 = arith.truncf %get3A_32 : vector<1024x64xf32> to vector<1024x64xbf16>
      %dot_general3A = arith.constant dense<0.000000e+00> : vector<512x1024xf32>
      %dot_general3A_34 = tpu.matmul %convert_element_type3A, %convert_element_type3A_27, %dot_general3A {dimension_numbers = #tpu.dot_dimension_numbers<[1], [1], [0], [0], [0, 0, 1, 0], [], []>, transpose_lhs_hint = false} : vector<512x64xbf16>, vector<1024x64xbf16>, vector<512x1024xf32> -> vector<512x1024xf32>
      %mul3A = arith.constant 1.250000e-01 : f32
      %mul3A_35 = vector.broadcast %mul3A : f32 to vector<512x1024xf32>
      %mul3A_36 = arith.mulf %dot_general3A_34, %mul3A_35 : vector<512x1024xf32>
      %mul3A_37 = arith.constant 512 : i32
      %mul3A_38 = arith.muli %arg1, %mul3A_37 : i32
      %iota3A = tpu.iota {dimensions = array<i32: 0>} : vector<512x1024xi32>
      %add3A = vector.broadcast %mul3A_38 : i32 to vector<512x1024xi32>
      %add3A_39 = arith.addi %add3A, %iota3A : vector<512x1024xi32>
      %iota3A_40 = tpu.iota {dimensions = array<i32: 1>} : vector<512x1024xi32>
      %le3A = arith.cmpi sle, %iota3A_40, %add3A_39 : vector<512x1024xi32>
      %jit3A = arith.constant -1.000000e+09 : f32
      %broadcast_in_dim3A = vector.broadcast %jit3A : f32 to vector<512x1024xf32>
      %select_n3A = arith.select %le3A, %mul3A_36, %broadcast_in_dim3A : vector<512x1024xi1>, vector<512x1024xf32>
      %reduce_max3A = arith.constant dense<0xFF800000> : vector<512xf32>
      %reduce_max3A_41 = vector.multi_reduction <maximumf>, %select_n3A, %reduce_max3A [1] : vector<512x1024xf32> to vector<512xf32>
      %broadcast_in_dim3A_42 = vector.shape_cast %reduce_max3A_41 : vector<512xf32> to vector<512x1xf32>
      %sub3A = vector.broadcast %broadcast_in_dim3A_42 : vector<512x1xf32> to vector<512x1024xf32>
      %sub3A_43 = arith.subf %select_n3A, %sub3A : vector<512x1024xf32>
      %exp3A = math.exp %sub3A_43 : vector<512x1024xf32>
      %convert_element_type3A_44 = arith.truncf %exp3A : vector<512x1024xf32> to vector<512x1024xbf16>
      %dot_general3A_45 = arith.constant dense<0.000000e+00> : vector<512x64xf32>
      %dot_general3A_46 = tpu.matmul %convert_element_type3A_44, %convert_element_type3A_33, %dot_general3A_45 {dimension_numbers = #tpu.dot_dimension_numbers<[1], [0], [0], [1], [0, 0, 1, 1], [], []>, transpose_lhs_hint = false} : vector<512x1024xbf16>, vector<1024x64xbf16>, vector<512x64xf32> -> vector<512x64xf32>
      %reduce_sum3A = arith.constant dense<0.000000e+00> : vector<512xf32>
      %reduce_sum3A_47 = vector.multi_reduction <add>, %exp3A, %reduce_sum3A [1] : vector<512x1024xf32> to vector<512xf32>
      %broadcast_in_dim3A_48 = vector.shape_cast %reduce_sum3A_47 : vector<512xf32> to vector<512x1xf32>
      %div3A = vector.broadcast %broadcast_in_dim3A_48 : vector<512x1xf32> to vector<512x64xf32>
      %div3A_49 = arith.divf %dot_general3A_46, %div3A : vector<512x64xf32>
      %swap3A = arith.constant 0 : index
      %swap3A_50 = arith.constant 0 : index
      %swap3A_51 = arith.constant 0 : index
      %swap3A_52 = vector.load %arg5[%swap3A, %swap3A_50, %swap3A_51] : memref<1x512x64xf32, #tpu.memory_space<vmem>>, vector<1x512x64xf32>
      %swap3A_53 = vector.shape_cast %swap3A_52 : vector<1x512x64xf32> to vector<512x64xf32>
      %swap3A_54 = vector.shape_cast %div3A_49 : vector<512x64xf32> to vector<1x512x64xf32>
      tpu.vector_store %arg5[%swap3A, %swap3A_50, %swap3A_51], %swap3A_54 {strides = array<i32>} : memref<1x512x64xf32, #tpu.memory_space<vmem>>, vector<1x512x64xf32>,
    } else {
    }
    %eq3A_12 = arith.constant 2 : i32
    %eq3A_13 = arith.cmpi eq, %arg1, %eq3A_12 : i32
    %convert_element_type3A_14 = arith.extui %eq3A_13 : i1 to i32
    %cond3A_15 = arith.constant 0 : i32
    %cond3A_16 = arith.cmpi ne, %convert_element_type3A_14, %cond3A_15 : i32
    scf.if %cond3A_16 {
      %get3A_22 = arith.constant 0 : index
      %get3A_23 = arith.constant 0 : index
      %get3A_24 = arith.constant 0 : index
      %get3A_25 = vector.load %arg3[%get3A_22, %get3A_23, %get3A_24] : memref<1x2048x64xf32, #tpu.memory_space<vmem>>, vector<1x1536x64xf32>
      %get3A_26 = vector.shape_cast %get3A_25 : vector<1x1536x64xf32> to vector<1536x64xf32>
      %convert_element_type3A_27 = arith.truncf %get3A_26 : vector<1536x64xf32> to vector<1536x64xbf16>
      %get3A_28 = arith.constant 0 : index
      %get3A_29 = arith.constant 0 : index
      %get3A_30 = arith.constant 0 : index
      %get3A_31 = vector.load %arg4[%get3A_28, %get3A_29, %get3A_30] : memref<1x2048x64xf32, #tpu.memory_space<vmem>>, vector<1x1536x64xf32>
      %get3A_32 = vector.shape_cast %get3A_31 : vector<1x1536x64xf32> to vector<1536x64xf32>
      %convert_element_type3A_33 = arith.truncf %get3A_32 : vector<1536x64xf32> to vector<1536x64xbf16>
      %dot_general3A = arith.constant dense<0.000000e+00> : vector<512x1536xf32>
      %dot_general3A_34 = tpu.matmul %convert_element_type3A, %convert_element_type3A_27, %dot_general3A {dimension_numbers = #tpu.dot_dimension_numbers<[1], [1], [0], [0], [0, 0, 1, 0], [], []>, transpose_lhs_hint = false} : vector<512x64xbf16>, vector<1536x64xbf16>, vector<512x1536xf32> -> vector<512x1536xf32>
      %mul3A = arith.constant 1.250000e-01 : f32
      %mul3A_35 = vector.broadcast %mul3A : f32 to vector<512x1536xf32>
      %mul3A_36 = arith.mulf %dot_general3A_34, %mul3A_35 : vector<512x1536xf32>
      %mul3A_37 = arith.constant 512 : i32
      %mul3A_38 = arith.muli %arg1, %mul3A_37 : i32
      %iota3A = tpu.iota {dimensions = array<i32: 0>} : vector<512x1536xi32>
      %add3A = vector.broadcast %mul3A_38 : i32 to vector<512x1536xi32>
      %add3A_39 = arith.addi %add3A, %iota3A : vector<512x1536xi32>
      %iota3A_40 = tpu.iota {dimensions = array<i32: 1>} : vector<512x1536xi32>
      %le3A = arith.cmpi sle, %iota3A_40, %add3A_39 : vector<512x1536xi32>
      %jit3A = arith.constant -1.000000e+09 : f32
      %broadcast_in_dim3A = vector.broadcast %jit3A : f32 to vector<512x1536xf32>
      %select_n3A = arith.select %le3A, %mul3A_36, %broadcast_in_dim3A : vector<512x1536xi1>, vector<512x1536xf32>
      %reduce_max3A = arith.constant dense<0xFF800000> : vector<512xf32>
      %reduce_max3A_41 = vector.multi_reduction <maximumf>, %select_n3A, %reduce_max3A [1] : vector<512x1536xf32> to vector<512xf32>
      %broadcast_in_dim3A_42 = vector.shape_cast %reduce_max3A_41 : vector<512xf32> to vector<512x1xf32>
      %sub3A = vector.broadcast %broadcast_in_dim3A_42 : vector<512x1xf32> to vector<512x1536xf32>
      %sub3A_43 = arith.subf %select_n3A, %sub3A : vector<512x1536xf32>
      %exp3A = math.exp %sub3A_43 : vector<512x1536xf32>
      %convert_element_type3A_44 = arith.truncf %exp3A : vector<512x1536xf32> to vector<512x1536xbf16>
      %dot_general3A_45 = arith.constant dense<0.000000e+00> : vector<512x64xf32>
      %dot_general3A_46 = tpu.matmul %convert_element_type3A_44, %convert_element_type3A_33, %dot_general3A_45 {dimension_numbers = #tpu.dot_dimension_numbers<[1], [0], [0], [1], [0, 0, 1, 1], [], []>, transpose_lhs_hint = false} : vector<512x1536xbf16>, vector<1536x64xbf16>, vector<512x64xf32> -> vector<512x64xf32>
      %reduce_sum3A = arith.constant dense<0.000000e+00> : vector<512xf32>
      %reduce_sum3A_47 = vector.multi_reduction <add>, %exp3A, %reduce_sum3A [1] : vector<512x1536xf32> to vector<512xf32>
      %broadcast_in_dim3A_48 = vector.shape_cast %reduce_sum3A_47 : vector<512xf32> to vector<512x1xf32>
      %div3A = vector.broadcast %broadcast_in_dim3A_48 : vector<512x1xf32> to vector<512x64xf32>
      %div3A_49 = arith.divf %dot_general3A_46, %div3A : vector<512x64xf32>
      %swap3A = arith.constant 0 : index
      %swap3A_50 = arith.constant 0 : index
      %swap3A_51 = arith.constant 0 : index
      %swap3A_52 = vector.load %arg5[%swap3A, %swap3A_50, %swap3A_51] : memref<1x512x64xf32, #tpu.memory_space<vmem>>, vector<1x512x64xf32>
      %swap3A_53 = vector.shape_cast %swap3A_52 : vector<1x512x64xf32> to vector<512x64xf32>
      %swap3A_54 = vector.shape_cast %div3A_49 : vector<512x64xf32> to vector<1x512x64xf32>
      tpu.vector_store %arg5[%swap3A, %swap3A_50, %swap3A_51], %swap3A_54 {strides = array<i32>} : memref<1x512x64xf32, #tpu.memory_space<vmem>>, vector<1x512x64xf32>,
    } else {
    }
    %eq3A_17 = arith.constant 3 : i32
    %eq3A_18 = arith.cmpi eq, %arg1, %eq3A_17 : i32
    %convert_element_type3A_19 = arith.extui %eq3A_18 : i1 to i32
    %cond3A_20 = arith.constant 0 : i32
    %cond3A_21 = arith.cmpi ne, %convert_element_type3A_19, %cond3A_20 : i32
    scf.if %cond3A_21 {
      %get3A_22 = arith.constant 0 : index
      %get3A_23 = arith.constant 0 : index
      %get3A_24 = arith.constant 0 : index
      %get3A_25 = vector.load %arg3[%get3A_22, %get3A_23, %get3A_24] : memref<1x2048x64xf32, #tpu.memory_space<vmem>>, vector<1x2048x64xf32>
      %get3A_26 = vector.shape_cast %get3A_25 : vector<1x2048x64xf32> to vector<2048x64xf32>
      %convert_element_type3A_27 = arith.truncf %get3A_26 : vector<2048x64xf32> to vector<2048x64xbf16>
      %get3A_28 = arith.constant 0 : index
      %get3A_29 = arith.constant 0 : index
      %get3A_30 = arith.constant 0 : index
      %get3A_31 = vector.load %arg4[%get3A_28, %get3A_29, %get3A_30] : memref<1x2048x64xf32, #tpu.memory_space<vmem>>, vector<1x2048x64xf32>
      %get3A_32 = vector.shape_cast %get3A_31 : vector<1x2048x64xf32> to vector<2048x64xf32>
      %convert_element_type3A_33 = arith.truncf %get3A_32 : vector<2048x64xf32> to vector<2048x64xbf16>
      %dot_general3A = arith.constant dense<0.000000e+00> : vector<512x2048xf32>
      %dot_general3A_34 = tpu.matmul %convert_element_type3A, %convert_element_type3A_27, %dot_general3A {dimension_numbers = #tpu.dot_dimension_numbers<[1], [1], [0], [0], [0, 0, 1, 0], [], []>, transpose_lhs_hint = false} : vector<512x64xbf16>, vector<2048x64xbf16>, vector<512x2048xf32> -> vector<512x2048xf32>
      %mul3A = arith.constant 1.250000e-01 : f32
      %mul3A_35 = vector.broadcast %mul3A : f32 to vector<512x2048xf32>
      %mul3A_36 = arith.mulf %dot_general3A_34, %mul3A_35 : vector<512x2048xf32>
      %mul3A_37 = arith.constant 512 : i32
      %mul3A_38 = arith.muli %arg1, %mul3A_37 : i32
      %iota3A = tpu.iota {dimensions = array<i32: 0>} : vector<512x2048xi32>
      %add3A = vector.broadcast %mul3A_38 : i32 to vector<512x2048xi32>
      %add3A_39 = arith.addi %add3A, %iota3A : vector<512x2048xi32>
      %iota3A_40 = tpu.iota {dimensions = array<i32: 1>} : vector<512x2048xi32>
      %le3A = arith.cmpi sle, %iota3A_40, %add3A_39 : vector<512x2048xi32>
      %jit3A = arith.constant -1.000000e+09 : f32
      %broadcast_in_dim3A = vector.broadcast %jit3A : f32 to vector<512x2048xf32>
      %select_n3A = arith.select %le3A, %mul3A_36, %broadcast_in_dim3A : vector<512x2048xi1>, vector<512x2048xf32>
      %reduce_max3A = arith.constant dense<0xFF800000> : vector<512xf32>
      %reduce_max3A_41 = vector.multi_reduction <maximumf>, %select_n3A, %reduce_max3A [1] : vector<512x2048xf32> to vector<512xf32>
      %broadcast_in_dim3A_42 = vector.shape_cast %reduce_max3A_41 : vector<512xf32> to vector<512x1xf32>
      %sub3A = vector.broadcast %broadcast_in_dim3A_42 : vector<512x1xf32> to vector<512x2048xf32>
      %sub3A_43 = arith.subf %select_n3A, %sub3A : vector<512x2048xf32>
      %exp3A = math.exp %sub3A_43 : vector<512x2048xf32>
      %convert_element_type3A_44 = arith.truncf %exp3A : vector<512x2048xf32> to vector<512x2048xbf16>
      %dot_general3A_45 = arith.constant dense<0.000000e+00> : vector<512x64xf32>
      %dot_general3A_46 = tpu.matmul %convert_element_type3A_44, %convert_element_type3A_33, %dot_general3A_45 {dimension_numbers = #tpu.dot_dimension_numbers<[1], [0], [0], [1], [0, 0, 1, 1], [], []>, transpose_lhs_hint = false} : vector<512x2048xbf16>, vector<2048x64xbf16>, vector<512x64xf32> -> vector<512x64xf32>
      %reduce_sum3A = arith.constant dense<0.000000e+00> : vector<512xf32>
      %reduce_sum3A_47 = vector.multi_reduction <add>, %exp3A, %reduce_sum3A [1] : vector<512x2048xf32> to vector<512xf32>
      %broadcast_in_dim3A_48 = vector.shape_cast %reduce_sum3A_47 : vector<512xf32> to vector<512x1xf32>
      %div3A = vector.broadcast %broadcast_in_dim3A_48 : vector<512x1xf32> to vector<512x64xf32>
      %div3A_49 = arith.divf %dot_general3A_46, %div3A : vector<512x64xf32>
      %swap3A = arith.constant 0 : index
      %swap3A_50 = arith.constant 0 : index
      %swap3A_51 = arith.constant 0 : index
      %swap3A_52 = vector.load %arg5[%swap3A, %swap3A_50, %swap3A_51] : memref<1x512x64xf32, #tpu.memory_space<vmem>>, vector<1x512x64xf32>
      %swap3A_53 = vector.shape_cast %swap3A_52 : vector<1x512x64xf32> to vector<512x64xf32>
      %swap3A_54 = vector.shape_cast %div3A_49 : vector<512x64xf32> to vector<1x512x64xf32>
      tpu.vector_store %arg5[%swap3A, %swap3A_50, %swap3A_51], %swap3A_54 {strides = array<i32>} : memref<1x512x64xf32, #tpu.memory_space<vmem>>, vector<1x512x64xf32>,
    } else {
    }
    return
  }
  func.func @transform_0(%arg0: i32, %arg1: i32) -> (i32, i32, i32) {
    %c0_i32 = arith.constant 0 : i32
    %c0_i32_0 = arith.constant 0 : i32
    return %arg0, %arg1, %c0_i32 : i32, i32, i32
  }
  func.func @transform_1(%arg0: i32, %arg1: i32) -> (i32, i32, i32) {
    %jit3A = arith.constant 3 : i32
    %div3A = arith.divsi %arg0, %jit3A : i32
    %sign3A = arith.constant 0 : i32
    %sign3A_0 = arith.cmpi sgt, %arg0, %sign3A : i32
    %sign3A_1 = arith.extui %sign3A_0 : i1 to i32
    %sign3A_2 = arith.constant 0 : i32
    %sign3A_3 = arith.cmpi slt, %arg0, %sign3A_2 : i32
    %sign3A_4 = arith.extui %sign3A_3 : i1 to i32
    %sign3A_5 = arith.subi %sign3A_1, %sign3A_4 : i32
    %sign3A_6 = arith.constant 0 : i32
    %sign3A_7 = arith.cmpi sgt, %jit3A, %sign3A_6 : i32
    %sign3A_8 = arith.extui %sign3A_7 : i1 to i32
    %sign3A_9 = arith.constant 0 : i32
    %sign3A_10 = arith.cmpi slt, %jit3A, %sign3A_9 : i32
    %sign3A_11 = arith.extui %sign3A_10 : i1 to i32
    %sign3A_12 = arith.subi %sign3A_8, %sign3A_11 : i32
    %ne3A = arith.cmpi ne, %sign3A_5, %sign3A_12 : i32
    %rem3A = arith.remsi %arg0, %jit3A : i32
    %ne3A_13 = arith.constant 0 : i32
    %ne3A_14 = arith.cmpi ne, %rem3A, %ne3A_13 : i32
    %and3A = arith.andi %ne3A, %ne3A_14 : i1
    %sub3A = arith.constant 1 : i32
    %sub3A_15 = arith.subi %div3A, %sub3A : i32
    %select_n3A = arith.select %and3A, %sub3A_15, %div3A : i32
    %c0_i32 = arith.constant 0 : i32
    %c0_i32_16 = arith.constant 0 : i32
    %c0_i32_17 = arith.constant 0 : i32
    return %select_n3A, %c0_i32, %c0_i32_16 : i32, i32, i32
  }
  func.func @transform_2(%arg0: i32, %arg1: i32) -> (i32, i32, i32) {
    %jit3A = arith.constant 3 : i32
    %div3A = arith.divsi %arg0, %jit3A : i32
    %sign3A = arith.constant 0 : i32
    %sign3A_0 = arith.cmpi sgt, %arg0, %sign3A : i32
    %sign3A_1 = arith.extui %sign3A_0 : i1 to i32
    %sign3A_2 = arith.constant 0 : i32
    %sign3A_3 = arith.cmpi slt, %arg0, %sign3A_2 : i32
    %sign3A_4 = arith.extui %sign3A_3 : i1 to i32
    %sign3A_5 = arith.subi %sign3A_1, %sign3A_4 : i32
    %sign3A_6 = arith.constant 0 : i32
    %sign3A_7 = arith.cmpi sgt, %jit3A, %sign3A_6 : i32
    %sign3A_8 = arith.extui %sign3A_7 : i1 to i32
    %sign3A_9 = arith.constant 0 : i32
    %sign3A_10 = arith.cmpi slt, %jit3A, %sign3A_9 : i32
    %sign3A_11 = arith.extui %sign3A_10 : i1 to i32
    %sign3A_12 = arith.subi %sign3A_8, %sign3A_11 : i32
    %ne3A = arith.cmpi ne, %sign3A_5, %sign3A_12 : i32
    %rem3A = arith.remsi %arg0, %jit3A : i32
    %ne3A_13 = arith.constant 0 : i32
    %ne3A_14 = arith.cmpi ne, %rem3A, %ne3A_13 : i32
    %and3A = arith.andi %ne3A, %ne3A_14 : i1
    %sub3A = arith.constant 1 : i32
    %sub3A_15 = arith.subi %div3A, %sub3A : i32
    %select_n3A = arith.select %and3A, %sub3A_15, %div3A : i32
    %c0_i32 = arith.constant 0 : i32
    %c0_i32_16 = arith.constant 0 : i32
    %c0_i32_17 = arith.constant 0 : i32
    return %select_n3A, %c0_i32, %c0_i32_16 : i32, i32, i32
  }
  func.func @transform_3(%arg0: i32, %arg1: i32) -> (i32, i32, i32) {
    %c0_i32 = arith.constant 0 : i32
    %c0_i32_0 = arith.constant 0 : i32
    return %arg0, %arg1, %c0_i32 : i32, i32, i32
  }
}

module attributes {stable_mosaic.version = 14 : i64} {
  func.func @_postattn_body(%arg0: i32, %arg1: memref<12x512x64xf32, #tpu.memory_space<vmem>>, %arg2: memref<768x768xf32, #tpu.memory_space<vmem>>, %arg3: memref<512x768xf32, #tpu.memory_space<vmem>>, %arg4: memref<1x768xf32, #tpu.memory_space<vmem>>, %arg5: memref<768x64xf32, #tpu.memory_space<vmem>>, %arg6: memref<512x768xf32, #tpu.memory_space<vmem>>, %arg7: memref<512x768xf32, #tpu.memory_space<vmem>>, %arg8: memref<512x64xf32, #tpu.memory_space<vmem>>) attributes {dimension_semantics = [#tpu.dimension_semantics<arbitrary>], iteration_bounds = array<i64: 4>, scalar_prefetch = 0 : i64, scratch_operands = 0 : i64, tpu.core_type = #tpu.core_type<tc>, window_params = [{transform_indices = @transform_0, window_bounds = array<i64: 12, 512, 64>}, {pipeline_mode = #tpu.pipeline_mode<synchronous>, transform_indices = @transform_1, window_bounds = array<i64: 768, 768>}, {transform_indices = @transform_2, window_bounds = array<i64: 512, 768>}, {pipeline_mode = #tpu.pipeline_mode<synchronous>, transform_indices = @transform_3, window_bounds = array<i64: 1, 768>}, {pipeline_mode = #tpu.pipeline_mode<synchronous>, transform_indices = @transform_4, window_bounds = array<i64: 768, 64>}, {transform_indices = @transform_5, window_bounds = array<i64: 512, 768>}, {transform_indices = @transform_6, window_bounds = array<i64: 512, 768>}, {transform_indices = @transform_7, window_bounds = array<i64: 512, 64>}]} {
    %get3A = arith.constant 0 : index
    %get3A_0 = arith.constant 0 : index
    %get3A_1 = arith.constant 0 : index
    %get3A_2 = vector.load %arg1[%get3A, %get3A_0, %get3A_1] : memref<12x512x64xf32, #tpu.memory_space<vmem>>, vector<1x512x64xf32>
    %get3A_3 = vector.shape_cast %get3A_2 : vector<1x512x64xf32> to vector<512x64xf32>
    %get3A_4 = arith.constant 1 : index
    %get3A_5 = arith.constant 0 : index
    %get3A_6 = arith.constant 0 : index
    %get3A_7 = vector.load %arg1[%get3A_4, %get3A_5, %get3A_6] : memref<12x512x64xf32, #tpu.memory_space<vmem>>, vector<1x512x64xf32>
    %get3A_8 = vector.shape_cast %get3A_7 : vector<1x512x64xf32> to vector<512x64xf32>
    %get3A_9 = arith.constant 2 : index
    %get3A_10 = arith.constant 0 : index
    %get3A_11 = arith.constant 0 : index
    %get3A_12 = vector.load %arg1[%get3A_9, %get3A_10, %get3A_11] : memref<12x512x64xf32, #tpu.memory_space<vmem>>, vector<1x512x64xf32>
    %get3A_13 = vector.shape_cast %get3A_12 : vector<1x512x64xf32> to vector<512x64xf32>
    %get3A_14 = arith.constant 3 : index
    %get3A_15 = arith.constant 0 : index
    %get3A_16 = arith.constant 0 : index
    %get3A_17 = vector.load %arg1[%get3A_14, %get3A_15, %get3A_16] : memref<12x512x64xf32, #tpu.memory_space<vmem>>, vector<1x512x64xf32>
    %get3A_18 = vector.shape_cast %get3A_17 : vector<1x512x64xf32> to vector<512x64xf32>
    %get3A_19 = arith.constant 4 : index
    %get3A_20 = arith.constant 0 : index
    %get3A_21 = arith.constant 0 : index
    %get3A_22 = vector.load %arg1[%get3A_19, %get3A_20, %get3A_21] : memref<12x512x64xf32, #tpu.memory_space<vmem>>, vector<1x512x64xf32>
    %get3A_23 = vector.shape_cast %get3A_22 : vector<1x512x64xf32> to vector<512x64xf32>
    %get3A_24 = arith.constant 5 : index
    %get3A_25 = arith.constant 0 : index
    %get3A_26 = arith.constant 0 : index
    %get3A_27 = vector.load %arg1[%get3A_24, %get3A_25, %get3A_26] : memref<12x512x64xf32, #tpu.memory_space<vmem>>, vector<1x512x64xf32>
    %get3A_28 = vector.shape_cast %get3A_27 : vector<1x512x64xf32> to vector<512x64xf32>
    %get3A_29 = arith.constant 6 : index
    %get3A_30 = arith.constant 0 : index
    %get3A_31 = arith.constant 0 : index
    %get3A_32 = vector.load %arg1[%get3A_29, %get3A_30, %get3A_31] : memref<12x512x64xf32, #tpu.memory_space<vmem>>, vector<1x512x64xf32>
    %get3A_33 = vector.shape_cast %get3A_32 : vector<1x512x64xf32> to vector<512x64xf32>
    %get3A_34 = arith.constant 7 : index
    %get3A_35 = arith.constant 0 : index
    %get3A_36 = arith.constant 0 : index
    %get3A_37 = vector.load %arg1[%get3A_34, %get3A_35, %get3A_36] : memref<12x512x64xf32, #tpu.memory_space<vmem>>, vector<1x512x64xf32>
    %get3A_38 = vector.shape_cast %get3A_37 : vector<1x512x64xf32> to vector<512x64xf32>
    %get3A_39 = arith.constant 8 : index
    %get3A_40 = arith.constant 0 : index
    %get3A_41 = arith.constant 0 : index
    %get3A_42 = vector.load %arg1[%get3A_39, %get3A_40, %get3A_41] : memref<12x512x64xf32, #tpu.memory_space<vmem>>, vector<1x512x64xf32>
    %get3A_43 = vector.shape_cast %get3A_42 : vector<1x512x64xf32> to vector<512x64xf32>
    %get3A_44 = arith.constant 9 : index
    %get3A_45 = arith.constant 0 : index
    %get3A_46 = arith.constant 0 : index
    %get3A_47 = vector.load %arg1[%get3A_44, %get3A_45, %get3A_46] : memref<12x512x64xf32, #tpu.memory_space<vmem>>, vector<1x512x64xf32>
    %get3A_48 = vector.shape_cast %get3A_47 : vector<1x512x64xf32> to vector<512x64xf32>
    %get3A_49 = arith.constant 10 : index
    %get3A_50 = arith.constant 0 : index
    %get3A_51 = arith.constant 0 : index
    %get3A_52 = vector.load %arg1[%get3A_49, %get3A_50, %get3A_51] : memref<12x512x64xf32, #tpu.memory_space<vmem>>, vector<1x512x64xf32>
    %get3A_53 = vector.shape_cast %get3A_52 : vector<1x512x64xf32> to vector<512x64xf32>
    %get3A_54 = arith.constant 11 : index
    %get3A_55 = arith.constant 0 : index
    %get3A_56 = arith.constant 0 : index
    %get3A_57 = vector.load %arg1[%get3A_54, %get3A_55, %get3A_56] : memref<12x512x64xf32, #tpu.memory_space<vmem>>, vector<1x512x64xf32>
    %get3A_58 = vector.shape_cast %get3A_57 : vector<1x512x64xf32> to vector<512x64xf32>
    %concatenate3A = tpu.concatenate %get3A_3, %get3A_8, %get3A_13, %get3A_18, %get3A_23, %get3A_28, %get3A_33, %get3A_38, %get3A_43, %get3A_48, %get3A_53, %get3A_58 in 1 : vector<512x64xf32>, vector<512x64xf32>, vector<512x64xf32>, vector<512x64xf32>, vector<512x64xf32>, vector<512x64xf32>, vector<512x64xf32>, vector<512x64xf32>, vector<512x64xf32>, vector<512x64xf32>, vector<512x64xf32>, vector<512x64xf32> -> vector<512x768xf32>
    %get3A_59 = arith.constant 0 : index
    %get3A_60 = arith.constant 0 : index
    %get3A_61 = vector.load %arg3[%get3A_59, %get3A_60] : memref<512x768xf32, #tpu.memory_space<vmem>>, vector<512x768xf32>
    %convert_element_type3A = arith.truncf %concatenate3A : vector<512x768xf32> to vector<512x768xbf16>
    %get3A_62 = arith.constant 0 : index
    %get3A_63 = arith.constant 0 : index
    %get3A_64 = vector.load %arg2[%get3A_62, %get3A_63] : memref<768x768xf32, #tpu.memory_space<vmem>>, vector<768x768xf32>
    %convert_element_type3A_65 = arith.truncf %get3A_64 : vector<768x768xf32> to vector<768x768xbf16>
    %dot_general3A = arith.constant dense<0.000000e+00> : vector<512x768xf32>
    %dot_general3A_66 = tpu.matmul %convert_element_type3A, %convert_element_type3A_65, %dot_general3A {dimension_numbers = #tpu.dot_dimension_numbers<[1], [0], [0], [1], [0, 0, 1, 1], [], []>, transpose_lhs_hint = false} : vector<512x768xbf16>, vector<768x768xbf16>, vector<512x768xf32> -> vector<512x768xf32>
    %add3A = arith.addf %get3A_61, %dot_general3A_66 : vector<512x768xf32>
    %mul3A = arith.mulf %add3A, %add3A : vector<512x768xf32>
    %reduce_sum3A = arith.constant dense<0.000000e+00> : vector<512xf32>
    %reduce_sum3A_67 = vector.multi_reduction <add>, %mul3A, %reduce_sum3A [1] : vector<512x768xf32> to vector<512xf32>
    %broadcast_in_dim3A = vector.shape_cast %reduce_sum3A_67 : vector<512xf32> to vector<512x1xf32>
    %div3A = arith.constant 7.680000e+02 : f32
    %div3A_68 = vector.broadcast %div3A : f32 to vector<512x1xf32>
    %div3A_69 = arith.divf %broadcast_in_dim3A, %div3A_68 : vector<512x1xf32>
    %add3A_70 = arith.constant 9.99999997E-7 : f32
    %add3A_71 = vector.broadcast %add3A_70 : f32 to vector<512x1xf32>
    %add3A_72 = arith.addf %div3A_69, %add3A_71 : vector<512x1xf32>
    %rsqrt3A = math.rsqrt %add3A_72 : vector<512x1xf32>
    %mul3A_73 = vector.broadcast %rsqrt3A : vector<512x1xf32> to vector<512x768xf32>
    %mul3A_74 = arith.mulf %add3A, %mul3A_73 : vector<512x768xf32>
    %get3A_75 = arith.constant 0 : index
    %get3A_76 = arith.constant 0 : index
    %get3A_77 = vector.load %arg4[%get3A_75, %get3A_76] : memref<1x768xf32, #tpu.memory_space<vmem>>, vector<1x768xf32>
    %mul3A_78 = vector.broadcast %get3A_77 : vector<1x768xf32> to vector<512x768xf32>
    %mul3A_79 = arith.mulf %mul3A_74, %mul3A_78 : vector<512x768xf32>
    %swap3A = arith.constant 0 : index
    %swap3A_80 = arith.constant 0 : index
    %swap3A_81 = vector.load %arg6[%swap3A, %swap3A_80] : memref<512x768xf32, #tpu.memory_space<vmem>>, vector<512x768xf32>
    tpu.vector_store %arg6[%swap3A, %swap3A_80], %add3A {strides = array<i32>} : memref<512x768xf32, #tpu.memory_space<vmem>>, vector<512x768xf32>,
    %swap3A_82 = arith.constant 0 : index
    %swap3A_83 = arith.constant 0 : index
    %swap3A_84 = vector.load %arg7[%swap3A_82, %swap3A_83] : memref<512x768xf32, #tpu.memory_space<vmem>>, vector<512x768xf32>
    tpu.vector_store %arg7[%swap3A_82, %swap3A_83], %mul3A_79 {strides = array<i32>} : memref<512x768xf32, #tpu.memory_space<vmem>>, vector<512x768xf32>,
    %get3A_85 = arith.constant 0 : index
    %get3A_86 = arith.constant 0 : index
    %get3A_87 = vector.load %arg5[%get3A_85, %get3A_86] : memref<768x64xf32, #tpu.memory_space<vmem>>, vector<768x64xf32>
    %dot_general3A_88 = arith.constant dense<0.000000e+00> : vector<512x64xf32>
    %dot_general3A_89 = tpu.matmul %mul3A_79, %get3A_87, %dot_general3A_88 {dimension_numbers = #tpu.dot_dimension_numbers<[1], [0], [0], [1], [0, 0, 1, 1], [], []>, transpose_lhs_hint = false} : vector<512x768xf32>, vector<768x64xf32>, vector<512x64xf32> -> vector<512x64xf32>
    %swap3A_90 = arith.constant 0 : index
    %swap3A_91 = arith.constant 0 : index
    %swap3A_92 = vector.load %arg8[%swap3A_90, %swap3A_91] : memref<512x64xf32, #tpu.memory_space<vmem>>, vector<512x64xf32>
    tpu.vector_store %arg8[%swap3A_90, %swap3A_91], %dot_general3A_89 {strides = array<i32>} : memref<512x64xf32, #tpu.memory_space<vmem>>, vector<512x64xf32>,
    return
  }
  func.func @transform_0(%arg0: i32) -> (i32, i32, i32) {
    %c0_i32 = arith.constant 0 : i32
    %c0_i32_0 = arith.constant 0 : i32
    %c0_i32_1 = arith.constant 0 : i32
    return %c0_i32, %arg0, %c0_i32_0 : i32, i32, i32
  }
  func.func @transform_1(%arg0: i32) -> (i32, i32) {
    %c0_i32 = arith.constant 0 : i32
    %c0_i32_0 = arith.constant 0 : i32
    %c0_i32_1 = arith.constant 0 : i32
    return %c0_i32, %c0_i32_0 : i32, i32
  }
  func.func @transform_2(%arg0: i32) -> (i32, i32) {
    %c0_i32 = arith.constant 0 : i32
    %c0_i32_0 = arith.constant 0 : i32
    return %arg0, %c0_i32 : i32, i32
  }
  func.func @transform_3(%arg0: i32) -> (i32, i32) {
    %c0_i32 = arith.constant 0 : i32
    %c0_i32_0 = arith.constant 0 : i32
    %c0_i32_1 = arith.constant 0 : i32
    return %c0_i32, %c0_i32_0 : i32, i32
  }
  func.func @transform_4(%arg0: i32) -> (i32, i32) {
    %c0_i32 = arith.constant 0 : i32
    %c0_i32_0 = arith.constant 0 : i32
    %c0_i32_1 = arith.constant 0 : i32
    return %c0_i32, %c0_i32_0 : i32, i32
  }
  func.func @transform_5(%arg0: i32) -> (i32, i32) {
    %c0_i32 = arith.constant 0 : i32
    %c0_i32_0 = arith.constant 0 : i32
    return %arg0, %c0_i32 : i32, i32
  }
  func.func @transform_6(%arg0: i32) -> (i32, i32) {
    %c0_i32 = arith.constant 0 : i32
    %c0_i32_0 = arith.constant 0 : i32
    return %arg0, %c0_i32 : i32, i32
  }
  func.func @transform_7(%arg0: i32) -> (i32, i32) {
    %c0_i32 = arith.constant 0 : i32
    %c0_i32_0 = arith.constant 0 : i32
    return %arg0, %c0_i32 : i32, i32
  }
}

module attributes {stable_mosaic.version = 14 : i64} {
  func.func @_route_body(%arg0: i32, %arg1: memref<512x64xf32, #tpu.memory_space<vmem>>, %arg2: memref<512x1xi32, #tpu.memory_space<vmem>>, %arg3: memref<512x1xf32, #tpu.memory_space<vmem>>, %arg4: memref<1x1xf32, #tpu.memory_space<vmem>>, %arg5: memref<1x64xf32, #tpu.memory_space<vmem>>, %arg6: memref<1x64xf32, #tpu.memory_space<vmem>>) attributes {dimension_semantics = [#tpu.dimension_semantics<arbitrary>], iteration_bounds = array<i64: 8>, scalar_prefetch = 0 : i64, scratch_operands = 2 : i64, tpu.core_type = #tpu.core_type<tc>, window_params = [{transform_indices = @transform_0, window_bounds = array<i64: 512, 64>}, {transform_indices = @transform_1, window_bounds = array<i64: 512, 1>}, {transform_indices = @transform_2, window_bounds = array<i64: 512, 1>}, {pipeline_mode = #tpu.pipeline_mode<synchronous>, transform_indices = @transform_3, window_bounds = array<i64: 1, 1>}]} {
    %eq3A = arith.constant 0 : i32
    %eq3A_0 = arith.cmpi eq, %arg0, %eq3A : i32
    %convert_element_type3A = arith.extui %eq3A_0 : i1 to i32
    %cond3A = arith.constant 0 : i32
    %cond3A_1 = arith.cmpi ne, %convert_element_type3A, %cond3A : i32
    scf.if %cond3A_1 {
      %broadcast_in_dim3A_128 = arith.constant 0.000000e+00 : f32
      %broadcast_in_dim3A_129 = vector.broadcast %broadcast_in_dim3A_128 : f32 to vector<1x64xf32>
      %swap3A_130 = arith.constant 0 : index
      %swap3A_131 = arith.constant 0 : index
      %swap3A_132 = vector.load %arg5[%swap3A_130, %swap3A_131] : memref<1x64xf32, #tpu.memory_space<vmem>>, vector<1x64xf32>
      tpu.vector_store %arg5[%swap3A_130, %swap3A_131], %broadcast_in_dim3A_129 {strides = array<i32>} : memref<1x64xf32, #tpu.memory_space<vmem>>, vector<1x64xf32>,
      %broadcast_in_dim3A_133 = arith.constant 0.000000e+00 : f32
      %broadcast_in_dim3A_134 = vector.broadcast %broadcast_in_dim3A_133 : f32 to vector<1x64xf32>
      %swap3A_135 = arith.constant 0 : index
      %swap3A_136 = arith.constant 0 : index
      %swap3A_137 = vector.load %arg6[%swap3A_135, %swap3A_136] : memref<1x64xf32, #tpu.memory_space<vmem>>, vector<1x64xf32>
      tpu.vector_store %arg6[%swap3A_135, %swap3A_136], %broadcast_in_dim3A_134 {strides = array<i32>} : memref<1x64xf32, #tpu.memory_space<vmem>>, vector<1x64xf32>,
    } else {
    }
    %get3A = arith.constant 0 : index
    %get3A_2 = arith.constant 0 : index
    %get3A_3 = vector.load %arg1[%get3A, %get3A_2] : memref<512x64xf32, #tpu.memory_space<vmem>>, vector<512x64xf32>
    %reduce_max3A = arith.constant dense<0xFF800000> : vector<512xf32>
    %reduce_max3A_4 = vector.multi_reduction <maximumf>, %get3A_3, %reduce_max3A [1] : vector<512x64xf32> to vector<512xf32>
    %broadcast_in_dim3A = vector.shape_cast %reduce_max3A_4 : vector<512xf32> to vector<512x1xf32>
    %sub3A = vector.broadcast %broadcast_in_dim3A : vector<512x1xf32> to vector<512x64xf32>
    %sub3A_5 = arith.subf %get3A_3, %sub3A : vector<512x64xf32>
    %exp3A = math.exp %sub3A_5 : vector<512x64xf32>
    %reduce_sum3A = arith.constant dense<0.000000e+00> : vector<512xf32>
    %reduce_sum3A_6 = vector.multi_reduction <add>, %exp3A, %reduce_sum3A [1] : vector<512x64xf32> to vector<512xf32>
    %broadcast_in_dim3A_7 = vector.shape_cast %reduce_sum3A_6 : vector<512xf32> to vector<512x1xf32>
    %div3A = vector.broadcast %broadcast_in_dim3A_7 : vector<512x1xf32> to vector<512x64xf32>
    %div3A_8 = arith.divf %exp3A, %div3A : vector<512x64xf32>
    %lt3A = arith.constant 4 : i32
    %lt3A_9 = arith.cmpi slt, %arg0, %lt3A : i32
    %convert_element_type3A_10 = arith.extui %lt3A_9 : i1 to i32
    %cond3A_11 = arith.constant 0 : i32
    %cond3A_12 = arith.cmpi ne, %convert_element_type3A_10, %cond3A_11 : i32
    scf.if %cond3A_12 {
      %get3A_128 = arith.constant 0 : index
      %get3A_129 = arith.constant 0 : index
      %get3A_130 = vector.load %arg6[%get3A_128, %get3A_129] : memref<1x64xf32, #tpu.memory_space<vmem>>, vector<1x64xf32>
      %reduce_sum3A_131 = arith.constant dense<0.000000e+00> : vector<64xf32>
      %reduce_sum3A_132 = vector.multi_reduction <add>, %div3A_8, %reduce_sum3A_131 [0] : vector<512x64xf32> to vector<64xf32>
      %broadcast_in_dim3A_133 = vector.shape_cast %reduce_sum3A_132 : vector<64xf32> to vector<1x64xf32>
      %add3A_134 = arith.addf %get3A_130, %broadcast_in_dim3A_133 : vector<1x64xf32>
      %swap3A_135 = arith.constant 0 : index
      %swap3A_136 = arith.constant 0 : index
      %swap3A_137 = vector.load %arg6[%swap3A_135, %swap3A_136] : memref<1x64xf32, #tpu.memory_space<vmem>>, vector<1x64xf32>
      tpu.vector_store %arg6[%swap3A_135, %swap3A_136], %add3A_134 {strides = array<i32>} : memref<1x64xf32, #tpu.memory_space<vmem>>, vector<1x64xf32>,
    } else {
    }
    %iota3A = tpu.iota {dimensions = array<i32: 1>} : vector<512x64xi32>
    %reduce_max3A_13 = arith.constant dense<0xFF800000> : vector<512xf32>
    %reduce_max3A_14 = vector.multi_reduction <maximumf>, %div3A_8, %reduce_max3A_13 [1] : vector<512x64xf32> to vector<512xf32>
    %broadcast_in_dim3A_15 = vector.shape_cast %reduce_max3A_14 : vector<512xf32> to vector<512x1xf32>
    %ge3A = vector.broadcast %broadcast_in_dim3A_15 : vector<512x1xf32> to vector<512x64xf32>
    %ge3A_16 = arith.cmpf oge, %div3A_8, %ge3A : vector<512x64xf32>
    %jit3A = arith.constant 64 : i32
    %broadcast_in_dim3A_17 = vector.broadcast %jit3A : i32 to vector<512x64xi32>
    %select_n3A = arith.select %ge3A_16, %iota3A, %broadcast_in_dim3A_17 : vector<512x64xi1>, vector<512x64xi32>
    %reduce_min3A = arith.constant dense<2147483647> : vector<512xi32>
    %reduce_min3A_18 = vector.multi_reduction <minsi>, %select_n3A, %reduce_min3A [1] : vector<512x64xi32> to vector<512xi32>
    %broadcast_in_dim3A_19 = vector.shape_cast %reduce_min3A_18 : vector<512xi32> to vector<512x1xi32>
    %eq3A_20 = vector.broadcast %broadcast_in_dim3A_19 : vector<512x1xi32> to vector<512x64xi32>
    %eq3A_21 = arith.cmpi eq, %iota3A, %eq3A_20 : vector<512x64xi32>
    %jit3A_22 = arith.constant -1.000000e+00 : f32
    %broadcast_in_dim3A_23 = vector.broadcast %jit3A_22 : f32 to vector<512x64xf32>
    %select_n3A_24 = arith.select %eq3A_21, %broadcast_in_dim3A_23, %div3A_8 : vector<512x64xi1>, vector<512x64xf32>
    %reduce_max3A_25 = arith.constant dense<0xFF800000> : vector<512xf32>
    %reduce_max3A_26 = vector.multi_reduction <maximumf>, %select_n3A_24, %reduce_max3A_25 [1] : vector<512x64xf32> to vector<512xf32>
    %broadcast_in_dim3A_27 = vector.shape_cast %reduce_max3A_26 : vector<512xf32> to vector<512x1xf32>
    %ge3A_28 = vector.broadcast %broadcast_in_dim3A_27 : vector<512x1xf32> to vector<512x64xf32>
    %ge3A_29 = arith.cmpf oge, %select_n3A_24, %ge3A_28 : vector<512x64xf32>
    %jit3A_30 = arith.constant 64 : i32
    %broadcast_in_dim3A_31 = vector.broadcast %jit3A_30 : i32 to vector<512x64xi32>
    %select_n3A_32 = arith.select %ge3A_29, %iota3A, %broadcast_in_dim3A_31 : vector<512x64xi1>, vector<512x64xi32>
    %reduce_min3A_33 = arith.constant dense<2147483647> : vector<512xi32>
    %reduce_min3A_34 = vector.multi_reduction <minsi>, %select_n3A_32, %reduce_min3A_33 [1] : vector<512x64xi32> to vector<512xi32>
    %broadcast_in_dim3A_35 = vector.shape_cast %reduce_min3A_34 : vector<512xi32> to vector<512x1xi32>
    %add3A = arith.addf %broadcast_in_dim3A_15, %broadcast_in_dim3A_27 : vector<512x1xf32>
    %jit3A_36 = arith.constant 4 : i32
    %div3A_37 = arith.divsi %arg0, %jit3A_36 : i32
    %sign3A = arith.constant 0 : i32
    %sign3A_38 = arith.cmpi sgt, %arg0, %sign3A : i32
    %sign3A_39 = arith.extui %sign3A_38 : i1 to i32
    %sign3A_40 = arith.constant 0 : i32
    %sign3A_41 = arith.cmpi slt, %arg0, %sign3A_40 : i32
    %sign3A_42 = arith.extui %sign3A_41 : i1 to i32
    %sign3A_43 = arith.subi %sign3A_39, %sign3A_42 : i32
    %sign3A_44 = arith.constant 0 : i32
    %sign3A_45 = arith.cmpi sgt, %jit3A_36, %sign3A_44 : i32
    %sign3A_46 = arith.extui %sign3A_45 : i1 to i32
    %sign3A_47 = arith.constant 0 : i32
    %sign3A_48 = arith.cmpi slt, %jit3A_36, %sign3A_47 : i32
    %sign3A_49 = arith.extui %sign3A_48 : i1 to i32
    %sign3A_50 = arith.subi %sign3A_46, %sign3A_49 : i32
    %ne3A = arith.cmpi ne, %sign3A_43, %sign3A_50 : i32
    %rem3A = arith.remsi %arg0, %jit3A_36 : i32
    %ne3A_51 = arith.constant 0 : i32
    %ne3A_52 = arith.cmpi ne, %rem3A, %ne3A_51 : i32
    %and3A = arith.andi %ne3A, %ne3A_52 : i1
    %sub3A_53 = arith.constant 1 : i32
    %sub3A_54 = arith.subi %div3A_37, %sub3A_53 : i32
    %select_n3A_55 = arith.select %and3A, %sub3A_54, %div3A_37 : i32
    %eq3A_56 = arith.constant 0 : i32
    %eq3A_57 = arith.cmpi eq, %select_n3A_55, %eq3A_56 : i32
    %select_n3A_58 = arith.select %eq3A_57, %broadcast_in_dim3A_19, %broadcast_in_dim3A_35 : vector<512x1xi32>
    %eq3A_59 = arith.constant 0 : i32
    %eq3A_60 = arith.cmpi eq, %select_n3A_55, %eq3A_59 : i32
    %select_n3A_61 = arith.select %eq3A_60, %broadcast_in_dim3A_15, %broadcast_in_dim3A_27 : vector<512x1xf32>
    %div3A_62 = arith.divf %select_n3A_61, %add3A : vector<512x1xf32>
    %eq3A_63 = vector.broadcast %select_n3A_58 : vector<512x1xi32> to vector<512x64xi32>
    %eq3A_64 = arith.cmpi eq, %iota3A, %eq3A_63 : vector<512x64xi32>
    %convert_element_type3A_65 = arith.extui %eq3A_64 : vector<512x64xi1> to vector<512x64xi32>
    %convert_element_type3A_66 = arith.sitofp %convert_element_type3A_65 : vector<512x64xi32> to vector<512x64xf32>
    %iota3A_67 = tpu.iota {dimensions = array<i32: 0>} : vector<512x512xi32>
    %iota3A_68 = tpu.iota {dimensions = array<i32: 1>} : vector<512x512xi32>
    %lt3A_69 = arith.cmpi slt, %iota3A_68, %iota3A_67 : vector<512x512xi32>
    %convert_element_type3A_70 = arith.extui %lt3A_69 : vector<512x512xi1> to vector<512x512xi32>
    %convert_element_type3A_71 = arith.sitofp %convert_element_type3A_70 : vector<512x512xi32> to vector<512x512xf32>
    %convert_element_type3A_72 = arith.truncf %convert_element_type3A_71 : vector<512x512xf32> to vector<512x512xbf16>
    %convert_element_type3A_73 = arith.truncf %convert_element_type3A_66 : vector<512x64xf32> to vector<512x64xbf16>
    %dot_general3A = arith.constant dense<0.000000e+00> : vector<512x64xf32>
    %dot_general3A_74 = tpu.matmul %convert_element_type3A_72, %convert_element_type3A_73, %dot_general3A {dimension_numbers = #tpu.dot_dimension_numbers<[1], [0], [0], [1], [0, 0, 1, 1], [], []>, transpose_lhs_hint = false} : vector<512x512xbf16>, vector<512x64xbf16>, vector<512x64xf32> -> vector<512x64xf32>
    %get3A_75 = arith.constant 0 : index
    %get3A_76 = arith.constant 0 : index
    %get3A_77 = vector.load %arg5[%get3A_75, %get3A_76] : memref<1x64xf32, #tpu.memory_space<vmem>>, vector<1x64xf32>
    %add3A_78 = vector.broadcast %get3A_77 : vector<1x64xf32> to vector<512x64xf32>
    %add3A_79 = arith.addf %add3A_78, %dot_general3A_74 : vector<512x64xf32>
    %mul3A = arith.mulf %add3A_79, %convert_element_type3A_66 : vector<512x64xf32>
    %reduce_sum3A_80 = arith.constant dense<0.000000e+00> : vector<512xf32>
    %reduce_sum3A_81 = vector.multi_reduction <add>, %mul3A, %reduce_sum3A_80 [1] : vector<512x64xf32> to vector<512xf32>
    %broadcast_in_dim3A_82 = vector.shape_cast %reduce_sum3A_81 : vector<512xf32> to vector<512x1xf32>
    %convert_element_type3A_83 = arith.fptosi %broadcast_in_dim3A_82 : vector<512x1xf32> to vector<512x1xi32>
    %get3A_84 = arith.constant 0 : index
    %get3A_85 = arith.constant 0 : index
    %get3A_86 = vector.load %arg5[%get3A_84, %get3A_85] : memref<1x64xf32, #tpu.memory_space<vmem>>, vector<1x64xf32>
    %reduce_sum3A_87 = arith.constant dense<0.000000e+00> : vector<64xf32>
    %reduce_sum3A_88 = vector.multi_reduction <add>, %convert_element_type3A_66, %reduce_sum3A_87 [0] : vector<512x64xf32> to vector<64xf32>
    %broadcast_in_dim3A_89 = vector.shape_cast %reduce_sum3A_88 : vector<64xf32> to vector<1x64xf32>
    %add3A_90 = arith.addf %get3A_86, %broadcast_in_dim3A_89 : vector<1x64xf32>
    %swap3A = arith.constant 0 : index
    %swap3A_91 = arith.constant 0 : index
    %swap3A_92 = vector.load %arg5[%swap3A, %swap3A_91] : memref<1x64xf32, #tpu.memory_space<vmem>>, vector<1x64xf32>
    tpu.vector_store %arg5[%swap3A, %swap3A_91], %add3A_90 {strides = array<i32>} : memref<1x64xf32, #tpu.memory_space<vmem>>, vector<1x64xf32>,
    %lt3A_93 = arith.constant 128 : i32
    %lt3A_94 = vector.broadcast %lt3A_93 : i32 to vector<512x1xi32>
    %lt3A_95 = arith.cmpi slt, %convert_element_type3A_83, %lt3A_94 : vector<512x1xi32>
    %min3A = arith.constant 127 : i32
    %min3A_96 = vector.broadcast %min3A : i32 to vector<512x1xi32>
    %min3A_97 = arith.minsi %convert_element_type3A_83, %min3A_96 : vector<512x1xi32>
    %mul3A_98 = arith.constant 512 : i32
    %mul3A_99 = arith.muli %arg0, %mul3A_98 : i32
    %iota3A_100 = tpu.iota {dimensions = array<i32: 0>} : vector<512x1xi32>
    %add3A_101 = vector.broadcast %mul3A_99 : i32 to vector<512x1xi32>
    %add3A_102 = arith.addi %add3A_101, %iota3A_100 : vector<512x1xi32>
    %mul3A_103 = arith.constant 128 : i32
    %mul3A_104 = vector.broadcast %mul3A_103 : i32 to vector<512x1xi32>
    %mul3A_105 = arith.muli %select_n3A_58, %mul3A_104 : vector<512x1xi32>
    %add3A_106 = arith.addi %mul3A_105, %min3A_97 : vector<512x1xi32>
    %and3A_107 = arith.constant 127 : i32
    %and3A_108 = vector.broadcast %and3A_107 : i32 to vector<512x1xi32>
    %and3A_109 = arith.andi %add3A_102, %and3A_108 : vector<512x1xi32>
    %add3A_110 = arith.constant 8192 : i32
    %add3A_111 = vector.broadcast %add3A_110 : i32 to vector<512x1xi32>
    %add3A_112 = arith.addi %add3A_111, %and3A_109 : vector<512x1xi32>
    %select_n3A_113 = arith.select %lt3A_95, %add3A_106, %add3A_112 : vector<512x1xi1>, vector<512x1xi32>
    %swap3A_114 = arith.constant 0 : index
    %swap3A_115 = arith.constant 0 : index
    %swap3A_116 = vector.load %arg2[%swap3A_114, %swap3A_115] : memref<512x1xi32, #tpu.memory_space<vmem>>, vector<512x1xi32>
    tpu.vector_store %arg2[%swap3A_114, %swap3A_115], %select_n3A_113 {strides = array<i32>} : memref<512x1xi32, #tpu.memory_space<vmem>>, vector<512x1xi32>,
    %jit3A_117 = arith.constant 0.000000e+00 : f32
    %broadcast_in_dim3A_118 = vector.broadcast %jit3A_117 : f32 to vector<512x1xf32>
    %select_n3A_119 = arith.select %lt3A_95, %div3A_62, %broadcast_in_dim3A_118 : vector<512x1xi1>, vector<512x1xf32>
    %swap3A_120 = arith.constant 0 : index
    %swap3A_121 = arith.constant 0 : index
    %swap3A_122 = vector.load %arg3[%swap3A_120, %swap3A_121] : memref<512x1xf32, #tpu.memory_space<vmem>>, vector<512x1xf32>
    tpu.vector_store %arg3[%swap3A_120, %swap3A_121], %select_n3A_119 {strides = array<i32>} : memref<512x1xf32, #tpu.memory_space<vmem>>, vector<512x1xf32>,
    %eq3A_123 = arith.constant 7 : i32
    %eq3A_124 = arith.cmpi eq, %arg0, %eq3A_123 : i32
    %convert_element_type3A_125 = arith.extui %eq3A_124 : i1 to i32
    %cond3A_126 = arith.constant 0 : i32
    %cond3A_127 = arith.cmpi ne, %convert_element_type3A_125, %cond3A_126 : i32
    scf.if %cond3A_127 {
      %get3A_128 = arith.constant 0 : index
      %get3A_129 = arith.constant 0 : index
      %get3A_130 = vector.load %arg5[%get3A_128, %get3A_129] : memref<1x64xf32, #tpu.memory_space<vmem>>, vector<1x64xf32>
      %get3A_131 = arith.constant 0 : index
      %get3A_132 = arith.constant 0 : index
      %get3A_133 = vector.load %arg6[%get3A_131, %get3A_132] : memref<1x64xf32, #tpu.memory_space<vmem>>, vector<1x64xf32>
      %mul3A_134 = arith.mulf %get3A_130, %get3A_133 : vector<1x64xf32>
      %reduce_sum3A_135 = arith.constant dense<0.000000e+00> : vector<1xf32>
      %reduce_sum3A_136 = vector.multi_reduction <add>, %mul3A_134, %reduce_sum3A_135 [1] : vector<1x64xf32> to vector<1xf32>
      %broadcast_in_dim3A_137 = vector.shape_cast %reduce_sum3A_136 : vector<1xf32> to vector<1x1xf32>
      %mul3A_138 = arith.constant 6.400000e+01 : f32
      %mul3A_139 = vector.broadcast %mul3A_138 : f32 to vector<1x1xf32>
      %mul3A_140 = arith.mulf %mul3A_139, %broadcast_in_dim3A_137 : vector<1x1xf32>
      %div3A_141 = arith.constant 0x4B000000 : f32
      %div3A_142 = vector.broadcast %div3A_141 : f32 to vector<1x1xf32>
      %div3A_143 = arith.divf %mul3A_140, %div3A_142 : vector<1x1xf32>
      %swap3A_144 = arith.constant 0 : index
      %swap3A_145 = arith.constant 0 : index
      %swap3A_146 = vector.load %arg4[%swap3A_144, %swap3A_145] : memref<1x1xf32, #tpu.memory_space<vmem>>, vector<1x1xf32>
      tpu.vector_store %arg4[%swap3A_144, %swap3A_145], %div3A_143 {strides = array<i32>} : memref<1x1xf32, #tpu.memory_space<vmem>>, vector<1x1xf32>,
    } else {
    }
    return
  }
  func.func @transform_0(%arg0: i32) -> (i32, i32) {
    %jit3A = arith.constant 4 : i32
    %eq3A = arith.constant 0 : i32
    %eq3A_0 = arith.cmpi eq, %jit3A, %eq3A : i32
    %jit3A_1 = arith.constant 1 : i32
    %select_n3A = arith.select %eq3A_0, %jit3A_1, %jit3A : i32
    %rem3A = arith.remsi %arg0, %select_n3A : i32
    %ne3A = arith.constant 0 : i32
    %ne3A_2 = arith.cmpi ne, %rem3A, %ne3A : i32
    %lt3A = arith.constant 0 : i32
    %lt3A_3 = arith.cmpi slt, %rem3A, %lt3A : i32
    %lt3A_4 = arith.constant 0 : i32
    %lt3A_5 = arith.cmpi slt, %select_n3A, %lt3A_4 : i32
    %ne3A_6 = arith.xori %lt3A_3, %lt3A_5 : i1
    %and3A = arith.andi %ne3A_6, %ne3A_2 : i1
    %add3A = arith.addi %rem3A, %select_n3A : i32
    %select_n3A_7 = arith.select %and3A, %add3A, %rem3A : i32
    %c0_i32 = arith.constant 0 : i32
    %c0_i32_8 = arith.constant 0 : i32
    return %select_n3A_7, %c0_i32 : i32, i32
  }
  func.func @transform_1(%arg0: i32) -> (i32, i32) {
    %c0_i32 = arith.constant 0 : i32
    %c0_i32_0 = arith.constant 0 : i32
    return %arg0, %c0_i32 : i32, i32
  }
  func.func @transform_2(%arg0: i32) -> (i32, i32) {
    %c0_i32 = arith.constant 0 : i32
    %c0_i32_0 = arith.constant 0 : i32
    return %arg0, %c0_i32 : i32, i32
  }
  func.func @transform_3(%arg0: i32) -> (i32, i32) {
    %c0_i32 = arith.constant 0 : i32
    %c0_i32_0 = arith.constant 0 : i32
    %c0_i32_1 = arith.constant 0 : i32
    return %c0_i32, %c0_i32_0 : i32, i32
  }
}

module attributes {stable_mosaic.version = 14 : i64} {
  func.func @_expert_body(%arg0: i32, %arg1: memref<1x128x768xf32, #tpu.memory_space<vmem>>, %arg2: memref<1x768x512xf32, #tpu.memory_space<vmem>>, %arg3: memref<1x768x512xf32, #tpu.memory_space<vmem>>, %arg4: memref<1x512x768xf32, #tpu.memory_space<vmem>>, %arg5: memref<1x128x1xf32, #tpu.memory_space<vmem>>, %arg6: memref<1x128x768xf32, #tpu.memory_space<vmem>>) attributes {dimension_semantics = [#tpu.dimension_semantics<arbitrary>], iteration_bounds = array<i64: 65>, scalar_prefetch = 0 : i64, scratch_operands = 0 : i64, tpu.core_type = #tpu.core_type<tc>, window_params = [{transform_indices = @transform_0, window_bounds = array<i64: 1, 128, 768>}, {transform_indices = @transform_1, window_bounds = array<i64: 1, 768, 512>}, {transform_indices = @transform_2, window_bounds = array<i64: 1, 768, 512>}, {transform_indices = @transform_3, window_bounds = array<i64: 1, 512, 768>}, {transform_indices = @transform_4, window_bounds = array<i64: 1, 128, 1>}, {transform_indices = @transform_5, window_bounds = array<i64: 1, 128, 768>}]} {
    %lt3A = arith.constant 64 : i32
    %lt3A_0 = arith.cmpi slt, %arg0, %lt3A : i32
    %convert_element_type3A = arith.extui %lt3A_0 : i1 to i32
    %cond3A = arith.constant 0 : i32
    %cond3A_1 = arith.cmpi ne, %convert_element_type3A, %cond3A : i32
    scf.if %cond3A_1 {
      %get3A = arith.constant 0 : index
      %get3A_6 = arith.constant 0 : index
      %get3A_7 = arith.constant 0 : index
      %get3A_8 = vector.load %arg1[%get3A, %get3A_6, %get3A_7] : memref<1x128x768xf32, #tpu.memory_space<vmem>>, vector<1x128x768xf32>
      %get3A_9 = vector.shape_cast %get3A_8 : vector<1x128x768xf32> to vector<128x768xf32>
      %convert_element_type3A_10 = arith.truncf %get3A_9 : vector<128x768xf32> to vector<128x768xbf16>
      %get3A_11 = arith.constant 0 : index
      %get3A_12 = arith.constant 0 : index
      %get3A_13 = arith.constant 0 : index
      %get3A_14 = vector.load %arg2[%get3A_11, %get3A_12, %get3A_13] : memref<1x768x512xf32, #tpu.memory_space<vmem>>, vector<1x768x512xf32>
      %get3A_15 = vector.shape_cast %get3A_14 : vector<1x768x512xf32> to vector<768x512xf32>
      %convert_element_type3A_16 = arith.truncf %get3A_15 : vector<768x512xf32> to vector<768x512xbf16>
      %dot_general3A = arith.constant dense<0.000000e+00> : vector<128x512xf32>
      %dot_general3A_17 = tpu.matmul %convert_element_type3A_10, %convert_element_type3A_16, %dot_general3A {dimension_numbers = #tpu.dot_dimension_numbers<[1], [0], [0], [1], [0, 0, 1, 1], [], []>, transpose_lhs_hint = false} : vector<128x768xbf16>, vector<768x512xbf16>, vector<128x512xf32> -> vector<128x512xf32>
      %get3A_18 = arith.constant 0 : index
      %get3A_19 = arith.constant 0 : index
      %get3A_20 = arith.constant 0 : index
      %get3A_21 = vector.load %arg3[%get3A_18, %get3A_19, %get3A_20] : memref<1x768x512xf32, #tpu.memory_space<vmem>>, vector<1x768x512xf32>
      %get3A_22 = vector.shape_cast %get3A_21 : vector<1x768x512xf32> to vector<768x512xf32>
      %convert_element_type3A_23 = arith.truncf %get3A_22 : vector<768x512xf32> to vector<768x512xbf16>
      %dot_general3A_24 = arith.constant dense<0.000000e+00> : vector<128x512xf32>
      %dot_general3A_25 = tpu.matmul %convert_element_type3A_10, %convert_element_type3A_23, %dot_general3A_24 {dimension_numbers = #tpu.dot_dimension_numbers<[1], [0], [0], [1], [0, 0, 1, 1], [], []>, transpose_lhs_hint = false} : vector<128x768xbf16>, vector<768x512xbf16>, vector<128x512xf32> -> vector<128x512xf32>
      %logistic3A = arith.negf %dot_general3A_17 : vector<128x512xf32>
      %logistic3A_26 = math.exp %logistic3A : vector<128x512xf32>
      %logistic3A_27 = arith.constant 1.000000e+00 : f32
      %logistic3A_28 = vector.broadcast %logistic3A_27 : f32 to vector<128x512xf32>
      %logistic3A_29 = arith.addf %logistic3A_28, %logistic3A_26 : vector<128x512xf32>
      %logistic3A_30 = arith.divf %logistic3A_28, %logistic3A_29 : vector<128x512xf32>
      %mul3A = arith.mulf %dot_general3A_17, %logistic3A_30 : vector<128x512xf32>
      %mul3A_31 = arith.mulf %mul3A, %dot_general3A_25 : vector<128x512xf32>
      %convert_element_type3A_32 = arith.truncf %mul3A_31 : vector<128x512xf32> to vector<128x512xbf16>
      %get3A_33 = arith.constant 0 : index
      %get3A_34 = arith.constant 0 : index
      %get3A_35 = arith.constant 0 : index
      %get3A_36 = vector.load %arg4[%get3A_33, %get3A_34, %get3A_35] : memref<1x512x768xf32, #tpu.memory_space<vmem>>, vector<1x512x768xf32>
      %get3A_37 = vector.shape_cast %get3A_36 : vector<1x512x768xf32> to vector<512x768xf32>
      %convert_element_type3A_38 = arith.truncf %get3A_37 : vector<512x768xf32> to vector<512x768xbf16>
      %dot_general3A_39 = arith.constant dense<0.000000e+00> : vector<128x768xf32>
      %dot_general3A_40 = tpu.matmul %convert_element_type3A_32, %convert_element_type3A_38, %dot_general3A_39 {dimension_numbers = #tpu.dot_dimension_numbers<[1], [0], [0], [1], [0, 0, 1, 1], [], []>, transpose_lhs_hint = false} : vector<128x512xbf16>, vector<512x768xbf16>, vector<128x768xf32> -> vector<128x768xf32>
      %get3A_41 = arith.constant 0 : index
      %get3A_42 = arith.constant 0 : index
      %get3A_43 = arith.constant 0 : index
      %get3A_44 = vector.load %arg5[%get3A_41, %get3A_42, %get3A_43] : memref<1x128x1xf32, #tpu.memory_space<vmem>>, vector<1x128x1xf32>
      %get3A_45 = vector.shape_cast %get3A_44 : vector<1x128x1xf32> to vector<128x1xf32>
      %mul3A_46 = vector.broadcast %get3A_45 : vector<128x1xf32> to vector<128x768xf32>
      %mul3A_47 = arith.mulf %dot_general3A_40, %mul3A_46 : vector<128x768xf32>
      %swap3A = arith.constant 0 : index
      %swap3A_48 = arith.constant 0 : index
      %swap3A_49 = arith.constant 0 : index
      %swap3A_50 = vector.load %arg6[%swap3A, %swap3A_48, %swap3A_49] : memref<1x128x768xf32, #tpu.memory_space<vmem>>, vector<1x128x768xf32>
      %swap3A_51 = vector.shape_cast %swap3A_50 : vector<1x128x768xf32> to vector<128x768xf32>
      %swap3A_52 = vector.shape_cast %mul3A_47 : vector<128x768xf32> to vector<1x128x768xf32>
      tpu.vector_store %arg6[%swap3A, %swap3A_48, %swap3A_49], %swap3A_52 {strides = array<i32>} : memref<1x128x768xf32, #tpu.memory_space<vmem>>, vector<1x128x768xf32>,
    } else {
    }
    %eq3A = arith.constant 64 : i32
    %eq3A_2 = arith.cmpi eq, %arg0, %eq3A : i32
    %convert_element_type3A_3 = arith.extui %eq3A_2 : i1 to i32
    %cond3A_4 = arith.constant 0 : i32
    %cond3A_5 = arith.cmpi ne, %convert_element_type3A_3, %cond3A_4 : i32
    scf.if %cond3A_5 {
      %broadcast_in_dim3A = arith.constant 0.000000e+00 : f32
      %broadcast_in_dim3A_6 = vector.broadcast %broadcast_in_dim3A : f32 to vector<128x768xf32>
      %swap3A = arith.constant 0 : index
      %swap3A_7 = arith.constant 0 : index
      %swap3A_8 = arith.constant 0 : index
      %swap3A_9 = vector.load %arg6[%swap3A, %swap3A_7, %swap3A_8] : memref<1x128x768xf32, #tpu.memory_space<vmem>>, vector<1x128x768xf32>
      %swap3A_10 = vector.shape_cast %swap3A_9 : vector<1x128x768xf32> to vector<128x768xf32>
      %swap3A_11 = vector.shape_cast %broadcast_in_dim3A_6 : vector<128x768xf32> to vector<1x128x768xf32>
      tpu.vector_store %arg6[%swap3A, %swap3A_7, %swap3A_8], %swap3A_11 {strides = array<i32>} : memref<1x128x768xf32, #tpu.memory_space<vmem>>, vector<1x128x768xf32>,
    } else {
    }
    return
  }
  func.func @transform_0(%arg0: i32) -> (i32, i32, i32) {
    %min3A = arith.constant 63 : i32
    %min3A_0 = arith.minsi %arg0, %min3A : i32
    %c0_i32 = arith.constant 0 : i32
    %c0_i32_1 = arith.constant 0 : i32
    %c0_i32_2 = arith.constant 0 : i32
    return %min3A_0, %c0_i32, %c0_i32_1 : i32, i32, i32
  }
  func.func @transform_1(%arg0: i32) -> (i32, i32, i32) {
    %min3A = arith.constant 63 : i32
    %min3A_0 = arith.minsi %arg0, %min3A : i32
    %c0_i32 = arith.constant 0 : i32
    %c0_i32_1 = arith.constant 0 : i32
    %c0_i32_2 = arith.constant 0 : i32
    return %min3A_0, %c0_i32, %c0_i32_1 : i32, i32, i32
  }
  func.func @transform_2(%arg0: i32) -> (i32, i32, i32) {
    %min3A = arith.constant 63 : i32
    %min3A_0 = arith.minsi %arg0, %min3A : i32
    %c0_i32 = arith.constant 0 : i32
    %c0_i32_1 = arith.constant 0 : i32
    %c0_i32_2 = arith.constant 0 : i32
    return %min3A_0, %c0_i32, %c0_i32_1 : i32, i32, i32
  }
  func.func @transform_3(%arg0: i32) -> (i32, i32, i32) {
    %min3A = arith.constant 63 : i32
    %min3A_0 = arith.minsi %arg0, %min3A : i32
    %c0_i32 = arith.constant 0 : i32
    %c0_i32_1 = arith.constant 0 : i32
    %c0_i32_2 = arith.constant 0 : i32
    return %min3A_0, %c0_i32, %c0_i32_1 : i32, i32, i32
  }
  func.func @transform_4(%arg0: i32) -> (i32, i32, i32) {
    %min3A = arith.constant 63 : i32
    %min3A_0 = arith.minsi %arg0, %min3A : i32
    %c0_i32 = arith.constant 0 : i32
    %c0_i32_1 = arith.constant 0 : i32
    %c0_i32_2 = arith.constant 0 : i32
    return %min3A_0, %c0_i32, %c0_i32_1 : i32, i32, i32
  }
  func.func @transform_5(%arg0: i32) -> (i32, i32, i32) {
    %c0_i32 = arith.constant 0 : i32
    %c0_i32_0 = arith.constant 0 : i32
    %c0_i32_1 = arith.constant 0 : i32
    return %arg0, %c0_i32, %c0_i32_0 : i32, i32, i32
  }
}

module attributes {stable_mosaic.version = 14 : i64} {
  func.func @_shared_body(%arg0: i32, %arg1: memref<512x768xf32, #tpu.memory_space<vmem>>, %arg2: memref<768x2048xf32, #tpu.memory_space<vmem>>, %arg3: memref<768x2048xf32, #tpu.memory_space<vmem>>, %arg4: memref<2048x768xf32, #tpu.memory_space<vmem>>, %arg5: memref<512x768xf32, #tpu.memory_space<vmem>>) attributes {dimension_semantics = [#tpu.dimension_semantics<arbitrary>], iteration_bounds = array<i64: 4>, scalar_prefetch = 0 : i64, scratch_operands = 0 : i64, tpu.core_type = #tpu.core_type<tc>, window_params = [{transform_indices = @transform_0, window_bounds = array<i64: 512, 768>}, {pipeline_mode = #tpu.pipeline_mode<synchronous>, transform_indices = @transform_1, window_bounds = array<i64: 768, 2048>}, {pipeline_mode = #tpu.pipeline_mode<synchronous>, transform_indices = @transform_2, window_bounds = array<i64: 768, 2048>}, {pipeline_mode = #tpu.pipeline_mode<synchronous>, transform_indices = @transform_3, window_bounds = array<i64: 2048, 768>}, {transform_indices = @transform_4, window_bounds = array<i64: 512, 768>}]} {
    %get3A = arith.constant 0 : index
    %get3A_0 = arith.constant 0 : index
    %get3A_1 = vector.load %arg1[%get3A, %get3A_0] : memref<512x768xf32, #tpu.memory_space<vmem>>, vector<512x768xf32>
    %convert_element_type3A = arith.truncf %get3A_1 : vector<512x768xf32> to vector<512x768xbf16>
    %get3A_2 = arith.constant 0 : index
    %get3A_3 = arith.constant 0 : index
    %get3A_4 = vector.load %arg2[%get3A_2, %get3A_3] : memref<768x2048xf32, #tpu.memory_space<vmem>>, vector<768x2048xf32>
    %convert_element_type3A_5 = arith.truncf %get3A_4 : vector<768x2048xf32> to vector<768x2048xbf16>
    %dot_general3A = arith.constant dense<0.000000e+00> : vector<512x2048xf32>
    %dot_general3A_6 = tpu.matmul %convert_element_type3A, %convert_element_type3A_5, %dot_general3A {dimension_numbers = #tpu.dot_dimension_numbers<[1], [0], [0], [1], [0, 0, 1, 1], [], []>, transpose_lhs_hint = false} : vector<512x768xbf16>, vector<768x2048xbf16>, vector<512x2048xf32> -> vector<512x2048xf32>
    %get3A_7 = arith.constant 0 : index
    %get3A_8 = arith.constant 0 : index
    %get3A_9 = vector.load %arg3[%get3A_7, %get3A_8] : memref<768x2048xf32, #tpu.memory_space<vmem>>, vector<768x2048xf32>
    %convert_element_type3A_10 = arith.truncf %get3A_9 : vector<768x2048xf32> to vector<768x2048xbf16>
    %dot_general3A_11 = arith.constant dense<0.000000e+00> : vector<512x2048xf32>
    %dot_general3A_12 = tpu.matmul %convert_element_type3A, %convert_element_type3A_10, %dot_general3A_11 {dimension_numbers = #tpu.dot_dimension_numbers<[1], [0], [0], [1], [0, 0, 1, 1], [], []>, transpose_lhs_hint = false} : vector<512x768xbf16>, vector<768x2048xbf16>, vector<512x2048xf32> -> vector<512x2048xf32>
    %logistic3A = arith.negf %dot_general3A_6 : vector<512x2048xf32>
    %logistic3A_13 = math.exp %logistic3A : vector<512x2048xf32>
    %logistic3A_14 = arith.constant 1.000000e+00 : f32
    %logistic3A_15 = vector.broadcast %logistic3A_14 : f32 to vector<512x2048xf32>
    %logistic3A_16 = arith.addf %logistic3A_15, %logistic3A_13 : vector<512x2048xf32>
    %logistic3A_17 = arith.divf %logistic3A_15, %logistic3A_16 : vector<512x2048xf32>
    %mul3A = arith.mulf %dot_general3A_6, %logistic3A_17 : vector<512x2048xf32>
    %mul3A_18 = arith.mulf %mul3A, %dot_general3A_12 : vector<512x2048xf32>
    %convert_element_type3A_19 = arith.truncf %mul3A_18 : vector<512x2048xf32> to vector<512x2048xbf16>
    %get3A_20 = arith.constant 0 : index
    %get3A_21 = arith.constant 0 : index
    %get3A_22 = vector.load %arg4[%get3A_20, %get3A_21] : memref<2048x768xf32, #tpu.memory_space<vmem>>, vector<2048x768xf32>
    %convert_element_type3A_23 = arith.truncf %get3A_22 : vector<2048x768xf32> to vector<2048x768xbf16>
    %dot_general3A_24 = arith.constant dense<0.000000e+00> : vector<512x768xf32>
    %dot_general3A_25 = tpu.matmul %convert_element_type3A_19, %convert_element_type3A_23, %dot_general3A_24 {dimension_numbers = #tpu.dot_dimension_numbers<[1], [0], [0], [1], [0, 0, 1, 1], [], []>, transpose_lhs_hint = false} : vector<512x2048xbf16>, vector<2048x768xbf16>, vector<512x768xf32> -> vector<512x768xf32>
    %swap3A = arith.constant 0 : index
    %swap3A_26 = arith.constant 0 : index
    %swap3A_27 = vector.load %arg5[%swap3A, %swap3A_26] : memref<512x768xf32, #tpu.memory_space<vmem>>, vector<512x768xf32>
    tpu.vector_store %arg5[%swap3A, %swap3A_26], %dot_general3A_25 {strides = array<i32>} : memref<512x768xf32, #tpu.memory_space<vmem>>, vector<512x768xf32>,
    return
  }
  func.func @transform_0(%arg0: i32) -> (i32, i32) {
    %c0_i32 = arith.constant 0 : i32
    %c0_i32_0 = arith.constant 0 : i32
    return %arg0, %c0_i32 : i32, i32
  }
  func.func @transform_1(%arg0: i32) -> (i32, i32) {
    %c0_i32 = arith.constant 0 : i32
    %c0_i32_0 = arith.constant 0 : i32
    %c0_i32_1 = arith.constant 0 : i32
    return %c0_i32, %c0_i32_0 : i32, i32
  }
  func.func @transform_2(%arg0: i32) -> (i32, i32) {
    %c0_i32 = arith.constant 0 : i32
    %c0_i32_0 = arith.constant 0 : i32
    %c0_i32_1 = arith.constant 0 : i32
    return %c0_i32, %c0_i32_0 : i32, i32
  }
  func.func @transform_3(%arg0: i32) -> (i32, i32) {
    %c0_i32 = arith.constant 0 : i32
    %c0_i32_0 = arith.constant 0 : i32
    %c0_i32_1 = arith.constant 0 : i32
    return %c0_i32, %c0_i32_0 : i32, i32
  }
  func.func @transform_4(%arg0: i32) -> (i32, i32) {
    %c0_i32 = arith.constant 0 : i32
    %c0_i32_0 = arith.constant 0 : i32
    return %arg0, %c0_i32 : i32, i32
  }
}

module attributes {stable_mosaic.version = 14 : i64} {
  func.func @_final_body(%arg0: i32, %arg1: memref<512x768xf32, #tpu.memory_space<vmem>>, %arg2: memref<512x768xf32, #tpu.memory_space<vmem>>, %arg3: memref<512x768xf32, #tpu.memory_space<vmem>>, %arg4: memref<512x768xf32, #tpu.memory_space<vmem>>, %arg5: memref<512x768xf32, #tpu.memory_space<vmem>>) attributes {dimension_semantics = [#tpu.dimension_semantics<arbitrary>], iteration_bounds = array<i64: 4>, scalar_prefetch = 0 : i64, scratch_operands = 0 : i64, tpu.core_type = #tpu.core_type<tc>, window_params = [{transform_indices = @transform_0, window_bounds = array<i64: 512, 768>}, {transform_indices = @transform_1, window_bounds = array<i64: 512, 768>}, {transform_indices = @transform_2, window_bounds = array<i64: 512, 768>}, {transform_indices = @transform_3, window_bounds = array<i64: 512, 768>}, {transform_indices = @transform_4, window_bounds = array<i64: 512, 768>}]} {
    %get3A = arith.constant 0 : index
    %get3A_0 = arith.constant 0 : index
    %get3A_1 = vector.load %arg1[%get3A, %get3A_0] : memref<512x768xf32, #tpu.memory_space<vmem>>, vector<512x768xf32>
    %get3A_2 = arith.constant 0 : index
    %get3A_3 = arith.constant 0 : index
    %get3A_4 = vector.load %arg2[%get3A_2, %get3A_3] : memref<512x768xf32, #tpu.memory_space<vmem>>, vector<512x768xf32>
    %add3A = arith.addf %get3A_1, %get3A_4 : vector<512x768xf32>
    %get3A_5 = arith.constant 0 : index
    %get3A_6 = arith.constant 0 : index
    %get3A_7 = vector.load %arg3[%get3A_5, %get3A_6] : memref<512x768xf32, #tpu.memory_space<vmem>>, vector<512x768xf32>
    %add3A_8 = arith.addf %add3A, %get3A_7 : vector<512x768xf32>
    %get3A_9 = arith.constant 0 : index
    %get3A_10 = arith.constant 0 : index
    %get3A_11 = vector.load %arg4[%get3A_9, %get3A_10] : memref<512x768xf32, #tpu.memory_space<vmem>>, vector<512x768xf32>
    %add3A_12 = arith.addf %add3A_8, %get3A_11 : vector<512x768xf32>
    %swap3A = arith.constant 0 : index
    %swap3A_13 = arith.constant 0 : index
    %swap3A_14 = vector.load %arg5[%swap3A, %swap3A_13] : memref<512x768xf32, #tpu.memory_space<vmem>>, vector<512x768xf32>
    tpu.vector_store %arg5[%swap3A, %swap3A_13], %add3A_12 {strides = array<i32>} : memref<512x768xf32, #tpu.memory_space<vmem>>, vector<512x768xf32>,
    return
  }
  func.func @transform_0(%arg0: i32) -> (i32, i32) {
    %c0_i32 = arith.constant 0 : i32
    %c0_i32_0 = arith.constant 0 : i32
    return %arg0, %c0_i32 : i32, i32
  }
  func.func @transform_1(%arg0: i32) -> (i32, i32) {
    %c0_i32 = arith.constant 0 : i32
    %c0_i32_0 = arith.constant 0 : i32
    return %arg0, %c0_i32 : i32, i32
  }
  func.func @transform_2(%arg0: i32) -> (i32, i32) {
    %add3A = arith.constant 4 : i32
    %add3A_0 = arith.addi %arg0, %add3A : i32
    %c0_i32 = arith.constant 0 : i32
    %c0_i32_1 = arith.constant 0 : i32
    return %add3A_0, %c0_i32 : i32, i32
  }
  func.func @transform_3(%arg0: i32) -> (i32, i32) {
    %c0_i32 = arith.constant 0 : i32
    %c0_i32_0 = arith.constant 0 : i32
    return %arg0, %c0_i32 : i32, i32
  }
  func.func @transform_4(%arg0: i32) -> (i32, i32) {
    %c0_i32 = arith.constant 0 : i32
    %c0_i32_0 = arith.constant 0 : i32
    return %arg0, %c0_i32 : i32, i32
  }
}

</mosaic_0001>

<sc_bundles>
// kernel: kernel.12.cloned.1.call-start
scs
__scs_entry_jumppad:
0x0: {  	(pc) =	sbr.rel $0x88, $3  }
0x1: {  	(tag) =	ssettag $0x0;
	lr =	simm.s32 $0x1  }
0x2: {  	[smem:$0x3F8E] =	sst lr;
	_ =	strace $0xD0000000  }
0x3: {  	_ = 	snop  }
0x4: {  	_ = 	snop  }
0x5: {  	_ = 	snop  }
0x6: {  	_ = 	snop  }
0x7: {  	_ = 	snop  }
__scs_overlays_trampoline_lowered:
0x8: {  	[smem:$0x3F9D] =	sst s0  }
0x9: {  	[smem:$0x3F9E] =	sst s1  }
0xa: {  	[smem:$0x3F9F] =	sst s2  }
0xb: {  	[smem:$0x3FA0] =	sst s3  }
0xc: {  	[smem:$0x3FA1] =	sst s4  }
0xd: {  	[smem:$0x3FA2] =	sst s5  }
0xe: {  	[smem:$0x3FA3] =	sst s6  }
0xf: {  	[smem:$0x3FA4] =	sst s7  }
0x10: {  	[smem:$0x3FA5] =	sst s8  }
0x11: {  	[smem:$0x3FA6] =	sst s9;
	s0 =	simm.s32 @!p0 $0x0  }
0x12: {  	s1 =	sld [smem:$0x3F8C];
	s0 =	simm.s32 @p0 $0x1  }
0x13: {  	[smem:$0x3FA7] =	sst s0;
	s0 =	simm.s32 @!p1 $0x0  }
0x14: {  	s2 =	sld [smem:$0x3F8B];
	s0 =	simm.s32 @p1 $0x1  }
0x15: {  	[smem:$0x3FA8] =	sst s0;
	s0 =	simm.s32 @!p2 $0x0  }
0x16: {  	s3 =	sld [smem:$0x3FDB];
	s0 =	simm.s32 @p2 $0x1  }
0x17: {  	s4 =	simm.s32 $0x1BF5;
	[smem:$0x3FAA] =	sst s0  }
0x18: {  	s0 =	sld [smem:$0x3F8D];
	_ =	swait.ge [sflag:s4], $0x0  }
0x19: {  	s7 =	sld [smem:$0x3F8E]  }
0x1a: {  	s8 =	sadd.s32 $0xFFFFE003, lr  }
0x1b: {  	s9 =	sadd.s32 $0xFFFFFEF7, lr;
	s5 =	simm.s32 $0xFFFFFFFF;
	p2 =	slt.u32 s8, $0xFFFFF086  }
0x1c: {  	p1 =	slt.u32 s9, $0xF7A;
	s5 =	simm.s32 @!p2 $0x0  }
0x1d: {  	s5 =	simm.s32 @p1 $0x1;
	p0 =	seq.s32 s7, s2  }
0x1e: {  	s7 =	smul.u32 @!p0 $0xF7A, s2;
	p2 =	seq.s32 @!p0 s5, $0x0  }
0x1f: {  	s9 =	smul.u32 $0xF7A, s1;
	s8 =	simm.s32 @!p0 $0x1BF5;
	p2 =	por !p2, p0  }
0x20: {  	[sflag:s8] =	ssyncset.s32 @!p0 $0xFFFFF086;
	s6 =	sadd.s32 @!p0 s3, s7;
	s7 =	simm.s32 @!p0 $0x108  }
0x21: {  	s3 =	sadd.s32 s3, s9;
	s6 =	sadd.s32 @!p0 $0x88, s6;
	s7 =	simm.s32 @p2 $0x1082  }
0x22: {  	[simem:s7], [sflag:s8] =	dma.local @!p0 [hbm:s6], $0xF7A  }
0x23: {  	s9 =	sor.u32 $0xD0000000, s2;
	s6 =	simm.s32 $0x108;
	_ =	swait.ge @!p0 [sflag:s8], $0x0  }
0x24: {  	s3 =	sadd.s32 $0x88, s3;
	s6 =	simm.s32 @!p1 $0x1082;
	[sflag:s4] =	ssyncset.s32 $0xFFFFF086  }
0x25: {  	[simem:s6], [sflag:s4] =	dma.local [hbm:s3], $0xF7A  }
0x26: {  	[smem:$0x3F8E] =	sst s1;
	(tag) =	ssettag s2;
	_ =	strace s9  }
0x27: {  	s1 =	sld [smem:$0x3F9E]  }
0x28: {  	s2 =	sld [smem:$0x3F9F]  }
0x29: {  	s4 =	sld [smem:$0x3FA1]  }
0x2a: {  	p0 =	seq.s32 s5, $0x0;
	s5 =	sld [smem:$0x3FA2]  }
0x2b: {  	s6 =	sld [smem:$0x3FA3]  }
0x2c: {  	s7 =	sld [smem:$0x3FA4]  }
0x2d: {  	s3 =	simm.s32 $0x108;
	s8 =	sld [smem:$0x3FA5]  }
0x2e: {  	s3 =	simm.s32 @!p0 $0x1082;
	s9 =	sld [smem:$0x3FA6]  }
0x2f: {  	lr =	sadd.s32 s0, s3;
	s0 =	sld [smem:$0x3F9D]  }
0x30: {  	s3 =	sld [smem:$0x3FA0]  }
0x31: {  	[smem:$0x3FA9] =	sst s10  }
0x32: {  	s10 =	sld [smem:$0x3FA7];
	_ =	sdelay $0x3  }
0x33: {  	p0 =	seq.s32 s10, $0x1;
	s10 =	sld [smem:$0x3FA9];
	_ =	sdelay $0x3  }
0x34: {  	[smem:$0x3FA9] =	sst s10  }
0x35: {  	s10 =	sld [smem:$0x3FA8];
	_ =	sdelay $0x3  }
0x36: {  	p1 =	seq.s32 s10, $0x1;
	s10 =	sld [smem:$0x3FA9];
	_ =	sdelay $0x3  }
0x37: {  	[smem:$0x3FA9] =	sst s10  }
0x38: {  	s10 =	sld [smem:$0x3FAA]  }
0x39: {  	_ = 	snop;
	(pc) =	sbr.ind lr, $3  }
0x3a: {  	_ = 	snop  }
0x3b: {  	_ = 	snop  }
0x3c: {  	p2 =	seq.s32 s10, $0x1;
	s10 =	sld [smem:$0x3FA9]  }
0x3d: {  	_ =	shalt  }
0x3e: {  	_ =	shalt  }
0x3f: {  	_ =	shalt  }
0x40: {  	_ =	shalt  }
0x41: {  	_ =	shalt  }
0x42: {  	_ =	shalt  }
0x43: {  	_ =	shalt  }
0x44: {  	_ =	shalt  }
0x45: {  	_ =	shalt  }
0x46: {  	_ =	shalt  }
0x47: {  	_ =	shalt  }
0x48: {  	_ =	shalt  }
0x49: {  	_ =	shalt  }
0x4a: {  	_ =	shalt  }
0x4b: {  	_ =	shalt  }
0x4c: {  	_ =	shalt  }
0x4d: {  	_ =	shalt  }
0x4e: {  	_ =	shalt  }
0x4f: {  	_ =	shalt  }
0x50: {  	_ =	shalt  }
0x51: {  	_ =	shalt  }
0x52: {  	_ =	shalt  }
0x53: {  	_ =	shalt  }
0x54: {  	_ =	shalt  }
0x55: {  	_ =	shalt  }
0x56: {  	_ =	shalt  }
0x57: {  	_ =	shalt  }
0x58: {  	_ =	shalt  }
0x59: {  	_ =	shalt  }
0x5a: {  	_ =	shalt  }
0x5b: {  	_ =	shalt  }
0x5c: {  	_ =	shalt  }
0x5d: {  	_ =	shalt  }
0x5e: {  	_ =	shalt  }
0x5f: {  	_ =	shalt  }
0x60: {  	_ =	shalt  }
0x61: {  	_ =	shalt  }
0x62: {  	_ =	shalt  }
0x63: {  	_ =	shalt  }
0x64: {  	_ =	shalt  }
0x65: {  	_ =	shalt  }
0x66: {  	_ =	shalt  }
0x67: {  	_ =	shalt  }
0x68: {  	_ =	shalt  }
0x69: {  	_ =	shalt  }
0x6a: {  	_ =	shalt  }
0x6b: {  	_ =	shalt  }
0x6c: {  	_ =	shalt  }
0x6d: {  	_ =	shalt  }
0x6e: {  	_ =	shalt  }
0x6f: {  	_ =	shalt  }
0x70: {  	_ =	shalt  }
0x71: {  	_ =	shalt  }
0x72: {  	_ =	shalt  }
0x73: {  	_ =	shalt  }
0x74: {  	_ =	shalt  }
0x75: {  	_ =	shalt  }
0x76: {  	_ =	shalt  }
0x77: {  	_ =	shalt  }
0x78: {  	_ =	shalt  }
0x79: {  	_ =	shalt  }
0x7a: {  	_ =	shalt  }
0x7b: {  	_ =	shalt  }
0x7c: {  	_ =	shalt  }
0x7d: {  	_ =	shalt  }
0x7e: {  	_ =	shalt  }
0x7f: {  	_ =	shalt  }
0x80: {  	_ =	shalt  }
0x81: {  	_ =	shalt  }
0x82: {  	_ =	shalt  }
0x83: {  	_ =	shalt  }
0x84: {  	_ =	shalt  }
0x85: {  	_ =	shalt  }
0x86: {  	_ =	shalt  }
0x87: {  	_ =	shalt  }
.Lfunc_end0:
.L_simem_size_0:
called_computation_lowered:
.L_overlay_start_0:
0x88: {  	s2 =	sld [smem:$0x3FD9]  }
0x89: {  	s3 =	sld [smem:$0x3FFE];
	_ =	sdelay $0x1  }
0x8a: {  	s1 =	srdreg.scid  }
0x8b: {  	s0 =	sand.u32 $0x1, s1  }
0x8c: {  	s14 =	sshll.u32 s0, $0xA;
	s2 =	sadd.s32 s3, s2  }
0x8d: {  	s2 =	sadd.s32 s2, s14  }
0x8e: {  	[smem:$0x3FB5] =	sst s2  }
0x8f: {  	_ = 	snop  }
0x90: {  	s2 =	sld [smem:$0x3FD0];
	_ =	sdelay $0x2  }
0x91: {  	s15 =	simm.s32 $0xA;
	s4 =	simm.s32 $0x10  }
0x92: {  	[smem:s4], [sflag:s15] =	dma.local [hbm:s2], $0x1  }
0x93: {  	_ =	swait.eq [sflag:s15], $0x1  }
0x94: {  	[sflag:s15] =	ssyncset.done $0x0  }
0x95: {  	[sflag:s15] =	ssyncadd.s32 $0xFFFFFFFF  }
0x96: {  	s16 =	sld [smem:$0x11];
	(tm) =	ssettm $0x1  }
0x97: {  	s17 =	sld [smem:$0x3FFB];
	_ =	sdelay $0x3  }
0x98: {  	_ =	strace s17  }
0x99: {  	s3 =	sld [smem:$0x3FFC];
	_ =	sdelay $0x3  }
0x9a: {  	_ =	strace s3  }
0x9b: {  	s3 =	sld [smem:$0x3FFD];
	_ =	sdelay $0x3  }
0x9c: {  	_ =	strace s3  }
0x9d: {  	_ =	strace $0x8FFFFFFF  }
0x9e: {  	s18 =	sld [smem:$0x3FDB];
	_ =	sdelay $0x1  }
0x9f: {  	s19 =	simm.s32 $_scs_section_size  }
0xa0: {  	s5 =	simm.s32 $_size__tile_overlayer_lowered;
	s6 =	simm.s32 $_tile_overlayer_lowered  }
0xa1: {  	s22 =	simm.s32 $0x1BFF;
	s21 =	sshll.u32 s6, $0x1;
	s3 =	sadd.s32 s19, s18  }
0xa2: {  	s7 =	simm.s32 $0x0;
	s20 =	sshll.u32 s5, $0x1;
	s5 =	sadd.s32 s21, s3  }
0xa3: {  	[timem:s7], [sflag:s22] =	dma.local [hbm:s5], s20  }
0xa4: {  	_ =	swait.ge [sflag:s22], s20  }
0xa5: {  	s4 =	ssub.s32 $0x0, s20;
	[sflag:s22] =	ssyncset.done $0x0  }
0xa6: {  	[sflag:s22] =	ssyncadd.s32 s4;
	_ =	sdelay $0x1  }
0xa7: {  	s23 =	simm.s32 $0x1B8B  }
0xa8: {  	_ =	swait.ge [sflag:s23], $0x1  }
0xa9: {  	[sflag:s23] =	ssyncset.done $0x0  }
0xaa: {  	s25 =	simm.s32 $0x1B8E;
	s24 =	sld [smem:$0x3FFE];
	[sflag:s23] =	ssyncadd.s32 $0xFFFFFFFF  }
0xab: {  	s26 =	simm.s32 $execute0_lowered;
	[smem:$0x3FD2] =	sst s25  }
0xac: {  	s5 =	sshll.u32 s26, $0x1;
	_ =	strace $0x80000046;
	[dreg:$0x1] =	wrdreg $0xFFFFFFFF  }
0xad: {  	s28 =	simm.s32 $_size_execute0_lowered;
	s3 =	sadd.s32 s3, s5;
	[dreg:$0x0] =	wrdreg $0x0  }
0xae: {  	s5 =	sshll.u32 s28, $0x1;
	[dreg:$0x2] =	wrdreg s3  }
0xaf: {  	[dreg:$0x3] =	wrdreg s5  }
0xb0: {  	[dreg:$0x4] =	wrdreg $0xC0  }
0xb1: {  	_ =	task [dreg:s7], $0x5FFFF  }
0xb2: {  	[dreg:$0x1] =	wrdreg $0xFFFFFFFF  }
0xb3: {  	[dreg:$0x0] =	wrdreg $0x60  }
0xb4: {  	[dreg:$0x2] =	wrdreg s24  }
0xb5: {  	[dreg:$0x3] =	wrdreg s16  }
0xb6: {  	[dreg:$0x4] =	wrdreg $0x9  }
0xb7: {  	_ =	task.clear_ibuf [dreg:s7], $0x5FFFF;
	_ =	strace $0x90000046  }
0xb8: {  	s29 =	simm.s32 $0x9;
	_ =	strace $0x80000048  }
0xb9: {  	_ =	swait.ge [sflag:s29], $0x1  }
0xba: {  	[sflag:s29] =	ssyncadd.s32 $0xFFFFFFFF  }
0xbb: {  	_ =	strace $0x90000048  }
0xbc: {  	_ =	sfence  }
0xbd: {  	s30 =	sld [smem:$0x0];
	_ =	sdelay $0x2  }
0xbe: {  	s31 =	sshll.u32 s1, $0xD;
	s1 =	sshrl.u32 s1, $0x2  }
0xbf: {  	s3 =	sand.u32 $0x4000, s31;
	s1 =	sadd.s32 s1, s30  }
0xc0: {  	s0 =	sor.u32 s3, s0;
	s1 =	sshll.u32 s1, $0x11  }
0xc1: {  	s0 =	sor.u32 s1, s0  }
0xc2: {  	s0 =	sadd.s32 $0x8F2B, s0  }
0xc3: {  	[sflag:s0] =	ssyncadd.remote.s32 $0x1  }
0xc4: {  	_ =	sfence.sel $0xFFFF  }
0xc5: {  	[dreg:$0x0] =	wrdreg $0xFFFFFFFF;
	(pc) =	sbr.abs _section_cstart, $3  }
0xc6: {  	[dreg:$0x1] =	wrdreg $0xFFFFFFFF  }
0xc7: {  	_ =	task.clear_ibuf [dreg:s7], $0x2FFFF;
	_ =	strace $0x9FFFFFFF  }
0xc8: {  	(tm) =	ssettm $0x7FFFFFFF  }
0xc9: {  	_ =	shalt  }
tec
execute0_lowered:
.L_overlay_start_1:
0x0: {  	(tag) =	ssettag $0x1  }
0x1: {  	s1 =	srdreg.scid  }
0x2: {  	s0 =	stileid.u32;
	s4 =	sand.u32 $0x1, s1  }
0x3: {  	s17 =	sshll.u32 s0, $0x9;
	s2 =	sshll.u32 s4, $0x8  }
0x4: {  	v0 =	vlaneseq.u32;
	s6 =	rddreg [dreg:$0x0];
	s5 =	sor.u32 s2, s17  }
0x5: {  	s7 =	rddreg [dreg:$0x1];
	v19 =	vimm.f32 $0.0e+00;
	v20 =	vor.u32 $0xFFFFF800, v0;
	s1 =	sor.u32 $0x10, s5;
	v2 =	vor.u32 s5, v0  }
0x6: {  	v1 =	vmov s5;
	s18 =	sor.u32 $0x20, s5;
	s3 =	sor.u32 $0x30, s5;
	s8 =	sor.u32 $0x40, s5;
	v3 =	vor.u32 s1, v0;
	v2 =	vand.u32 $0x70F, v2  }
0x7: {  	s19 =	sor.u32 $0x50, s5;
	s20 =	sor.u32 $0x60, s5;
	s9 =	sor.u32 $0x70, s5;
	v4 =	vor.u32 s18, v0;
	v5 =	vor.u32 s3, v0;
	v6 =	vor.u32 s8, v0  }
0x8: {  	s21 =	sor.u32 $0x80, s5;
	s23 =	sor.u32 $0x90, s5;
	s10 =	sor.u32 $0xA0, s5;
	v7 =	vor.u32 s19, v0;
	v8 =	vor.u32 s20, v0;
	v9 =	vor.u32 s9, v0  }
0x9: {  	s24 =	sor.u32 $0xB0, s5;
	s25 =	sor.u32 $0xC0, s5;
	s26 =	sor.u32 $0xD0, s5;
	v10 =	vor.u32 s21, v0;
	v11 =	vor.u32 s23, v0;
	v12 =	vor.u32 s10, v0  }
0xa: {  	s29 =	sor.u32 $0xE0, s5;
	s30 =	sor.u32 $0xF0, s5;
	s31 =	sadd.s32 $0x100, s5;
	v13 =	vor.u32 s24, v0;
	v14 =	vor.u32 s25, v0;
	v15 =	vor.u32 s26, v0  }
0xb: {  	s22 =	ssub.s32 $0x2, s4;
	s4 =	sadd.s32 $0x34E00, s6;
	s2 =	simm.s32 $0x0;
	v16 =	vor.u32 s29, v0;
	v17 =	vor.u32 s30, v0;
	v18 =	vmov s31  }
0xc: {  	s11 =	sshrl.u32 s22, $0x1;
	[smem:$0x7FF] =	sst s2;
	s28 =	sshrl.u32 s5, $0x3;
	v3 =	vand.u32 $0x71F, v3;
	v4 =	vand.u32 $0x72F, v4;
	v5 =	vand.u32 $0x73F, v5  }
0xd: {  	s1 =	rddreg [dreg:$0x2];
	_ =	strace $0x80000047;
	s3 =	sadd.s32 $0x34C00, s6;
	v6 =	vand.u32 $0x74F, v6;
	v7 =	vand.u32 $0x75F, v7;
	v8 =	vand.u32 $0x76F, v8  }
0xe: {  	s9 =	ssub.s32 s22, s11;
	s6 =	sadd.s32 s28, s6;
	s5 =	sadd.s32 s7, s28;
	v9 =	vand.u32 $0x77F, v9;
	v10 =	vand.u32 $0x78F, v10;
	v11 =	vand.u32 $0x79F, v11  }
0xf: {  	s8 =	simm.s32 $0x1;
	s10 =	simm.s32 $0x2100;
	s11 =	simm.s32 $0x0;
	v12 =	vand.u32 $0x7AF, v12;
	v13 =	vand.u32 $0x7BF, v13;
	v14 =	vand.u32 $0x7CF, v14  }
0x10: {  	v15 =	vand.u32 $0x7DF, v15;
	v16 =	vand.u32 $0x7EF, v16;
	v17 =	vand.u32 $0x7FF, v17;
	s6 =	sadd.s32 $0x35000, s6;
	s7 =	smax.u32 s9, $0x1;
	s9 =	simm.s32 $0x2000  }
.LBB2_1:
0x11: {  	[tilespmem:s2], [sflag:$0x1] =	stream.linear.gather [hbm4b:s3+s2], $0x1000, $0x38;
	[tilespmem:$0x2200] =	vst v63  }
0x12: {  	_ =	swait.ge [sflag:s8], $0x1000  }
0x13: {  	[sflag:s8] =	ssyncset.done $0x0  }
0x14: {  	s12 =	simm.s32 $0x1000;
	[sflag:s8] =	ssyncadd.s32 $0xFFFFF000  }
0x15: {  	[tilespmem:s12], [sflag:$0x1] =	stream.linear.gather [hbm4b:s4+s2], $0x1000, $0x38;
	[tilespmem:$0x2200] =	vst v63  }
0x16: {  	_ =	swait.ge [sflag:s8], $0x1000  }
0x17: {  	[sflag:s8] =	ssyncset.done $0x0  }
0x18: {  	[sflag:s8] =	ssyncadd.s32 $0xFFFFF000  }
0x19: {  	[tilespmem:$0x2000] =	vst v2  }
0x1a: {  	[tilespmem:$0x2100] =	vst v19  }
0x1b: {  	[tilespmem:$0x2010] =	vst v3  }
0x1c: {  	[tilespmem:$0x2110] =	vst v19  }
0x1d: {  	[tilespmem:$0x2020] =	vst v4  }
0x1e: {  	[tilespmem:$0x2120] =	vst v19  }
0x1f: {  	[tilespmem:$0x2030] =	vst v5  }
0x20: {  	[tilespmem:$0x2130] =	vst v19  }
0x21: {  	[tilespmem:$0x2040] =	vst v6  }
0x22: {  	[tilespmem:$0x2140] =	vst v19  }
0x23: {  	[tilespmem:$0x2050] =	vst v7  }
0x24: {  	[tilespmem:$0x2150] =	vst v19  }
0x25: {  	[tilespmem:$0x2060] =	vst v8  }
0x26: {  	[tilespmem:$0x2160] =	vst v19  }
0x27: {  	[tilespmem:$0x2070] =	vst v9  }
0x28: {  	[tilespmem:$0x2170] =	vst v19  }
0x29: {  	[tilespmem:$0x2080] =	vst v10  }
0x2a: {  	[tilespmem:$0x2180] =	vst v19  }
0x2b: {  	[tilespmem:$0x2090] =	vst v11  }
0x2c: {  	[tilespmem:$0x2190] =	vst v19  }
0x2d: {  	[tilespmem:$0x20A0] =	vst v12  }
0x2e: {  	[tilespmem:$0x21A0] =	vst v19  }
0x2f: {  	[tilespmem:$0x20B0] =	vst v13  }
0x30: {  	[tilespmem:$0x21B0] =	vst v19  }
0x31: {  	[tilespmem:$0x20C0] =	vst v14  }
0x32: {  	[tilespmem:$0x21C0] =	vst v19  }
0x33: {  	[tilespmem:$0x20D0] =	vst v15  }
0x34: {  	[tilespmem:$0x21D0] =	vst v19  }
0x35: {  	[tilespmem:$0x20E0] =	vst v16  }
0x36: {  	[tilespmem:$0x21E0] =	vst v19  }
0x37: {  	[tilespmem:$0x20F0] =	vst v17  }
0x38: {  	[tilespmem:$0x21F0] =	vst v19  }
0x39: {  	v21 =	vld [tilespmem:s2+$0x0];
	_ =	sdelay $0x4  }
0x3a: {  	vm0 =	vge.s32 v21, v1;
	vm1 =	vlt.s32 v21, v18;
	v22 =	vsub.s32 v21, v1  }
0x3b: {  	v21 =	vand.u32 $0x7F, v21;
	vm0 =	vmand vm0, vm1;
	v22 =	vand.u32 $0xFFFFFF80, v22  }
0x3c: {  	v21 =	vor.u32 v21, v22  }
0x3d: {  	v22 =	vld [tilespmem:s12+$0x0]  }
0x3e: {  	v23 =	vmov s2  }
0x3f: {  	v24 =	vor.u32 s2, v0;
	vm15 =	vgt.u32 v23, $0x7FF;
	v23 =	vadd.s32 s2, v20  }
0x40: {  	v23 =	vsel vm15, v23, v24  }
0x41: {  	[tilespmem:v21+s9+$0x0] =	vst.idx.msk vm0, v23  }
0x42: {  	s13 =	simm.s32 $0x10;
	[tilespmem:v21+s10+$0x0] =	vst.idx.msk vm0, v22  }
0x43: {  	v21 =	vld [tilespmem:s13+$0x0]  }
0x44: {  	s14 =	simm.s32 $0x20;
	s15 =	simm.s32 $0x10  }
.LBB2_2:
0x45: {  	p0 =	sne.s32 s14, $0xFF0;
	_ =	sdelay $0x2  }
0x46: {  	vm0 =	vge.s32 v21, v1;
	vm1 =	vlt.s32 v21, v18;
	v22 =	vsub.s32 v21, v1  }
0x47: {  	v21 =	vand.u32 $0x7F, v21;
	vm0 =	vmand vm0, vm1;
	v22 =	vand.u32 $0xFFFFFF80, v22  }
0x48: {  	s12 =	sadd.s32 $0x10, s12;
	v21 =	vor.u32 v21, v22  }
0x49: {  	v22 =	vld [tilespmem:s12+$0x0]  }
0x4a: {  	v23 =	vmov s13  }
0x4b: {  	v24 =	vor.u32 s13, v0;
	vm1 =	vgt.u32 v23, $0x7FF;
	v23 =	vadd.s32 s13, v20;
	s13 =	smov.u32 s14  }
.Ltmp0:
0x4c: {  	v23 =	vsel vm1, v23, v24;
	(pc) =	sbr.rel @p0 .LBB2_2-.Ltmp0, $4  }
0x4d: {  	[tilespmem:v21+s9+$0x0] =	vst.idx.msk vm0, v23  }
0x4e: {  	s15 =	sadd.s32 $0x10, s15;
	[tilespmem:v21+s10+$0x0] =	vst.idx.msk vm0, v22  }
0x4f: {  	v21 =	vld [tilespmem:s15+$0x0]  }
0x50: {  	s14 =	sadd.s32 $0x10, s14  }
0x51: {  	_ =	sdelay $0x2  }
0x52: {  	vm0 =	vge.s32 v21, v1;
	vm1 =	vlt.s32 v21, v18;
	v22 =	vsub.s32 v21, v1  }
0x53: {  	v21 =	vand.u32 $0x7F, v21;
	vm0 =	vmand vm0, vm1;
	v22 =	vand.u32 $0xFFFFFF80, v22  }
0x54: {  	s12 =	sadd.s32 $0x10, s12;
	v21 =	vor.u32 v21, v22  }
0x55: {  	v22 =	vld [tilespmem:s12+$0x0]  }
0x56: {  	v23 =	vmov s13  }
0x57: {  	v24 =	vor.u32 s13, v0;
	vm15 =	vgt.u32 v23, $0x7FF;
	v23 =	vadd.s32 s13, v20  }
0x58: {  	v23 =	vsel vm15, v23, v24  }
0x59: {  	[tilespmem:v21+s9+$0x0] =	vst.idx.msk vm0, v23  }
0x5a: {  	[tilespmem:v21+s10+$0x0] =	vst.idx.msk vm0, v22  }
0x5b: {  	[hbm4b:s5+s2] =	stream.linear.scatter [tilespmem:s9], [sflag:$0x1], $0x100, $0x38;
	[tilespmem:$0x2200] =	vst v63  }
0x5c: {  	s11 =	sadd.s32 $0x1, s11;
	_ =	swait.ge [sflag:s8], $0x100  }
0x5d: {  	p0 =	sne.s32 s11, s7;
	[sflag:s8] =	ssyncset.done $0x0  }
.Ltmp1:
0x5e: {  	[sflag:s8] =	ssyncadd.s32 $0xFFFFFF00;
	(pc) =	sbr.rel @p0 .LBB2_1-.Ltmp1, $4  }
0x5f: {  	[hbm4b:s6+s2] =	stream.linear.scatter [tilespmem:s10], [sflag:$0x1], $0x100, $0x38;
	[tilespmem:$0x2200] =	vst v63  }
0x60: {  	_ =	swait.ge [sflag:s8], $0x100  }
0x61: {  	[sflag:s8] =	ssyncset.done $0x0  }
0x62: {  	[sflag:s8] =	ssyncadd.s32 $0xFFFFFF00  }
0x63: {  	_ =	sfence.sel $0x180000  }
0x64: {  	[bflag:$0x0] =	sbarrier.arrive $0xFFFF  }
0x65: {  	p0 =	sne.s32 s0, $0x0;
	_ =	strace $0x90000047  }
0x66: {  	s0 =	sadd.s32 @!p0 $0x100000, s1;
	[bflag:$0x2] =	sbarrier.arrive $0xFFFF  }
0x67: {  	[sflag:s0] =	ssyncadd.tile.s32 @!p0 $0x1;
	_ =	shalt  }
.Lfunc_end2:
_tile_overlayer_lowered:
.L_overlay_start_2:
0x68: {  	(tag) =	ssettag $0x2  }
0x69: {  	s0 =	rddreg [dreg:$0x0];
	s2 =	stileid.u32  }
0x6a: {  	s1 =	rddreg [dreg:$0x1];
	p0 =	sne.s32 s2, $0x0  }
0x6b: {  	s3 =	rddreg [dreg:$0x2];
	[bflag:$0x3] =	sbarrier.arrive $0xFFFF;
	s2 =	simm.s32 @!p0 $0x1C01  }
0x6c: {  	[timem:s3], [sflag:s2] =	dma.local @!p0 [hbm:s0], s1  }
0x6d: {  	s0 =	simm.s32 @!p0 $0x1  }
0x6e: {  	_ =	swait.ge @!p0 [sflag:s0], s1  }
0x6f: {  	s1 =	ssub.s32 @!p0 $0x0, s1;
	[sflag:s0] =	ssyncset.done @!p0 $0x0  }
0x70: {  	[sflag:s0] =	ssyncadd.s32 @!p0 s1  }
0x71: {  	[bflag:$0x3] =	sbarrier.arrive $0xFFFF  }
0x72: {  	_ =	shalt  }

// kernel: kernel.15.cloned.1.call-start
scs
__scs_entry_jumppad:
0x0: {  	(pc) =	sbr.rel $0x88, $3  }
0x1: {  	(tag) =	ssettag $0x0;
	lr =	simm.s32 $0x1  }
0x2: {  	[smem:$0x3F8E] =	sst lr;
	_ =	strace $0xD0000000  }
0x3: {  	_ = 	snop  }
0x4: {  	_ = 	snop  }
0x5: {  	_ = 	snop  }
0x6: {  	_ = 	snop  }
0x7: {  	_ = 	snop  }
__scs_overlays_trampoline_lowered:
0x8: {  	[smem:$0x3F9D] =	sst s0  }
0x9: {  	[smem:$0x3F9E] =	sst s1  }
0xa: {  	[smem:$0x3F9F] =	sst s2  }
0xb: {  	[smem:$0x3FA0] =	sst s3  }
0xc: {  	[smem:$0x3FA1] =	sst s4  }
0xd: {  	[smem:$0x3FA2] =	sst s5  }
0xe: {  	[smem:$0x3FA3] =	sst s6  }
0xf: {  	[smem:$0x3FA4] =	sst s7  }
0x10: {  	[smem:$0x3FA5] =	sst s8  }
0x11: {  	[smem:$0x3FA6] =	sst s9;
	s0 =	simm.s32 @!p0 $0x0  }
0x12: {  	s1 =	sld [smem:$0x3F8C];
	s0 =	simm.s32 @p0 $0x1  }
0x13: {  	[smem:$0x3FA7] =	sst s0;
	s0 =	simm.s32 @!p1 $0x0  }
0x14: {  	s2 =	sld [smem:$0x3F8B];
	s0 =	simm.s32 @p1 $0x1  }
0x15: {  	[smem:$0x3FA8] =	sst s0;
	s0 =	simm.s32 @!p2 $0x0  }
0x16: {  	s3 =	sld [smem:$0x3FDB];
	s0 =	simm.s32 @p2 $0x1  }
0x17: {  	s4 =	simm.s32 $0x1BF5;
	[smem:$0x3FAA] =	sst s0  }
0x18: {  	s0 =	sld [smem:$0x3F8D];
	_ =	swait.ge [sflag:s4], $0x0  }
0x19: {  	s7 =	sld [smem:$0x3F8E]  }
0x1a: {  	s8 =	sadd.s32 $0xFFFFE003, lr  }
0x1b: {  	s9 =	sadd.s32 $0xFFFFFEF7, lr;
	s5 =	simm.s32 $0xFFFFFFFF;
	p2 =	slt.u32 s8, $0xFFFFF086  }
0x1c: {  	p1 =	slt.u32 s9, $0xF7A;
	s5 =	simm.s32 @!p2 $0x0  }
0x1d: {  	s5 =	simm.s32 @p1 $0x1;
	p0 =	seq.s32 s7, s2  }
0x1e: {  	s7 =	smul.u32 @!p0 $0xF7A, s2;
	p2 =	seq.s32 @!p0 s5, $0x0  }
0x1f: {  	s9 =	smul.u32 $0xF7A, s1;
	s8 =	simm.s32 @!p0 $0x1BF5;
	p2 =	por !p2, p0  }
0x20: {  	[sflag:s8] =	ssyncset.s32 @!p0 $0xFFFFF086;
	s6 =	sadd.s32 @!p0 s3, s7;
	s7 =	simm.s32 @!p0 $0x108  }
0x21: {  	s3 =	sadd.s32 s3, s9;
	s6 =	sadd.s32 @!p0 $0x88, s6;
	s7 =	simm.s32 @p2 $0x1082  }
0x22: {  	[simem:s7], [sflag:s8] =	dma.local @!p0 [hbm:s6], $0xF7A  }
0x23: {  	s9 =	sor.u32 $0xD0000000, s2;
	s6 =	simm.s32 $0x108;
	_ =	swait.ge @!p0 [sflag:s8], $0x0  }
0x24: {  	s3 =	sadd.s32 $0x88, s3;
	s6 =	simm.s32 @!p1 $0x1082;
	[sflag:s4] =	ssyncset.s32 $0xFFFFF086  }
0x25: {  	[simem:s6], [sflag:s4] =	dma.local [hbm:s3], $0xF7A  }
0x26: {  	[smem:$0x3F8E] =	sst s1;
	(tag) =	ssettag s2;
	_ =	strace s9  }
0x27: {  	s1 =	sld [smem:$0x3F9E]  }
0x28: {  	s2 =	sld [smem:$0x3F9F]  }
0x29: {  	s4 =	sld [smem:$0x3FA1]  }
0x2a: {  	p0 =	seq.s32 s5, $0x0;
	s5 =	sld [smem:$0x3FA2]  }
0x2b: {  	s6 =	sld [smem:$0x3FA3]  }
0x2c: {  	s7 =	sld [smem:$0x3FA4]  }
0x2d: {  	s3 =	simm.s32 $0x108;
	s8 =	sld [smem:$0x3FA5]  }
0x2e: {  	s3 =	simm.s32 @!p0 $0x1082;
	s9 =	sld [smem:$0x3FA6]  }
0x2f: {  	lr =	sadd.s32 s0, s3;
	s0 =	sld [smem:$0x3F9D]  }
0x30: {  	s3 =	sld [smem:$0x3FA0]  }
0x31: {  	[smem:$0x3FA9] =	sst s10  }
0x32: {  	s10 =	sld [smem:$0x3FA7];
	_ =	sdelay $0x3  }
0x33: {  	p0 =	seq.s32 s10, $0x1;
	s10 =	sld [smem:$0x3FA9];
	_ =	sdelay $0x3  }
0x34: {  	[smem:$0x3FA9] =	sst s10  }
0x35: {  	s10 =	sld [smem:$0x3FA8];
	_ =	sdelay $0x3  }
0x36: {  	p1 =	seq.s32 s10, $0x1;
	s10 =	sld [smem:$0x3FA9];
	_ =	sdelay $0x3  }
0x37: {  	[smem:$0x3FA9] =	sst s10  }
0x38: {  	s10 =	sld [smem:$0x3FAA]  }
0x39: {  	_ = 	snop;
	(pc) =	sbr.ind lr, $3  }
0x3a: {  	_ = 	snop  }
0x3b: {  	_ = 	snop  }
0x3c: {  	p2 =	seq.s32 s10, $0x1;
	s10 =	sld [smem:$0x3FA9]  }
0x3d: {  	_ =	shalt  }
0x3e: {  	_ =	shalt  }
0x3f: {  	_ =	shalt  }
0x40: {  	_ =	shalt  }
0x41: {  	_ =	shalt  }
0x42: {  	_ =	shalt  }
0x43: {  	_ =	shalt  }
0x44: {  	_ =	shalt  }
0x45: {  	_ =	shalt  }
0x46: {  	_ =	shalt  }
0x47: {  	_ =	shalt  }
0x48: {  	_ =	shalt  }
0x49: {  	_ =	shalt  }
0x4a: {  	_ =	shalt  }
0x4b: {  	_ =	shalt  }
0x4c: {  	_ =	shalt  }
0x4d: {  	_ =	shalt  }
0x4e: {  	_ =	shalt  }
0x4f: {  	_ =	shalt  }
0x50: {  	_ =	shalt  }
0x51: {  	_ =	shalt  }
0x52: {  	_ =	shalt  }
0x53: {  	_ =	shalt  }
0x54: {  	_ =	shalt  }
0x55: {  	_ =	shalt  }
0x56: {  	_ =	shalt  }
0x57: {  	_ =	shalt  }
0x58: {  	_ =	shalt  }
0x59: {  	_ =	shalt  }
0x5a: {  	_ =	shalt  }
0x5b: {  	_ =	shalt  }
0x5c: {  	_ =	shalt  }
0x5d: {  	_ =	shalt  }
0x5e: {  	_ =	shalt  }
0x5f: {  	_ =	shalt  }
0x60: {  	_ =	shalt  }
0x61: {  	_ =	shalt  }
0x62: {  	_ =	shalt  }
0x63: {  	_ =	shalt  }
0x64: {  	_ =	shalt  }
0x65: {  	_ =	shalt  }
0x66: {  	_ =	shalt  }
0x67: {  	_ =	shalt  }
0x68: {  	_ =	shalt  }
0x69: {  	_ =	shalt  }
0x6a: {  	_ =	shalt  }
0x6b: {  	_ =	shalt  }
0x6c: {  	_ =	shalt  }
0x6d: {  	_ =	shalt  }
0x6e: {  	_ =	shalt  }
0x6f: {  	_ =	shalt  }
0x70: {  	_ =	shalt  }
0x71: {  	_ =	shalt  }
0x72: {  	_ =	shalt  }
0x73: {  	_ =	shalt  }
0x74: {  	_ =	shalt  }
0x75: {  	_ =	shalt  }
0x76: {  	_ =	shalt  }
0x77: {  	_ =	shalt  }
0x78: {  	_ =	shalt  }
0x79: {  	_ =	shalt  }
0x7a: {  	_ =	shalt  }
0x7b: {  	_ =	shalt  }
0x7c: {  	_ =	shalt  }
0x7d: {  	_ =	shalt  }
0x7e: {  	_ =	shalt  }
0x7f: {  	_ =	shalt  }
0x80: {  	_ =	shalt  }
0x81: {  	_ =	shalt  }
0x82: {  	_ =	shalt  }
0x83: {  	_ =	shalt  }
0x84: {  	_ =	shalt  }
0x85: {  	_ =	shalt  }
0x86: {  	_ =	shalt  }
0x87: {  	_ =	shalt  }
.Lfunc_end0:
.L_simem_size_0:
called_computation.1_lowered:
.L_overlay_start_0:
0x88: {  	s2 =	sld [smem:$0x3FD9]  }
0x89: {  	s3 =	sld [smem:$0x3FFE];
	_ =	sdelay $0x1  }
0x8a: {  	s1 =	srdreg.scid  }
0x8b: {  	s0 =	sand.u32 $0x1, s1  }
0x8c: {  	s14 =	sshll.u32 s0, $0xA;
	s2 =	sadd.s32 s3, s2  }
0x8d: {  	s2 =	sadd.s32 s2, s14  }
0x8e: {  	[smem:$0x3FB5] =	sst s2  }
0x8f: {  	_ = 	snop  }
0x90: {  	s2 =	sld [smem:$0x3FD0];
	_ =	sdelay $0x2  }
0x91: {  	s15 =	simm.s32 $0xA;
	s4 =	simm.s32 $0x10  }
0x92: {  	[smem:s4], [sflag:s15] =	dma.local [hbm:s2], $0x1  }
0x93: {  	_ =	swait.eq [sflag:s15], $0x1  }
0x94: {  	[sflag:s15] =	ssyncset.done $0x0  }
0x95: {  	[sflag:s15] =	ssyncadd.s32 $0xFFFFFFFF  }
0x96: {  	s16 =	sld [smem:$0x11];
	(tm) =	ssettm $0x1  }
0x97: {  	s17 =	sld [smem:$0x3FFB];
	_ =	sdelay $0x3  }
0x98: {  	_ =	strace s17  }
0x99: {  	s3 =	sld [smem:$0x3FFC];
	_ =	sdelay $0x3  }
0x9a: {  	_ =	strace s3  }
0x9b: {  	s3 =	sld [smem:$0x3FFD];
	_ =	sdelay $0x3  }
0x9c: {  	_ =	strace s3  }
0x9d: {  	_ =	strace $0x8FFFFFFF  }
0x9e: {  	s18 =	sld [smem:$0x3FDB];
	_ =	sdelay $0x1  }
0x9f: {  	s19 =	simm.s32 $_scs_section_size  }
0xa0: {  	s5 =	simm.s32 $_size__tile_overlayer_lowered;
	s6 =	simm.s32 $_tile_overlayer_lowered  }
0xa1: {  	s22 =	simm.s32 $0x1BFF;
	s21 =	sshll.u32 s6, $0x1;
	s3 =	sadd.s32 s19, s18  }
0xa2: {  	s7 =	simm.s32 $0x0;
	s20 =	sshll.u32 s5, $0x1;
	s5 =	sadd.s32 s21, s3  }
0xa3: {  	[timem:s7], [sflag:s22] =	dma.local [hbm:s5], s20  }
0xa4: {  	_ =	swait.ge [sflag:s22], s20  }
0xa5: {  	s4 =	ssub.s32 $0x0, s20;
	[sflag:s22] =	ssyncset.done $0x0  }
0xa6: {  	[sflag:s22] =	ssyncadd.s32 s4;
	_ =	sdelay $0x1  }
0xa7: {  	s23 =	simm.s32 $0x1B8B  }
0xa8: {  	_ =	swait.ge [sflag:s23], $0x1  }
0xa9: {  	[sflag:s23] =	ssyncset.done $0x0  }
0xaa: {  	s25 =	simm.s32 $0x1B8E;
	s24 =	sld [smem:$0x3FFE];
	[sflag:s23] =	ssyncadd.s32 $0xFFFFFFFF  }
0xab: {  	s26 =	simm.s32 $execute0_lowered;
	[smem:$0x3FD2] =	sst s25  }
0xac: {  	s5 =	sshll.u32 s26, $0x1;
	_ =	strace $0x80000049;
	[dreg:$0x1] =	wrdreg $0xFFFFFFFF  }
0xad: {  	s28 =	simm.s32 $_size_execute0_lowered;
	s3 =	sadd.s32 s3, s5;
	[dreg:$0x0] =	wrdreg $0x0  }
0xae: {  	s5 =	sshll.u32 s28, $0x1;
	[dreg:$0x2] =	wrdreg s3  }
0xaf: {  	[dreg:$0x3] =	wrdreg s5  }
0xb0: {  	[dreg:$0x4] =	wrdreg $0xC0  }
0xb1: {  	_ =	task [dreg:s7], $0x5FFFF  }
0xb2: {  	[dreg:$0x1] =	wrdreg $0xFFFFFFFF  }
0xb3: {  	[dreg:$0x0] =	wrdreg $0x60  }
0xb4: {  	[dreg:$0x2] =	wrdreg s24  }
0xb5: {  	[dreg:$0x3] =	wrdreg s16  }
0xb6: {  	[dreg:$0x4] =	wrdreg $0x9  }
0xb7: {  	_ =	task.clear_ibuf [dreg:s7], $0x5FFFF;
	_ =	strace $0x90000049  }
0xb8: {  	s29 =	simm.s32 $0x9;
	_ =	strace $0x8000004B  }
0xb9: {  	_ =	swait.ge [sflag:s29], $0x1  }
0xba: {  	[sflag:s29] =	ssyncadd.s32 $0xFFFFFFFF  }
0xbb: {  	_ =	strace $0x9000004B  }
0xbc: {  	_ =	sfence  }
0xbd: {  	s30 =	sld [smem:$0x0];
	_ =	sdelay $0x2  }
0xbe: {  	s31 =	sshll.u32 s1, $0xD;
	s1 =	sshrl.u32 s1, $0x2  }
0xbf: {  	s3 =	sand.u32 $0x4000, s31;
	s1 =	sadd.s32 s1, s30  }
0xc0: {  	s0 =	sor.u32 s3, s0;
	s1 =	sshll.u32 s1, $0x11  }
0xc1: {  	s0 =	sor.u32 s1, s0  }
0xc2: {  	s0 =	sadd.s32 $0x8F2B, s0  }
0xc3: {  	[sflag:s0] =	ssyncadd.remote.s32 $0x1  }
0xc4: {  	_ =	sfence.sel $0xFFFF  }
0xc5: {  	[dreg:$0x0] =	wrdreg $0xFFFFFFFF;
	(pc) =	sbr.abs _section_cstart, $3  }
0xc6: {  	[dreg:$0x1] =	wrdreg $0xFFFFFFFF  }
0xc7: {  	_ =	task.clear_ibuf [dreg:s7], $0x2FFFF;
	_ =	strace $0x9FFFFFFF  }
0xc8: {  	(tm) =	ssettm $0x7FFFFFFF  }
0xc9: {  	_ =	shalt  }
tec
execute0_lowered:
.L_overlay_start_1:
0x0: {  	(tag) =	ssettag $0x1  }
0x1: {  	s0 =	rddreg [dreg:$0x0]  }
0x2: {  	s1 =	rddreg [dreg:$0x1];
	s2 =	simm.s32 $0x0;
	s3 =	srdreg.scid  }
0x3: {  	s4 =	stileid.u32;
	s11 =	simm.s32 $0x2;
	s13 =	simm.s32 $0x900  }
0x4: {  	s14 =	simm.s32 $0x1100;
	s15 =	simm.s32 $0x1900;
	s16 =	simm.s32 $0x2100  }
0x5: {  	s17 =	simm.s32 $0x2900;
	s18 =	simm.s32 $0x3100;
	s19 =	simm.s32 $0x3900  }
0x6: {  	s28 =	simm.s32 $0x7900;
	s29 =	simm.s32 $0x8100;
	s30 =	simm.s32 $0x8900  }
0x7: {  	s31 =	simm.s32 $0x9100;
	[smem:$0x7FF] =	sst s2;
	s3 =	sand.u32 $0x1, s3  }
0x8: {  	s4 =	sshll.u32 s4, $0x6;
	s6 =	sadd.s32 $0x74C00, s0;
	s5 =	sshll.u32 s3, $0x5  }
0x9: {  	_ =	strace $0x8000004A;
	s7 =	ssub.s32 $0x2, s3;
	s4 =	sor.u32 s5, s4  }
0xa: {  	s3 =	sadd.s32 $0x4C00, s0;
	s9 =	sshrl.u32 s7, $0x1;
	s20 =	sadd.s32 s1, s4  }
0xb: {  	s5 =	sor.u32 $0x8, s4;
	s8 =	smul.u32 $0x300, s4;
	s23 =	sor.u32 $0x10, s4  }
0xc: {  	s7 =	ssub.s32 s7, s9;
	s4 =	sor.u32 $0x18, s4;
	s9 =	simm.s32 $0xB100  }
0xd: {  	[dreg:$0x3] =	wrdreg s20;
	s21 =	sadd.s32 s1, s5;
	s5 =	smul.u32 $0x300, s5  }
0xe: {  	s10 =	sadd.s32 s1, s23;
	s1 =	sadd.s32 s1, s4;
	s24 =	smul.u32 $0x300, s4  }
0xf: {  	s4 =	sadd.s32 $0x4D00, s0;
	s20 =	simm.s32 $0x4100;
	[dreg:$0x4] =	wrdreg s21  }
0x10: {  	s22 =	sadd.s32 s6, s8;
	[dreg:$0x6] =	wrdreg s10;
	s8 =	smul.u32 $0x300, s23  }
0x11: {  	[dreg:$0x8] =	wrdreg s1;
	s21 =	simm.s32 $0x4900;
	s23 =	simm.s32 $0x5900  }
0x12: {  	[dreg:$0x5] =	wrdreg s22;
	s5 =	sadd.s32 s6, s5;
	s26 =	sadd.s32 s6, s24  }
0x13: {  	s22 =	simm.s32 $0x5100;
	s24 =	simm.s32 $0x6100;
	[dreg:$0x7] =	wrdreg s5  }
0x14: {  	v2 =	vlaneseq.u32;
	s25 =	sadd.s32 s6, s8;
	s5 =	sadd.s32 $0x4E00, s0;
	[dreg:$0xa] =	wrdreg s26  }
0x15: {  	vm0 =	vmmov $0xffff;
	v1 =	vshrl.u32 v2, $0x3;
	s6 =	smax.u32 s7, $0x1;
	s7 =	simm.s32 $0x3;
	s8 =	simm.s32 $0x1  }
0x16: {  	v0 =	vand.u32 $0x7, v2;
	v2 =	vor.u32 $0x8, v2;
	v1 =	vmul.u32 $0x8, v1;
	s26 =	simm.s32 $0x7100;
	[dreg:$0x9] =	wrdreg s25;
	s25 =	simm.s32 $0x6900  }
.LBB2_1:
0x17: {  	s12 =	rddreg [dreg:$0x3]  }
0x18: {  	[tilespmem:s2], [sflag:$0x3] =	stream.linear.gather [hbm4b:s12+s2], $0x40, $0x38;
	[tilespmem:$0x18100] =	vst v63  }
0x19: {  	_ =	swait.ge [sflag:s7], $0x40  }
0x1a: {  	[sflag:s7] =	ssyncset.done $0x0  }
0x1b: {  	[sflag:s7] =	ssyncadd.s32 $0xFFFFFFC0  }
0x1c: {  	v3 =	vld [tilespmem:$0x0];
	_ =	sdelay $0x4  }
0x1d: {  	v4 =	vshrl.u32 v3, $0x3  }
0x1e: {  	v4 =	vmul.u32 $0x30, v4  }
0x1f: {  	v3 =	vand.u32 $0x7, v3  }
0x20: {  	v3 =	vor.u32 v3, v4  }
0x21: {  	v4 =	vperm.xlane v3, v0;
	_ =	sdelay $0x1  }
0x22: {  	v4 =	vadd.s32 v1, v4;
	_ =	sdelay $0x3  }
0x23: {  	s0 =	simm.s32 $0x100;
	v3 =	vperm.xlane v3, v2  }
0x24: {  	[tilespmem:s0], [sflag:$0x1] =	stream.indirect_vreg.gather [hbm4b:s3+s2], $0x80, v4, vm0, $0xb8;
	[tilespmem:$0x18100] =	vst v63  }
0x25: {  	v3 =	vadd.s32 v1, v3  }
0x26: {  	[tilespmem:s13], [sflag:$0x1] =	stream.indirect_vreg.gather [hbm4b:s4+s2], $0x80, v4, vm0, $0xb8;
	[tilespmem:$0x18100] =	vst v63  }
0x27: {  	_ = 	snop  }
0x28: {  	[tilespmem:s14], [sflag:$0x1] =	stream.indirect_vreg.gather [hbm4b:s5+s2], $0x80, v4, vm0, $0xb8;
	[tilespmem:$0x18100] =	vst v63  }
0x29: {  	_ = 	snop  }
0x2a: {  	[tilespmem:s15], [sflag:$0x1] =	stream.indirect_vreg.gather [hbm4b:s3+s2], $0x80, v3, vm0, $0xb8;
	[tilespmem:$0x18100] =	vst v63  }
0x2b: {  	_ = 	snop  }
0x2c: {  	[tilespmem:s16], [sflag:$0x1] =	stream.indirect_vreg.gather [hbm4b:s4+s2], $0x80, v3, vm0, $0xb8;
	[tilespmem:$0x18100] =	vst v63  }
0x2d: {  	_ = 	snop  }
0x2e: {  	[tilespmem:s17], [sflag:$0x1] =	stream.indirect_vreg.gather [hbm4b:s5+s2], $0x80, v3, vm0, $0xb8;
	[tilespmem:$0x18100] =	vst v63  }
0x2f: {  	v3 =	vld [tilespmem:$0x10];
	_ =	sdelay $0x4  }
0x30: {  	v49 =	vshrl.u32 v3, $0x3  }
0x31: {  	v4 =	vmul.u32 $0x30, v49  }
0x32: {  	v3 =	vand.u32 $0x7, v3  }
0x33: {  	v3 =	vor.u32 v3, v4  }
0x34: {  	v4 =	vperm.xlane v3, v0;
	_ =	sdelay $0x1  }
0x35: {  	v4 =	vadd.s32 v1, v4;
	_ =	sdelay $0x3  }
0x36: {  	v3 =	vperm.xlane v3, v2  }
0x37: {  	[tilespmem:s18], [sflag:$0x1] =	stream.indirect_vreg.gather [hbm4b:s3+s2], $0x80, v4, vm0, $0xb8;
	[tilespmem:$0x18100] =	vst v63  }
0x38: {  	v3 =	vadd.s32 v1, v3  }
0x39: {  	[tilespmem:s19], [sflag:$0x1] =	stream.indirect_vreg.gather [hbm4b:s4+s2], $0x80, v4, vm0, $0xb8;
	[tilespmem:$0x18100] =	vst v63  }
0x3a: {  	_ = 	snop  }
0x3b: {  	[tilespmem:s20], [sflag:$0x1] =	stream.indirect_vreg.gather [hbm4b:s5+s2], $0x80, v4, vm0, $0xb8;
	[tilespmem:$0x18100] =	vst v63  }
0x3c: {  	_ = 	snop  }
0x3d: {  	[tilespmem:s21], [sflag:$0x1] =	stream.indirect_vreg.gather [hbm4b:s3+s2], $0x80, v3, vm0, $0xb8;
	[tilespmem:$0x18100] =	vst v63  }
0x3e: {  	_ = 	snop  }
0x3f: {  	[tilespmem:s22], [sflag:$0x1] =	stream.indirect_vreg.gather [hbm4b:s4+s2], $0x80, v3, vm0, $0xb8;
	[tilespmem:$0x18100] =	vst v63  }
0x40: {  	_ = 	snop  }
0x41: {  	[tilespmem:s23], [sflag:$0x1] =	stream.indirect_vreg.gather [hbm4b:s5+s2], $0x80, v3, vm0, $0xb8;
	[tilespmem:$0x18100] =	vst v63  }
0x42: {  	v3 =	vld [tilespmem:$0x20];
	_ =	sdelay $0x4  }
0x43: {  	v50 =	vshrl.u32 v3, $0x3  }
0x44: {  	v4 =	vmul.u32 $0x30, v50  }
0x45: {  	v3 =	vand.u32 $0x7, v3  }
0x46: {  	v3 =	vor.u32 v3, v4  }
0x47: {  	v4 =	vperm.xlane v3, v0;
	_ =	sdelay $0x1  }
0x48: {  	v4 =	vadd.s32 v1, v4;
	_ =	sdelay $0x3  }
0x49: {  	v3 =	vperm.xlane v3, v2  }
0x4a: {  	[tilespmem:s24], [sflag:$0x1] =	stream.indirect_vreg.gather [hbm4b:s3+s2], $0x80, v4, vm0, $0xb8;
	[tilespmem:$0x18100] =	vst v63  }
0x4b: {  	v3 =	vadd.s32 v1, v3  }
0x4c: {  	[tilespmem:s25], [sflag:$0x1] =	stream.indirect_vreg.gather [hbm4b:s4+s2], $0x80, v4, vm0, $0xb8;
	[tilespmem:$0x18100] =	vst v63  }
0x4d: {  	_ = 	snop  }
0x4e: {  	[tilespmem:s26], [sflag:$0x1] =	stream.indirect_vreg.gather [hbm4b:s5+s2], $0x80, v4, vm0, $0xb8;
	[tilespmem:$0x18100] =	vst v63  }
0x4f: {  	_ = 	snop  }
0x50: {  	[tilespmem:s28], [sflag:$0x1] =	stream.indirect_vreg.gather [hbm4b:s3+s2], $0x80, v3, vm0, $0xb8;
	[tilespmem:$0x18100] =	vst v63  }
0x51: {  	_ = 	snop  }
0x52: {  	[tilespmem:s29], [sflag:$0x1] =	stream.indirect_vreg.gather [hbm4b:s4+s2], $0x80, v3, vm0, $0xb8;
	[tilespmem:$0x18100] =	vst v63  }
0x53: {  	_ = 	snop  }
0x54: {  	[tilespmem:s30], [sflag:$0x1] =	stream.indirect_vreg.gather [hbm4b:s5+s2], $0x80, v3, vm0, $0xb8;
	[tilespmem:$0x18100] =	vst v63  }
0x55: {  	v3 =	vld [tilespmem:$0x30];
	_ =	sdelay $0x4  }
0x56: {  	v51 =	vshrl.u32 v3, $0x3  }
0x57: {  	v4 =	vmul.u32 $0x30, v51  }
0x58: {  	v3 =	vand.u32 $0x7, v3  }
0x59: {  	v3 =	vor.u32 v3, v4  }
0x5a: {  	v4 =	vperm.xlane v3, v0;
	_ =	sdelay $0x1  }
0x5b: {  	v4 =	vadd.s32 v1, v4;
	_ =	sdelay $0x3  }
0x5c: {  	v3 =	vperm.xlane v3, v2  }
0x5d: {  	[tilespmem:s31], [sflag:$0x1] =	stream.indirect_vreg.gather [hbm4b:s3+s2], $0x80, v4, vm0, $0xb8;
	[tilespmem:$0x18100] =	vst v63  }
0x5e: {  	s1 =	simm.s32 $0x9900;
	v3 =	vadd.s32 v1, v3  }
0x5f: {  	[tilespmem:s1], [sflag:$0x1] =	stream.indirect_vreg.gather [hbm4b:s4+s2], $0x80, v4, vm0, $0xb8;
	[tilespmem:$0x18100] =	vst v63  }
0x60: {  	s10 =	simm.s32 $0xA100  }
0x61: {  	[tilespmem:s10], [sflag:$0x1] =	stream.indirect_vreg.gather [hbm4b:s5+s2], $0x80, v4, vm0, $0xb8;
	[tilespmem:$0x18100] =	vst v63  }
0x62: {  	s12 =	simm.s32 $0xA900  }
0x63: {  	[tilespmem:s12], [sflag:$0x1] =	stream.indirect_vreg.gather [hbm4b:s3+s2], $0x80, v3, vm0, $0xb8;
	[tilespmem:$0x18100] =	vst v63  }
0x64: {  	_ = 	snop  }
0x65: {  	[tilespmem:s9], [sflag:$0x1] =	stream.indirect_vreg.gather [hbm4b:s4+s2], $0x80, v3, vm0, $0xb8;
	[tilespmem:$0x18100] =	vst v63  }
0x66: {  	s1 =	simm.s32 $0xB900  }
0x67: {  	[tilespmem:s1], [sflag:$0x1] =	stream.indirect_vreg.gather [hbm4b:s5+s2], $0x80, v3, vm0, $0xb8;
	[tilespmem:$0x18100] =	vst v63  }
0x68: {  	s0 =	rddreg [dreg:$0x4];
	s10 =	simm.s32 $0x80  }
0x69: {  	[tilespmem:s10], [sflag:$0x3] =	stream.linear.gather [hbm4b:s0+s2], $0x40, $0x38;
	[tilespmem:$0x18100] =	vst v63  }
0x6a: {  	_ =	swait.ge [sflag:s7], $0x40  }
0x6b: {  	[sflag:s7] =	ssyncset.done $0x0  }
0x6c: {  	[sflag:s7] =	ssyncadd.s32 $0xFFFFFFC0  }
0x6d: {  	v3 =	vld [tilespmem:$0x80];
	_ =	sdelay $0x4  }
0x6e: {  	v52 =	vshrl.u32 v3, $0x3  }
0x6f: {  	v4 =	vmul.u32 $0x30, v52  }
0x70: {  	v3 =	vand.u32 $0x7, v3  }
0x71: {  	v3 =	vor.u32 v3, v4  }
0x72: {  	v4 =	vperm.xlane v3, v0;
	_ =	sdelay $0x1  }
0x73: {  	v4 =	vadd.s32 v1, v4;
	_ =	sdelay $0x3  }
0x74: {  	s0 =	simm.s32 $0xC100;
	v3 =	vperm.xlane v3, v2  }
0x75: {  	[tilespmem:s0], [sflag:$0x2] =	stream.indirect_vreg.gather [hbm4b:s3+s2], $0x80, v4, vm0, $0xb8;
	[tilespmem:$0x18100] =	vst v63  }
0x76: {  	s10 =	simm.s32 $0xC900;
	v3 =	vadd.s32 v1, v3  }
0x77: {  	[tilespmem:s10], [sflag:$0x2] =	stream.indirect_vreg.gather [hbm4b:s4+s2], $0x80, v4, vm0, $0xb8;
	[tilespmem:$0x18100] =	vst v63  }
0x78: {  	s12 =	simm.s32 $0xD100  }
0x79: {  	[tilespmem:s12], [sflag:$0x2] =	stream.indirect_vreg.gather [hbm4b:s5+s2], $0x80, v4, vm0, $0xb8;
	[tilespmem:$0x18100] =	vst v63  }
0x7a: {  	s12 =	simm.s32 $0xD900  }
0x7b: {  	[tilespmem:s12], [sflag:$0x2] =	stream.indirect_vreg.gather [hbm4b:s3+s2], $0x80, v3, vm0, $0xb8;
	[tilespmem:$0x18100] =	vst v63  }
0x7c: {  	s12 =	simm.s32 $0xE100  }
0x7d: {  	[tilespmem:s12], [sflag:$0x2] =	stream.indirect_vreg.gather [hbm4b:s4+s2], $0x80, v3, vm0, $0xb8;
	[tilespmem:$0x18100] =	vst v63  }
0x7e: {  	s12 =	simm.s32 $0xE900  }
0x7f: {  	[tilespmem:s12], [sflag:$0x2] =	stream.indirect_vreg.gather [hbm4b:s5+s2], $0x80, v3, vm0, $0xb8;
	[tilespmem:$0x18100] =	vst v63  }
0x80: {  	v3 =	vld [tilespmem:$0x90];
	_ =	sdelay $0x4  }
0x81: {  	v53 =	vshrl.u32 v3, $0x3  }
0x82: {  	v4 =	vmul.u32 $0x30, v53  }
0x83: {  	v3 =	vand.u32 $0x7, v3  }
0x84: {  	v3 =	vor.u32 v3, v4  }
0x85: {  	v4 =	vperm.xlane v3, v0;
	_ =	sdelay $0x1  }
0x86: {  	v4 =	vadd.s32 v1, v4;
	_ =	sdelay $0x3  }
0x87: {  	s12 =	simm.s32 $0xF100;
	v3 =	vperm.xlane v3, v2  }
0x88: {  	[tilespmem:s12], [sflag:$0x2] =	stream.indirect_vreg.gather [hbm4b:s3+s2], $0x80, v4, vm0, $0xb8;
	[tilespmem:$0x18100] =	vst v63  }
0x89: {  	v3 =	vadd.s32 v1, v3;
	s12 =	simm.s32 $0xF900  }
0x8a: {  	[tilespmem:s12], [sflag:$0x2] =	stream.indirect_vreg.gather [hbm4b:s4+s2], $0x80, v4, vm0, $0xb8;
	[tilespmem:$0x18100] =	vst v63  }
0x8b: {  	s12 =	simm.s32 $0x10100  }
0x8c: {  	[tilespmem:s12], [sflag:$0x2] =	stream.indirect_vreg.gather [hbm4b:s5+s2], $0x80, v4, vm0, $0xb8;
	[tilespmem:$0x18100] =	vst v63  }
0x8d: {  	s12 =	simm.s32 $0x10900  }
0x8e: {  	[tilespmem:s12], [sflag:$0x2] =	stream.indirect_vreg.gather [hbm4b:s3+s2], $0x80, v3, vm0, $0xb8;
	[tilespmem:$0x18100] =	vst v63  }
0x8f: {  	s12 =	simm.s32 $0x11100  }
0x90: {  	[tilespmem:s12], [sflag:$0x2] =	stream.indirect_vreg.gather [hbm4b:s4+s2], $0x80, v3, vm0, $0xb8;
	[tilespmem:$0x18100] =	vst v63  }
0x91: {  	s12 =	simm.s32 $0x11900  }
0x92: {  	[tilespmem:s12], [sflag:$0x2] =	stream.indirect_vreg.gather [hbm4b:s5+s2], $0x80, v3, vm0, $0xb8;
	[tilespmem:$0x18100] =	vst v63  }
0x93: {  	v3 =	vld [tilespmem:$0xA0];
	_ =	sdelay $0x4  }
0x94: {  	v54 =	vshrl.u32 v3, $0x3  }
0x95: {  	v4 =	vmul.u32 $0x30, v54  }
0x96: {  	v3 =	vand.u32 $0x7, v3  }
0x97: {  	v3 =	vor.u32 v3, v4  }
0x98: {  	v4 =	vperm.xlane v3, v0;
	_ =	sdelay $0x1  }
0x99: {  	v4 =	vadd.s32 v1, v4;
	_ =	sdelay $0x3  }
0x9a: {  	s12 =	simm.s32 $0x12100;
	v3 =	vperm.xlane v3, v2  }
0x9b: {  	[tilespmem:s12], [sflag:$0x2] =	stream.indirect_vreg.gather [hbm4b:s3+s2], $0x80, v4, vm0, $0xb8;
	[tilespmem:$0x18100] =	vst v63  }
0x9c: {  	v3 =	vadd.s32 v1, v3;
	s12 =	simm.s32 $0x12900  }
0x9d: {  	[tilespmem:s12], [sflag:$0x2] =	stream.indirect_vreg.gather [hbm4b:s4+s2], $0x80, v4, vm0, $0xb8;
	[tilespmem:$0x18100] =	vst v63  }
0x9e: {  	s12 =	simm.s32 $0x13100  }
0x9f: {  	[tilespmem:s12], [sflag:$0x2] =	stream.indirect_vreg.gather [hbm4b:s5+s2], $0x80, v4, vm0, $0xb8;
	[tilespmem:$0x18100] =	vst v63  }
0xa0: {  	s12 =	simm.s32 $0x13900  }
0xa1: {  	[tilespmem:s12], [sflag:$0x2] =	stream.indirect_vreg.gather [hbm4b:s3+s2], $0x80, v3, vm0, $0xb8;
	[tilespmem:$0x18100] =	vst v63  }
0xa2: {  	s12 =	simm.s32 $0x14100  }
0xa3: {  	[tilespmem:s12], [sflag:$0x2] =	stream.indirect_vreg.gather [hbm4b:s4+s2], $0x80, v3, vm0, $0xb8;
	[tilespmem:$0x18100] =	vst v63  }
0xa4: {  	s12 =	simm.s32 $0x14900  }
0xa5: {  	[tilespmem:s12], [sflag:$0x2] =	stream.indirect_vreg.gather [hbm4b:s5+s2], $0x80, v3, vm0, $0xb8;
	[tilespmem:$0x18100] =	vst v63  }
0xa6: {  	v3 =	vld [tilespmem:$0xB0];
	_ =	sdelay $0x4  }
0xa7: {  	v55 =	vshrl.u32 v3, $0x3  }
0xa8: {  	v4 =	vmul.u32 $0x30, v55  }
0xa9: {  	v3 =	vand.u32 $0x7, v3  }
0xaa: {  	v3 =	vor.u32 v3, v4  }
0xab: {  	v4 =	vperm.xlane v3, v0;
	_ =	sdelay $0x1  }
0xac: {  	v4 =	vadd.s32 v1, v4;
	_ =	sdelay $0x3  }
0xad: {  	s12 =	simm.s32 $0x15100;
	v3 =	vperm.xlane v3, v2  }
0xae: {  	[tilespmem:s12], [sflag:$0x2] =	stream.indirect_vreg.gather [hbm4b:s3+s2], $0x80, v4, vm0, $0xb8;
	[tilespmem:$0x18100] =	vst v63  }
0xaf: {  	v3 =	vadd.s32 v1, v3;
	s12 =	simm.s32 $0x15900  }
0xb0: {  	[tilespmem:s12], [sflag:$0x2] =	stream.indirect_vreg.gather [hbm4b:s4+s2], $0x80, v4, vm0, $0xb8;
	[tilespmem:$0x18100] =	vst v63  }
0xb1: {  	s12 =	simm.s32 $0x16100  }
0xb2: {  	[tilespmem:s12], [sflag:$0x2] =	stream.indirect_vreg.gather [hbm4b:s5+s2], $0x80, v4, vm0, $0xb8;
	[tilespmem:$0x18100] =	vst v63  }
0xb3: {  	s12 =	simm.s32 $0x16900  }
0xb4: {  	[tilespmem:s12], [sflag:$0x2] =	stream.indirect_vreg.gather [hbm4b:s3+s2], $0x80, v3, vm0, $0xb8;
	[tilespmem:$0x18100] =	vst v63  }
0xb5: {  	s12 =	simm.s32 $0x17100  }
0xb6: {  	[tilespmem:s12], [sflag:$0x2] =	stream.indirect_vreg.gather [hbm4b:s4+s2], $0x80, v3, vm0, $0xb8;
	[tilespmem:$0x18100] =	vst v63  }
0xb7: {  	s12 =	simm.s32 $0x17900  }
0xb8: {  	[tilespmem:s12], [sflag:$0x2] =	stream.indirect_vreg.gather [hbm4b:s5+s2], $0x80, v3, vm0, $0xb8;
	[tilespmem:$0x18100] =	vst v63  }
0xb9: {  	_ =	swait.ge [sflag:s8], $0xC000  }
0xba: {  	[sflag:s8] =	ssyncset.done $0x0  }
0xbb: {  	s10 =	simm.s32 $0x100;
	s12 =	rddreg [dreg:$0x5];
	[sflag:s8] =	ssyncadd.s32 $0xFFFF4000  }
0xbc: {  	[hbm4b:s12+s2] =	stream.linear.scatter [tilespmem:s10], [sflag:$0x3], $0xC000, $0x38;
	[tilespmem:$0x18100] =	vst v63  }
0xbd: {  	_ =	swait.ge [sflag:s7], $0xC000  }
0xbe: {  	[sflag:s7] =	ssyncset.done $0x0  }
0xbf: {  	s12 =	rddreg [dreg:$0x6];
	[sflag:s7] =	ssyncadd.s32 $0xFFFF4000  }
0xc0: {  	[tilespmem:s2], [sflag:$0x3] =	stream.linear.gather [hbm4b:s12+s2], $0x40, $0x38;
	[tilespmem:$0x18100] =	vst v63  }
0xc1: {  	_ =	swait.ge [sflag:s7], $0x40  }
0xc2: {  	[sflag:s7] =	ssyncset.done $0x0  }
0xc3: {  	[sflag:s7] =	ssyncadd.s32 $0xFFFFFFC0  }
0xc4: {  	v3 =	vld [tilespmem:$0x0];
	_ =	sdelay $0x4  }
0xc5: {  	v56 =	vshrl.u32 v3, $0x3  }
0xc6: {  	v4 =	vmul.u32 $0x30, v56  }
0xc7: {  	v3 =	vand.u32 $0x7, v3  }
0xc8: {  	v3 =	vor.u32 v3, v4  }
0xc9: {  	v4 =	vperm.xlane v3, v0;
	_ =	sdelay $0x1  }
0xca: {  	v4 =	vadd.s32 v1, v4;
	_ =	sdelay $0x3  }
0xcb: {  	v3 =	vperm.xlane v3, v2  }
0xcc: {  	[tilespmem:s10], [sflag:$0x1] =	stream.indirect_vreg.gather [hbm4b:s3+s2], $0x80, v4, vm0, $0xb8;
	[tilespmem:$0x18100] =	vst v63  }
0xcd: {  	v3 =	vadd.s32 v1, v3  }
0xce: {  	[tilespmem:s13], [sflag:$0x1] =	stream.indirect_vreg.gather [hbm4b:s4+s2], $0x80, v4, vm0, $0xb8;
	[tilespmem:$0x18100] =	vst v63  }
0xcf: {  	_ = 	snop  }
0xd0: {  	[tilespmem:s14], [sflag:$0x1] =	stream.indirect_vreg.gather [hbm4b:s5+s2], $0x80, v4, vm0, $0xb8;
	[tilespmem:$0x18100] =	vst v63  }
0xd1: {  	_ = 	snop  }
0xd2: {  	[tilespmem:s15], [sflag:$0x1] =	stream.indirect_vreg.gather [hbm4b:s3+s2], $0x80, v3, vm0, $0xb8;
	[tilespmem:$0x18100] =	vst v63  }
0xd3: {  	_ = 	snop  }
0xd4: {  	[tilespmem:s16], [sflag:$0x1] =	stream.indirect_vreg.gather [hbm4b:s4+s2], $0x80, v3, vm0, $0xb8;
	[tilespmem:$0x18100] =	vst v63  }
0xd5: {  	_ = 	snop  }
0xd6: {  	[tilespmem:s17], [sflag:$0x1] =	stream.indirect_vreg.gather [hbm4b:s5+s2], $0x80, v3, vm0, $0xb8;
	[tilespmem:$0x18100] =	vst v63  }
0xd7: {  	v3 =	vld [tilespmem:$0x10];
	_ =	sdelay $0x4  }
0xd8: {  	v57 =	vshrl.u32 v3, $0x3  }
0xd9: {  	v4 =	vmul.u32 $0x30, v57  }
0xda: {  	v3 =	vand.u32 $0x7, v3  }
0xdb: {  	v3 =	vor.u32 v3, v4  }
0xdc: {  	v4 =	vperm.xlane v3, v0;
	_ =	sdelay $0x1  }
0xdd: {  	v4 =	vadd.s32 v1, v4;
	_ =	sdelay $0x3  }
0xde: {  	v3 =	vperm.xlane v3, v2  }
0xdf: {  	[tilespmem:s18], [sflag:$0x1] =	stream.indirect_vreg.gather [hbm4b:s3+s2], $0x80, v4, vm0, $0xb8;
	[tilespmem:$0x18100] =	vst v63  }
0xe0: {  	v3 =	vadd.s32 v1, v3  }
0xe1: {  	[tilespmem:s19], [sflag:$0x1] =	stream.indirect_vreg.gather [hbm4b:s4+s2], $0x80, v4, vm0, $0xb8;
	[tilespmem:$0x18100] =	vst v63  }
0xe2: {  	_ = 	snop  }
0xe3: {  	[tilespmem:s20], [sflag:$0x1] =	stream.indirect_vreg.gather [hbm4b:s5+s2], $0x80, v4, vm0, $0xb8;
	[tilespmem:$0x18100] =	vst v63  }
0xe4: {  	_ = 	snop  }
0xe5: {  	[tilespmem:s21], [sflag:$0x1] =	stream.indirect_vreg.gather [hbm4b:s3+s2], $0x80, v3, vm0, $0xb8;
	[tilespmem:$0x18100] =	vst v63  }
0xe6: {  	_ = 	snop  }
0xe7: {  	[tilespmem:s22], [sflag:$0x1] =	stream.indirect_vreg.gather [hbm4b:s4+s2], $0x80, v3, vm0, $0xb8;
	[tilespmem:$0x18100] =	vst v63  }
0xe8: {  	_ = 	snop  }
0xe9: {  	[tilespmem:s23], [sflag:$0x1] =	stream.indirect_vreg.gather [hbm4b:s5+s2], $0x80, v3, vm0, $0xb8;
	[tilespmem:$0x18100] =	vst v63  }
0xea: {  	v3 =	vld [tilespmem:$0x20];
	_ =	sdelay $0x4  }
0xeb: {  	v58 =	vshrl.u32 v3, $0x3  }
0xec: {  	v4 =	vmul.u32 $0x30, v58  }
0xed: {  	v3 =	vand.u32 $0x7, v3  }
0xee: {  	v3 =	vor.u32 v3, v4  }
0xef: {  	v4 =	vperm.xlane v3, v0;
	_ =	sdelay $0x1  }
0xf0: {  	v4 =	vadd.s32 v1, v4;
	_ =	sdelay $0x3  }
0xf1: {  	v3 =	vperm.xlane v3, v2  }
0xf2: {  	[tilespmem:s24], [sflag:$0x1] =	stream.indirect_vreg.gather [hbm4b:s3+s2], $0x80, v4, vm0, $0xb8;
	[tilespmem:$0x18100] =	vst v63  }
0xf3: {  	v3 =	vadd.s32 v1, v3  }
0xf4: {  	[tilespmem:s25], [sflag:$0x1] =	stream.indirect_vreg.gather [hbm4b:s4+s2], $0x80, v4, vm0, $0xb8;
	[tilespmem:$0x18100] =	vst v63  }
0xf5: {  	_ = 	snop  }
0xf6: {  	[tilespmem:s26], [sflag:$0x1] =	stream.indirect_vreg.gather [hbm4b:s5+s2], $0x80, v4, vm0, $0xb8;
	[tilespmem:$0x18100] =	vst v63  }
0xf7: {  	_ = 	snop  }
0xf8: {  	[tilespmem:s28], [sflag:$0x1] =	stream.indirect_vreg.gather [hbm4b:s3+s2], $0x80, v3, vm0, $0xb8;
	[tilespmem:$0x18100] =	vst v63  }
0xf9: {  	_ = 	snop  }
0xfa: {  	[tilespmem:s29], [sflag:$0x1] =	stream.indirect_vreg.gather [hbm4b:s4+s2], $0x80, v3, vm0, $0xb8;
	[tilespmem:$0x18100] =	vst v63  }
0xfb: {  	_ = 	snop  }
0xfc: {  	[tilespmem:s30], [sflag:$0x1] =	stream.indirect_vreg.gather [hbm4b:s5+s2], $0x80, v3, vm0, $0xb8;
	[tilespmem:$0x18100] =	vst v63  }
0xfd: {  	v3 =	vld [tilespmem:$0x30];
	_ =	sdelay $0x4  }
0xfe: {  	v59 =	vshrl.u32 v3, $0x3  }
0xff: {  	v4 =	vmul.u32 $0x30, v59  }
0x100: {  	v3 =	vand.u32 $0x7, v3  }
0x101: {  	v3 =	vor.u32 v3, v4  }
0x102: {  	v4 =	vperm.xlane v3, v0;
	_ =	sdelay $0x1  }
0x103: {  	v4 =	vadd.s32 v1, v4;
	_ =	sdelay $0x3  }
0x104: {  	v3 =	vperm.xlane v3, v2  }
0x105: {  	[tilespmem:s31], [sflag:$0x1] =	stream.indirect_vreg.gather [hbm4b:s3+s2], $0x80, v4, vm0, $0xb8;
	[tilespmem:$0x18100] =	vst v63  }
0x106: {  	s12 =	simm.s32 $0x9900;
	v3 =	vadd.s32 v1, v3  }
0x107: {  	[tilespmem:s12], [sflag:$0x1] =	stream.indirect_vreg.gather [hbm4b:s4+s2], $0x80, v4, vm0, $0xb8;
	[tilespmem:$0x18100] =	vst v63  }
0x108: {  	s12 =	simm.s32 $0xA100  }
0x109: {  	[tilespmem:s12], [sflag:$0x1] =	stream.indirect_vreg.gather [hbm4b:s5+s2], $0x80, v4, vm0, $0xb8;
	[tilespmem:$0x18100] =	vst v63  }
0x10a: {  	s12 =	simm.s32 $0xA900  }
0x10b: {  	[tilespmem:s12], [sflag:$0x1] =	stream.indirect_vreg.gather [hbm4b:s3+s2], $0x80, v3, vm0, $0xb8;
	[tilespmem:$0x18100] =	vst v63  }
0x10c: {  	_ = 	snop  }
0x10d: {  	[tilespmem:s9], [sflag:$0x1] =	stream.indirect_vreg.gather [hbm4b:s4+s2], $0x80, v3, vm0, $0xb8;
	[tilespmem:$0x18100] =	vst v63  }
0x10e: {  	_ = 	snop  }
0x10f: {  	[tilespmem:s1], [sflag:$0x1] =	stream.indirect_vreg.gather [hbm4b:s5+s2], $0x80, v3, vm0, $0xb8;
	[tilespmem:$0x18100] =	vst v63  }
0x110: {  	_ =	swait.ge [sflag:s11], $0xC000  }
0x111: {  	[sflag:s11] =	ssyncset.done $0x0  }
0x112: {  	s10 =	rddreg [dreg:$0x7];
	[sflag:s11] =	ssyncadd.s32 $0xFFFF4000  }
0x113: {  	[hbm4b:s10+s2] =	stream.linear.scatter [tilespmem:s0], [sflag:$0x3], $0xC000, $0x38;
	[tilespmem:$0x18100] =	vst v63  }
0x114: {  	_ =	swait.ge [sflag:s7], $0xC000  }
0x115: {  	[sflag:s7] =	ssyncset.done $0x0  }
0x116: {  	s10 =	simm.s32 $0x80;
	s1 =	rddreg [dreg:$0x8];
	[sflag:s7] =	ssyncadd.s32 $0xFFFF4000  }
0x117: {  	[tilespmem:s10], [sflag:$0x3] =	stream.linear.gather [hbm4b:s1+s2], $0x40, $0x38;
	[tilespmem:$0x18100] =	vst v63  }
0x118: {  	_ =	swait.ge [sflag:s7], $0x40  }
0x119: {  	[sflag:s7] =	ssyncset.done $0x0  }
0x11a: {  	[sflag:s7] =	ssyncadd.s32 $0xFFFFFFC0  }
0x11b: {  	v3 =	vld [tilespmem:$0x80];
	_ =	sdelay $0x4  }
0x11c: {  	v60 =	vshrl.u32 v3, $0x3  }
0x11d: {  	v4 =	vmul.u32 $0x30, v60  }
0x11e: {  	v3 =	vand.u32 $0x7, v3  }
0x11f: {  	v3 =	vor.u32 v3, v4  }
0x120: {  	v4 =	vperm.xlane v3, v0;
	_ =	sdelay $0x1  }
0x121: {  	v4 =	vadd.s32 v1, v4;
	_ =	sdelay $0x3  }
0x122: {  	v3 =	vperm.xlane v3, v2  }
0x123: {  	[tilespmem:s0], [sflag:$0x2] =	stream.indirect_vreg.gather [hbm4b:s3+s2], $0x80, v4, vm0, $0xb8;
	[tilespmem:$0x18100] =	vst v63  }
0x124: {  	s12 =	simm.s32 $0xC900;
	v3 =	vadd.s32 v1, v3  }
0x125: {  	[tilespmem:s12], [sflag:$0x2] =	stream.indirect_vreg.gather [hbm4b:s4+s2], $0x80, v4, vm0, $0xb8;
	[tilespmem:$0x18100] =	vst v63  }
0x126: {  	s10 =	simm.s32 $0xD100  }
0x127: {  	[tilespmem:s10], [sflag:$0x2] =	stream.indirect_vreg.gather [hbm4b:s5+s2], $0x80, v4, vm0, $0xb8;
	[tilespmem:$0x18100] =	vst v63  }
0x128: {  	s12 =	simm.s32 $0xD900  }
0x129: {  	[tilespmem:s12], [sflag:$0x2] =	stream.indirect_vreg.gather [hbm4b:s3+s2], $0x80, v3, vm0, $0xb8;
	[tilespmem:$0x18100] =	vst v63  }
0x12a: {  	s10 =	simm.s32 $0xE100  }
0x12b: {  	[tilespmem:s10], [sflag:$0x2] =	stream.indirect_vreg.gather [hbm4b:s4+s2], $0x80, v3, vm0, $0xb8;
	[tilespmem:$0x18100] =	vst v63  }
0x12c: {  	s12 =	simm.s32 $0xE900  }
0x12d: {  	[tilespmem:s12], [sflag:$0x2] =	stream.indirect_vreg.gather [hbm4b:s5+s2], $0x80, v3, vm0, $0xb8;
	[tilespmem:$0x18100] =	vst v63  }
0x12e: {  	v3 =	vld [tilespmem:$0x90];
	_ =	sdelay $0x4  }
0x12f: {  	v61 =	vshrl.u32 v3, $0x3  }
0x130: {  	v4 =	vmul.u32 $0x30, v61  }
0x131: {  	v3 =	vand.u32 $0x7, v3  }
0x132: {  	v3 =	vor.u32 v3, v4  }
0x133: {  	v4 =	vperm.xlane v3, v0;
	_ =	sdelay $0x1  }
0x134: {  	v4 =	vadd.s32 v1, v4;
	_ =	sdelay $0x3  }
0x135: {  	s10 =	simm.s32 $0xF100;
	v3 =	vperm.xlane v3, v2  }
0x136: {  	[tilespmem:s10], [sflag:$0x2] =	stream.indirect_vreg.gather [hbm4b:s3+s2], $0x80, v4, vm0, $0xb8;
	[tilespmem:$0x18100] =	vst v63  }
0x137: {  	s12 =	simm.s32 $0xF900;
	v3 =	vadd.s32 v1, v3  }
0x138: {  	[tilespmem:s12], [sflag:$0x2] =	stream.indirect_vreg.gather [hbm4b:s4+s2], $0x80, v4, vm0, $0xb8;
	[tilespmem:$0x18100] =	vst v63  }
0x139: {  	s10 =	simm.s32 $0x10100  }
0x13a: {  	[tilespmem:s10], [sflag:$0x2] =	stream.indirect_vreg.gather [hbm4b:s5+s2], $0x80, v4, vm0, $0xb8;
	[tilespmem:$0x18100] =	vst v63  }
0x13b: {  	s12 =	simm.s32 $0x10900  }
0x13c: {  	[tilespmem:s12], [sflag:$0x2] =	stream.indirect_vreg.gather [hbm4b:s3+s2], $0x80, v3, vm0, $0xb8;
	[tilespmem:$0x18100] =	vst v63  }
0x13d: {  	s10 =	simm.s32 $0x11100  }
0x13e: {  	[tilespmem:s10], [sflag:$0x2] =	stream.indirect_vreg.gather [hbm4b:s4+s2], $0x80, v3, vm0, $0xb8;
	[tilespmem:$0x18100] =	vst v63  }
0x13f: {  	s12 =	simm.s32 $0x11900  }
0x140: {  	[tilespmem:s12], [sflag:$0x2] =	stream.indirect_vreg.gather [hbm4b:s5+s2], $0x80, v3, vm0, $0xb8;
	[tilespmem:$0x18100] =	vst v63  }
0x141: {  	v3 =	vld [tilespmem:$0xA0];
	_ =	sdelay $0x4  }
0x142: {  	v62 =	vshrl.u32 v3, $0x3  }
0x143: {  	v4 =	vmul.u32 $0x30, v62  }
0x144: {  	v3 =	vand.u32 $0x7, v3  }
0x145: {  	v3 =	vor.u32 v3, v4  }
0x146: {  	v4 =	vperm.xlane v3, v0;
	_ =	sdelay $0x1  }
0x147: {  	v4 =	vadd.s32 v1, v4;
	_ =	sdelay $0x3  }
0x148: {  	s10 =	simm.s32 $0x12100;
	v3 =	vperm.xlane v3, v2  }
0x149: {  	[tilespmem:s10], [sflag:$0x2] =	stream.indirect_vreg.gather [hbm4b:s3+s2], $0x80, v4, vm0, $0xb8;
	[tilespmem:$0x18100] =	vst v63  }
0x14a: {  	s12 =	simm.s32 $0x12900;
	v3 =	vadd.s32 v1, v3  }
0x14b: {  	[tilespmem:s12], [sflag:$0x2] =	stream.indirect_vreg.gather [hbm4b:s4+s2], $0x80, v4, vm0, $0xb8;
	[tilespmem:$0x18100] =	vst v63  }
0x14c: {  	s10 =	simm.s32 $0x13100  }
0x14d: {  	[tilespmem:s10], [sflag:$0x2] =	stream.indirect_vreg.gather [hbm4b:s5+s2], $0x80, v4, vm0, $0xb8;
	[tilespmem:$0x18100] =	vst v63  }
0x14e: {  	s12 =	simm.s32 $0x13900  }
0x14f: {  	[tilespmem:s12], [sflag:$0x2] =	stream.indirect_vreg.gather [hbm4b:s3+s2], $0x80, v3, vm0, $0xb8;
	[tilespmem:$0x18100] =	vst v63  }
0x150: {  	s10 =	simm.s32 $0x14100  }
0x151: {  	[tilespmem:s10], [sflag:$0x2] =	stream.indirect_vreg.gather [hbm4b:s4+s2], $0x80, v3, vm0, $0xb8;
	[tilespmem:$0x18100] =	vst v63  }
0x152: {  	s12 =	simm.s32 $0x14900  }
0x153: {  	[tilespmem:s12], [sflag:$0x2] =	stream.indirect_vreg.gather [hbm4b:s5+s2], $0x80, v3, vm0, $0xb8;
	[tilespmem:$0x18100] =	vst v63  }
0x154: {  	v3 =	vld [tilespmem:$0xB0];
	_ =	sdelay $0x4  }
0x155: {  	v63 =	vshrl.u32 v3, $0x3  }
0x156: {  	v4 =	vmul.u32 $0x30, v63  }
0x157: {  	v3 =	vand.u32 $0x7, v3  }
0x158: {  	v3 =	vor.u32 v3, v4  }
0x159: {  	v4 =	vperm.xlane v3, v0;
	_ =	sdelay $0x1  }
0x15a: {  	v4 =	vadd.s32 v1, v4;
	_ =	sdelay $0x3  }
0x15b: {  	s10 =	simm.s32 $0x15100;
	v3 =	vperm.xlane v3, v2  }
0x15c: {  	[tilespmem:s10], [sflag:$0x2] =	stream.indirect_vreg.gather [hbm4b:s3+s2], $0x80, v4, vm0, $0xb8;
	[tilespmem:$0x18100] =	vst v63  }
0x15d: {  	s12 =	simm.s32 $0x15900;
	v3 =	vadd.s32 v1, v3  }
0x15e: {  	[tilespmem:s12], [sflag:$0x2] =	stream.indirect_vreg.gather [hbm4b:s4+s2], $0x80, v4, vm0, $0xb8;
	[tilespmem:$0x18100] =	vst v63  }
0x15f: {  	s10 =	simm.s32 $0x16100  }
0x160: {  	[tilespmem:s10], [sflag:$0x2] =	stream.indirect_vreg.gather [hbm4b:s5+s2], $0x80, v4, vm0, $0xb8;
	[tilespmem:$0x18100] =	vst v63  }
0x161: {  	s12 =	simm.s32 $0x16900  }
0x162: {  	[tilespmem:s12], [sflag:$0x2] =	stream.indirect_vreg.gather [hbm4b:s3+s2], $0x80, v3, vm0, $0xb8;
	[tilespmem:$0x18100] =	vst v63  }
0x163: {  	s10 =	simm.s32 $0x17100  }
0x164: {  	[tilespmem:s10], [sflag:$0x2] =	stream.indirect_vreg.gather [hbm4b:s4+s2], $0x80, v3, vm0, $0xb8;
	[tilespmem:$0x18100] =	vst v63  }
0x165: {  	s12 =	simm.s32 $0x17900  }
0x166: {  	[tilespmem:s12], [sflag:$0x2] =	stream.indirect_vreg.gather [hbm4b:s5+s2], $0x80, v3, vm0, $0xb8;
	[tilespmem:$0x18100] =	vst v63  }
0x167: {  	_ =	swait.ge [sflag:s8], $0xC000  }
0x168: {  	[sflag:s8] =	ssyncset.done $0x0  }
0x169: {  	s10 =	simm.s32 $0x100;
	s1 =	rddreg [dreg:$0x9];
	[sflag:s8] =	ssyncadd.s32 $0xFFFF4000  }
0x16a: {  	[hbm4b:s1+s2] =	stream.linear.scatter [tilespmem:s10], [sflag:$0x3], $0xC000, $0x38;
	[tilespmem:$0x18100] =	vst v63  }
0x16b: {  	_ =	swait.ge [sflag:s7], $0xC000  }
0x16c: {  	[sflag:s7] =	ssyncset.done $0x0  }
0x16d: {  	[sflag:s7] =	ssyncadd.s32 $0xFFFF4000  }
0x16e: {  	_ =	swait.ge [sflag:s11], $0xC000  }
0x16f: {  	p0 =	sne.s32 s6, $0x1;
	[sflag:s11] =	ssyncset.done $0x0  }
.Ltmp0:
0x170: {  	s10 =	rddreg [dreg:$0xa];
	[sflag:s11] =	ssyncadd.s32 $0xFFFF4000;
	(pc) =	sbr.rel @p0 .LBB2_1-.Ltmp0, $4  }
0x171: {  	[hbm4b:s10+s2] =	stream.linear.scatter [tilespmem:s0], [sflag:$0x3], $0xC000, $0x38;
	[tilespmem:$0x18100] =	vst v63  }
0x172: {  	_ =	swait.ge [sflag:s7], $0xC000  }
0x173: {  	[sflag:s7] =	ssyncset.done $0x0  }
0x174: {  	s6 =	sadd.s32 $0xFFFFFFFF, s6;
	[sflag:s7] =	ssyncadd.s32 $0xFFFF4000  }
0x175: {  	_ =	sfence.sel $0x180000  }
0x176: {  	[bflag:$0x0] =	sbarrier.arrive $0xFFFF  }
0x177: {  	_ =	strace $0x9000004A  }
0x178: {  	s0 =	stileid.u32;
	[bflag:$0x2] =	sbarrier.arrive $0xFFFF  }
0x179: {  	p0 =	sne.s32 s0, $0x0;
	s0 =	rddreg [dreg:$0x2]  }
0x17a: {  	s0 =	sadd.s32 @!p0 $0x100000, s0  }
0x17b: {  	[sflag:s0] =	ssyncadd.tile.s32 @!p0 $0x1;
	_ =	shalt  }
.Lfunc_end2:
_tile_overlayer_lowered:
.L_overlay_start_2:
0x17c: {  	(tag) =	ssettag $0x2  }
0x17d: {  	s0 =	rddreg [dreg:$0x0];
	s2 =	stileid.u32  }
0x17e: {  	s1 =	rddreg [dreg:$0x1];
	p0 =	sne.s32 s2, $0x0  }
0x17f: {  	s3 =	rddreg [dreg:$0x2];
	[bflag:$0x3] =	sbarrier.arrive $0xFFFF;
	s2 =	simm.s32 @!p0 $0x1C03  }
0x180: {  	[timem:s3], [sflag:s2] =	dma.local @!p0 [hbm:s0], s1  }
0x181: {  	s0 =	simm.s32 @!p0 $0x3  }
0x182: {  	_ =	swait.ge @!p0 [sflag:s0], s1  }
0x183: {  	s1 =	ssub.s32 @!p0 $0x0, s1;
	[sflag:s0] =	ssyncset.done @!p0 $0x0  }
0x184: {  	[sflag:s0] =	ssyncadd.s32 @!p0 s1  }
0x185: {  	[bflag:$0x3] =	sbarrier.arrive $0xFFFF  }
0x186: {  	_ =	shalt  }

// kernel: kernel.18.cloned.1.call-start
scs
__scs_entry_jumppad:
0x0: {  	(pc) =	sbr.rel $0x88, $3  }
0x1: {  	(tag) =	ssettag $0x0;
	lr =	simm.s32 $0x1  }
0x2: {  	[smem:$0x3F8E] =	sst lr;
	_ =	strace $0xD0000000  }
0x3: {  	_ = 	snop  }
0x4: {  	_ = 	snop  }
0x5: {  	_ = 	snop  }
0x6: {  	_ = 	snop  }
0x7: {  	_ = 	snop  }
__scs_overlays_trampoline_lowered:
0x8: {  	[smem:$0x3F9D] =	sst s0  }
0x9: {  	[smem:$0x3F9E] =	sst s1  }
0xa: {  	[smem:$0x3F9F] =	sst s2  }
0xb: {  	[smem:$0x3FA0] =	sst s3  }
0xc: {  	[smem:$0x3FA1] =	sst s4  }
0xd: {  	[smem:$0x3FA2] =	sst s5  }
0xe: {  	[smem:$0x3FA3] =	sst s6  }
0xf: {  	[smem:$0x3FA4] =	sst s7  }
0x10: {  	[smem:$0x3FA5] =	sst s8  }
0x11: {  	[smem:$0x3FA6] =	sst s9;
	s0 =	simm.s32 @!p0 $0x0  }
0x12: {  	s1 =	sld [smem:$0x3F8C];
	s0 =	simm.s32 @p0 $0x1  }
0x13: {  	[smem:$0x3FA7] =	sst s0;
	s0 =	simm.s32 @!p1 $0x0  }
0x14: {  	s2 =	sld [smem:$0x3F8B];
	s0 =	simm.s32 @p1 $0x1  }
0x15: {  	[smem:$0x3FA8] =	sst s0;
	s0 =	simm.s32 @!p2 $0x0  }
0x16: {  	s3 =	sld [smem:$0x3FDB];
	s0 =	simm.s32 @p2 $0x1  }
0x17: {  	s4 =	simm.s32 $0x1BF5;
	[smem:$0x3FAA] =	sst s0  }
0x18: {  	s0 =	sld [smem:$0x3F8D];
	_ =	swait.ge [sflag:s4], $0x0  }
0x19: {  	s7 =	sld [smem:$0x3F8E]  }
0x1a: {  	s8 =	sadd.s32 $0xFFFFE003, lr  }
0x1b: {  	s9 =	sadd.s32 $0xFFFFFEF7, lr;
	s5 =	simm.s32 $0xFFFFFFFF;
	p2 =	slt.u32 s8, $0xFFFFF086  }
0x1c: {  	p1 =	slt.u32 s9, $0xF7A;
	s5 =	simm.s32 @!p2 $0x0  }
0x1d: {  	s5 =	simm.s32 @p1 $0x1;
	p0 =	seq.s32 s7, s2  }
0x1e: {  	s7 =	smul.u32 @!p0 $0xF7A, s2;
	p2 =	seq.s32 @!p0 s5, $0x0  }
0x1f: {  	s9 =	smul.u32 $0xF7A, s1;
	s8 =	simm.s32 @!p0 $0x1BF5;
	p2 =	por !p2, p0  }
0x20: {  	[sflag:s8] =	ssyncset.s32 @!p0 $0xFFFFF086;
	s6 =	sadd.s32 @!p0 s3, s7;
	s7 =	simm.s32 @!p0 $0x108  }
0x21: {  	s3 =	sadd.s32 s3, s9;
	s6 =	sadd.s32 @!p0 $0x88, s6;
	s7 =	simm.s32 @p2 $0x1082  }
0x22: {  	[simem:s7], [sflag:s8] =	dma.local @!p0 [hbm:s6], $0xF7A  }
0x23: {  	s9 =	sor.u32 $0xD0000000, s2;
	s6 =	simm.s32 $0x108;
	_ =	swait.ge @!p0 [sflag:s8], $0x0  }
0x24: {  	s3 =	sadd.s32 $0x88, s3;
	s6 =	simm.s32 @!p1 $0x1082;
	[sflag:s4] =	ssyncset.s32 $0xFFFFF086  }
0x25: {  	[simem:s6], [sflag:s4] =	dma.local [hbm:s3], $0xF7A  }
0x26: {  	[smem:$0x3F8E] =	sst s1;
	(tag) =	ssettag s2;
	_ =	strace s9  }
0x27: {  	s1 =	sld [smem:$0x3F9E]  }
0x28: {  	s2 =	sld [smem:$0x3F9F]  }
0x29: {  	s4 =	sld [smem:$0x3FA1]  }
0x2a: {  	p0 =	seq.s32 s5, $0x0;
	s5 =	sld [smem:$0x3FA2]  }
0x2b: {  	s6 =	sld [smem:$0x3FA3]  }
0x2c: {  	s7 =	sld [smem:$0x3FA4]  }
0x2d: {  	s3 =	simm.s32 $0x108;
	s8 =	sld [smem:$0x3FA5]  }
0x2e: {  	s3 =	simm.s32 @!p0 $0x1082;
	s9 =	sld [smem:$0x3FA6]  }
0x2f: {  	lr =	sadd.s32 s0, s3;
	s0 =	sld [smem:$0x3F9D]  }
0x30: {  	s3 =	sld [smem:$0x3FA0]  }
0x31: {  	[smem:$0x3FA9] =	sst s10  }
0x32: {  	s10 =	sld [smem:$0x3FA7];
	_ =	sdelay $0x3  }
0x33: {  	p0 =	seq.s32 s10, $0x1;
	s10 =	sld [smem:$0x3FA9];
	_ =	sdelay $0x3  }
0x34: {  	[smem:$0x3FA9] =	sst s10  }
0x35: {  	s10 =	sld [smem:$0x3FA8];
	_ =	sdelay $0x3  }
0x36: {  	p1 =	seq.s32 s10, $0x1;
	s10 =	sld [smem:$0x3FA9];
	_ =	sdelay $0x3  }
0x37: {  	[smem:$0x3FA9] =	sst s10  }
0x38: {  	s10 =	sld [smem:$0x3FAA]  }
0x39: {  	_ = 	snop;
	(pc) =	sbr.ind lr, $3  }
0x3a: {  	_ = 	snop  }
0x3b: {  	_ = 	snop  }
0x3c: {  	p2 =	seq.s32 s10, $0x1;
	s10 =	sld [smem:$0x3FA9]  }
0x3d: {  	_ =	shalt  }
0x3e: {  	_ =	shalt  }
0x3f: {  	_ =	shalt  }
0x40: {  	_ =	shalt  }
0x41: {  	_ =	shalt  }
0x42: {  	_ =	shalt  }
0x43: {  	_ =	shalt  }
0x44: {  	_ =	shalt  }
0x45: {  	_ =	shalt  }
0x46: {  	_ =	shalt  }
0x47: {  	_ =	shalt  }
0x48: {  	_ =	shalt  }
0x49: {  	_ =	shalt  }
0x4a: {  	_ =	shalt  }
0x4b: {  	_ =	shalt  }
0x4c: {  	_ =	shalt  }
0x4d: {  	_ =	shalt  }
0x4e: {  	_ =	shalt  }
0x4f: {  	_ =	shalt  }
0x50: {  	_ =	shalt  }
0x51: {  	_ =	shalt  }
0x52: {  	_ =	shalt  }
0x53: {  	_ =	shalt  }
0x54: {  	_ =	shalt  }
0x55: {  	_ =	shalt  }
0x56: {  	_ =	shalt  }
0x57: {  	_ =	shalt  }
0x58: {  	_ =	shalt  }
0x59: {  	_ =	shalt  }
0x5a: {  	_ =	shalt  }
0x5b: {  	_ =	shalt  }
0x5c: {  	_ =	shalt  }
0x5d: {  	_ =	shalt  }
0x5e: {  	_ =	shalt  }
0x5f: {  	_ =	shalt  }
0x60: {  	_ =	shalt  }
0x61: {  	_ =	shalt  }
0x62: {  	_ =	shalt  }
0x63: {  	_ =	shalt  }
0x64: {  	_ =	shalt  }
0x65: {  	_ =	shalt  }
0x66: {  	_ =	shalt  }
0x67: {  	_ =	shalt  }
0x68: {  	_ =	shalt  }
0x69: {  	_ =	shalt  }
0x6a: {  	_ =	shalt  }
0x6b: {  	_ =	shalt  }
0x6c: {  	_ =	shalt  }
0x6d: {  	_ =	shalt  }
0x6e: {  	_ =	shalt  }
0x6f: {  	_ =	shalt  }
0x70: {  	_ =	shalt  }
0x71: {  	_ =	shalt  }
0x72: {  	_ =	shalt  }
0x73: {  	_ =	shalt  }
0x74: {  	_ =	shalt  }
0x75: {  	_ =	shalt  }
0x76: {  	_ =	shalt  }
0x77: {  	_ =	shalt  }
0x78: {  	_ =	shalt  }
0x79: {  	_ =	shalt  }
0x7a: {  	_ =	shalt  }
0x7b: {  	_ =	shalt  }
0x7c: {  	_ =	shalt  }
0x7d: {  	_ =	shalt  }
0x7e: {  	_ =	shalt  }
0x7f: {  	_ =	shalt  }
0x80: {  	_ =	shalt  }
0x81: {  	_ =	shalt  }
0x82: {  	_ =	shalt  }
0x83: {  	_ =	shalt  }
0x84: {  	_ =	shalt  }
0x85: {  	_ =	shalt  }
0x86: {  	_ =	shalt  }
0x87: {  	_ =	shalt  }
.Lfunc_end0:
.L_simem_size_0:
called_computation.2_lowered:
.L_overlay_start_0:
0x88: {  	s2 =	sld [smem:$0x3FD9]  }
0x89: {  	s3 =	sld [smem:$0x3FFE];
	_ =	sdelay $0x1  }
0x8a: {  	s1 =	srdreg.scid  }
0x8b: {  	s0 =	sand.u32 $0x1, s1  }
0x8c: {  	s16 =	sshll.u32 s0, $0xA;
	s2 =	sadd.s32 s3, s2  }
0x8d: {  	s2 =	sadd.s32 s2, s16  }
0x8e: {  	[smem:$0x3FB5] =	sst s2  }
0x8f: {  	_ = 	snop  }
0x90: {  	(tm) =	ssettm $0x1  }
0x91: {  	s17 =	sld [smem:$0x3FFB];
	_ =	sdelay $0x3  }
0x92: {  	_ =	strace s17  }
0x93: {  	s2 =	sld [smem:$0x3FFC];
	_ =	sdelay $0x3  }
0x94: {  	_ =	strace s2  }
0x95: {  	s2 =	sld [smem:$0x3FFD];
	_ =	sdelay $0x3  }
0x96: {  	_ =	strace s2  }
0x97: {  	_ =	strace $0x8FFFFFFF  }
0x98: {  	s18 =	sld [smem:$0x3FDB];
	_ =	sdelay $0x1  }
0x99: {  	s19 =	simm.s32 $_scs_section_size  }
0x9a: {  	s4 =	simm.s32 $_size__tile_overlayer_lowered;
	s5 =	simm.s32 $_tile_overlayer_lowered  }
0x9b: {  	s22 =	simm.s32 $0x1BFF;
	s21 =	sshll.u32 s5, $0x1;
	s2 =	sadd.s32 s19, s18  }
0x9c: {  	s6 =	simm.s32 $0x0;
	s20 =	sshll.u32 s4, $0x1;
	s4 =	sadd.s32 s21, s2  }
0x9d: {  	[timem:s6], [sflag:s22] =	dma.local [hbm:s4], s20  }
0x9e: {  	_ =	swait.ge [sflag:s22], s20  }
0x9f: {  	s3 =	ssub.s32 $0x0, s20;
	[sflag:s22] =	ssyncset.done $0x0  }
0xa0: {  	[sflag:s22] =	ssyncadd.s32 s3;
	_ =	sdelay $0x1  }
0xa1: {  	s23 =	simm.s32 $0x1B8B  }
0xa2: {  	_ =	swait.ge [sflag:s23], $0x1  }
0xa3: {  	[sflag:s23] =	ssyncset.done $0x0  }
0xa4: {  	s25 =	simm.s32 $0x1B8E;
	s24 =	sld [smem:$0x3FFE];
	[sflag:s23] =	ssyncadd.s32 $0xFFFFFFFF  }
0xa5: {  	s26 =	simm.s32 $execute0_lowered;
	[smem:$0x3FD2] =	sst s25  }
0xa6: {  	s4 =	sshll.u32 s26, $0x1;
	_ =	strace $0x8000004C;
	[dreg:$0x1] =	wrdreg $0xFFFFFFFF  }
0xa7: {  	s28 =	simm.s32 $_size_execute0_lowered;
	s2 =	sadd.s32 s2, s4;
	[dreg:$0x0] =	wrdreg $0x0  }
0xa8: {  	s4 =	sshll.u32 s28, $0x1;
	[dreg:$0x2] =	wrdreg s2  }
0xa9: {  	[dreg:$0x3] =	wrdreg s4  }
0xaa: {  	[dreg:$0x4] =	wrdreg $0xC0  }
0xab: {  	_ =	task [dreg:s6], $0x5FFFF  }
0xac: {  	[dreg:$0x1] =	wrdreg $0xFFFFFFFF  }
0xad: {  	[dreg:$0x0] =	wrdreg $0x60  }
0xae: {  	[dreg:$0x2] =	wrdreg s24  }
0xaf: {  	[dreg:$0x3] =	wrdreg $0x9  }
0xb0: {  	_ =	task.clear_ibuf [dreg:s6], $0x4FFFF;
	_ =	strace $0x9000004C  }
0xb1: {  	s29 =	simm.s32 $0x9;
	_ =	strace $0x8000004E  }
0xb2: {  	_ =	swait.ge [sflag:s29], $0x1  }
0xb3: {  	[sflag:s29] =	ssyncadd.s32 $0xFFFFFFFF  }
0xb4: {  	_ =	strace $0x9000004E  }
0xb5: {  	_ =	sfence  }
0xb6: {  	s30 =	sld [smem:$0x0];
	_ =	sdelay $0x2  }
0xb7: {  	s31 =	sshll.u32 s1, $0xD;
	s1 =	sshrl.u32 s1, $0x2  }
0xb8: {  	s3 =	sand.u32 $0x4000, s31;
	s1 =	sadd.s32 s1, s30  }
0xb9: {  	s0 =	sor.u32 s3, s0;
	s1 =	sshll.u32 s1, $0x11  }
0xba: {  	s0 =	sor.u32 s1, s0  }
0xbb: {  	s0 =	sadd.s32 $0x8F2B, s0  }
0xbc: {  	[sflag:s0] =	ssyncadd.remote.s32 $0x1  }
0xbd: {  	_ =	sfence.sel $0xFFFF  }
0xbe: {  	[dreg:$0x0] =	wrdreg $0xFFFFFFFF;
	(pc) =	sbr.abs _section_cstart, $3  }
0xbf: {  	[dreg:$0x1] =	wrdreg $0xFFFFFFFF  }
0xc0: {  	_ =	task.clear_ibuf [dreg:s6], $0x2FFFF;
	_ =	strace $0x9FFFFFFF  }
0xc1: {  	(tm) =	ssettm $0x7FFFFFFF  }
tec
execute0_lowered:
.L_overlay_start_1:
0x0: {  	(tag) =	ssettag $0x1  }
0x1: {  	s0 =	rddreg [dreg:$0x0];
	s2 =	simm.s32 $0x0  }
0x2: {  	s22 =	simm.s32 $0x900;
	[smem:$0x7FF] =	sst s2  }
0x3: {  	s23 =	simm.s32 $0x1100;
	_ =	strace $0x8000004D;
	[dreg:$0x6] =	wrdreg s22  }
0x4: {  	s24 =	simm.s32 $0x1900;
	[dreg:$0x7] =	wrdreg s23  }
0x5: {  	s25 =	simm.s32 $0x2100;
	[dreg:$0x8] =	wrdreg s24  }
0x6: {  	s1 =	stileid.u32;
	s26 =	simm.s32 $0x2900;
	[dreg:$0x9] =	wrdreg s25  }
0x7: {  	s18 =	sshll.u32 s1, $0x5;
	s1 =	simm.s32 $0x3100;
	[dreg:$0xa] =	wrdreg s26  }
0x8: {  	s3 =	srdreg.scid;
	s9 =	simm.s32 $0x5900;
	[dreg:$0xb] =	wrdreg s1  }
0x9: {  	s10 =	simm.s32 $0x6100;
	s11 =	simm.s32 $0x6900;
	[dreg:$0x10] =	wrdreg s9  }
0xa: {  	s12 =	simm.s32 $0x7100;
	s13 =	simm.s32 $0x7900;
	[dreg:$0x11] =	wrdreg s10  }
0xb: {  	s14 =	simm.s32 $0x8100;
	s15 =	simm.s32 $0x8900;
	[dreg:$0x12] =	wrdreg s11  }
0xc: {  	s16 =	simm.s32 $0x9100;
	s17 =	simm.s32 $0x9900;
	[dreg:$0x13] =	wrdreg s12  }
0xd: {  	s28 =	simm.s32 $0x16900;
	s29 =	simm.s32 $0x17100;
	[dreg:$0x14] =	wrdreg s13  }
0xe: {  	s30 =	simm.s32 $0x17900;
	s31 =	simm.s32 $0x1;
	[dreg:$0x15] =	wrdreg s14  }
0xf: {  	s4 =	sand.u32 $0x1, s3;
	s6 =	sadd.s32 $0x34C00, s0;
	[dreg:$0x16] =	wrdreg s15  }
0x10: {  	s7 =	sadd.s32 $0x74C00, s0;
	s5 =	sshll.u32 s4, $0x4;
	[dreg:$0x17] =	wrdreg s16  }
0x11: {  	s4 =	ssub.s32 $0x2, s4;
	[dreg:$0x18] =	wrdreg s17;
	s22 =	simm.s32 $0xB900  }
0x12: {  	s23 =	simm.s32 $0x80;
	s24 =	simm.s32 $0xC900;
	s25 =	simm.s32 $0xD100  }
0x13: {  	s26 =	simm.s32 $0xD900;
	s9 =	simm.s32 $0xC100;
	[dreg:$0x1c] =	wrdreg s22  }
0x14: {  	s12 =	simm.s32 $0xF100;
	s13 =	simm.s32 $0xF900;
	[dreg:$0x1d] =	wrdreg s23  }
0x15: {  	s14 =	simm.s32 $0x10100;
	s15 =	simm.s32 $0x10900;
	[dreg:$0x1e] =	wrdreg s24  }
0x16: {  	s16 =	simm.s32 $0x11100;
	s17 =	simm.s32 $0x11900;
	[dreg:$0x1f] =	wrdreg s25  }
0x17: {  	s3 =	sor.u32 s5, s18;
	s18 =	simm.s32 $0xA100;
	[smem:$0x7FD] =	sst s26  }
0x18: {  	s22 =	simm.s32 $0x14100;
	s23 =	simm.s32 $0x14900;
	s24 =	simm.s32 $0x15100  }
0x19: {  	s5 =	sadd.s32 s6, s3;
	s8 =	sor.u32 $0x8, s3;
	[dreg:$0x19] =	wrdreg s18  }
0x1a: {  	s25 =	simm.s32 $0x15900;
	[dreg:$0x2] =	wrdreg s5;
	s19 =	sadd.s32 s6, s8  }
0x1b: {  	s26 =	simm.s32 $0x16100;
	s5 =	simm.s32 $0x3900;
	[dreg:$0x3] =	wrdreg s19  }
0x1c: {  	s3 =	smul.u32 $0x300, s3;
	s6 =	simm.s32 $0x4100;
	[dreg:$0xc] =	wrdreg s5  }
0x1d: {  	s20 =	smul.u32 $0x300, s8;
	s8 =	simm.s32 $0x5100;
	[dreg:$0xd] =	wrdreg s6  }
0x1e: {  	s18 =	simm.s32 $0x12100;
	s3 =	sadd.s32 s7, s3;
	[dreg:$0xf] =	wrdreg s8  }
0x1f: {  	s19 =	sshrl.u32 s4, $0x1;
	s5 =	sadd.s32 $0x134E00, s0;
	s8 =	simm.s32 $0x100  }
0x20: {  	[dreg:$0x4] =	wrdreg s3;
	s21 =	sadd.s32 s7, s20;
	s7 =	simm.s32 $0x4900  }
0x21: {  	s3 =	sadd.s32 $0x134C00, s0;
	s20 =	simm.s32 $0xA900;
	[dreg:$0x5] =	wrdreg s21  }
0x22: {  	s6 =	ssub.s32 s4, s19;
	s4 =	sadd.s32 $0x134D00, s0;
	[dreg:$0xe] =	wrdreg s7  }
0x23: {  	v2 =	vlaneseq.u32;
	s19 =	simm.s32 $0x12900;
	s0 =	simm.s32 $0x2;
	[dreg:$0x1a] =	wrdreg s20  }
0x24: {  	vm0 =	vmmov $0xffff;
	v1 =	vshrl.u32 v2, $0x3;
	s21 =	simm.s32 $0xB100;
	s6 =	smax.u32 s6, $0x1;
	s7 =	simm.s32 $0x3  }
0x25: {  	v0 =	vand.u32 $0x7, v2;
	v2 =	vor.u32 $0x8, v2;
	v1 =	vmul.u32 $0x8, v1;
	s20 =	simm.s32 $0x13100;
	[dreg:$0x1b] =	wrdreg s21;
	s21 =	simm.s32 $0x13900  }
.LBB2_1:
0x26: {  	s1 =	rddreg [dreg:$0x2]  }
0x27: {  	[tilespmem:s2], [sflag:$0x3] =	stream.linear.gather [hbm4b:s1+s2], $0x40, $0x38;
	[tilespmem:$0x18100] =	vst v63  }
0x28: {  	_ =	swait.ge [sflag:s7], $0x40  }
0x29: {  	[sflag:s7] =	ssyncset.done $0x0  }
0x2a: {  	[sflag:s7] =	ssyncadd.s32 $0xFFFFFFC0  }
0x2b: {  	v3 =	vld [tilespmem:$0x0];
	_ =	sdelay $0x4  }
0x2c: {  	v4 =	vshrl.u32 v3, $0x3  }
0x2d: {  	v4 =	vmul.u32 $0x30, v4  }
0x2e: {  	v3 =	vand.u32 $0x7, v3  }
0x2f: {  	v3 =	vor.u32 v3, v4  }
0x30: {  	v4 =	vperm.xlane v3, v0;
	_ =	sdelay $0x1  }
0x31: {  	v4 =	vadd.s32 v1, v4;
	_ =	sdelay $0x3  }
0x32: {  	v3 =	vperm.xlane v3, v2  }
0x33: {  	[tilespmem:s8], [sflag:$0x1] =	stream.indirect_vreg.gather [hbm4b:s3+s2], $0x80, v4, vm0, $0xb8;
	[tilespmem:$0x18100] =	vst v63  }
0x34: {  	s11 =	rddreg [dreg:$0x6];
	v3 =	vadd.s32 v1, v3  }
0x35: {  	[tilespmem:s11], [sflag:$0x1] =	stream.indirect_vreg.gather [hbm4b:s4+s2], $0x80, v4, vm0, $0xb8;
	[tilespmem:$0x18100] =	vst v63  }
0x36: {  	s10 =	rddreg [dreg:$0x7]  }
0x37: {  	[tilespmem:s10], [sflag:$0x1] =	stream.indirect_vreg.gather [hbm4b:s5+s2], $0x80, v4, vm0, $0xb8;
	[tilespmem:$0x18100] =	vst v63  }
0x38: {  	s11 =	rddreg [dreg:$0x8]  }
0x39: {  	[tilespmem:s11], [sflag:$0x1] =	stream.indirect_vreg.gather [hbm4b:s3+s2], $0x80, v3, vm0, $0xb8;
	[tilespmem:$0x18100] =	vst v63  }
0x3a: {  	s10 =	rddreg [dreg:$0x9]  }
0x3b: {  	[tilespmem:s10], [sflag:$0x1] =	stream.indirect_vreg.gather [hbm4b:s4+s2], $0x80, v3, vm0, $0xb8;
	[tilespmem:$0x18100] =	vst v63  }
0x3c: {  	s11 =	rddreg [dreg:$0xa]  }
0x3d: {  	[tilespmem:s11], [sflag:$0x1] =	stream.indirect_vreg.gather [hbm4b:s5+s2], $0x80, v3, vm0, $0xb8;
	[tilespmem:$0x18100] =	vst v63  }
0x3e: {  	v3 =	vld [tilespmem:$0x10];
	_ =	sdelay $0x4  }
0x3f: {  	v57 =	vshrl.u32 v3, $0x3  }
0x40: {  	v4 =	vmul.u32 $0x30, v57  }
0x41: {  	v3 =	vand.u32 $0x7, v3  }
0x42: {  	v3 =	vor.u32 v3, v4  }
0x43: {  	v4 =	vperm.xlane v3, v0;
	_ =	sdelay $0x1  }
0x44: {  	v4 =	vadd.s32 v1, v4;
	_ =	sdelay $0x3  }
0x45: {  	s10 =	rddreg [dreg:$0xb];
	v3 =	vperm.xlane v3, v2  }
0x46: {  	[tilespmem:s10], [sflag:$0x1] =	stream.indirect_vreg.gather [hbm4b:s3+s2], $0x80, v4, vm0, $0xb8;
	[tilespmem:$0x18100] =	vst v63  }
0x47: {  	s11 =	rddreg [dreg:$0xc];
	v3 =	vadd.s32 v1, v3  }
0x48: {  	[tilespmem:s11], [sflag:$0x1] =	stream.indirect_vreg.gather [hbm4b:s4+s2], $0x80, v4, vm0, $0xb8;
	[tilespmem:$0x18100] =	vst v63  }
0x49: {  	s1 =	rddreg [dreg:$0xd]  }
0x4a: {  	[tilespmem:s1], [sflag:$0x1] =	stream.indirect_vreg.gather [hbm4b:s5+s2], $0x80, v4, vm0, $0xb8;
	[tilespmem:$0x18100] =	vst v63  }
0x4b: {  	s11 =	rddreg [dreg:$0xe]  }
0x4c: {  	[tilespmem:s11], [sflag:$0x1] =	stream.indirect_vreg.gather [hbm4b:s3+s2], $0x80, v3, vm0, $0xb8;
	[tilespmem:$0x18100] =	vst v63  }
0x4d: {  	s1 =	rddreg [dreg:$0xf]  }
0x4e: {  	[tilespmem:s1], [sflag:$0x1] =	stream.indirect_vreg.gather [hbm4b:s4+s2], $0x80, v3, vm0, $0xb8;
	[tilespmem:$0x18100] =	vst v63  }
0x4f: {  	s11 =	rddreg [dreg:$0x10]  }
0x50: {  	[tilespmem:s11], [sflag:$0x1] =	stream.indirect_vreg.gather [hbm4b:s5+s2], $0x80, v3, vm0, $0xb8;
	[tilespmem:$0x18100] =	vst v63  }
0x51: {  	v3 =	vld [tilespmem:$0x20];
	_ =	sdelay $0x4  }
0x52: {  	v58 =	vshrl.u32 v3, $0x3  }
0x53: {  	v4 =	vmul.u32 $0x30, v58  }
0x54: {  	v3 =	vand.u32 $0x7, v3  }
0x55: {  	v3 =	vor.u32 v3, v4  }
0x56: {  	v4 =	vperm.xlane v3, v0;
	_ =	sdelay $0x1  }
0x57: {  	v4 =	vadd.s32 v1, v4;
	_ =	sdelay $0x3  }
0x58: {  	s10 =	rddreg [dreg:$0x11];
	v3 =	vperm.xlane v3, v2  }
0x59: {  	[tilespmem:s10], [sflag:$0x1] =	stream.indirect_vreg.gather [hbm4b:s3+s2], $0x80, v4, vm0, $0xb8;
	[tilespmem:$0x18100] =	vst v63  }
0x5a: {  	s11 =	rddreg [dreg:$0x12];
	v3 =	vadd.s32 v1, v3  }
0x5b: {  	[tilespmem:s11], [sflag:$0x1] =	stream.indirect_vreg.gather [hbm4b:s4+s2], $0x80, v4, vm0, $0xb8;
	[tilespmem:$0x18100] =	vst v63  }
0x5c: {  	s1 =	rddreg [dreg:$0x13]  }
0x5d: {  	[tilespmem:s1], [sflag:$0x1] =	stream.indirect_vreg.gather [hbm4b:s5+s2], $0x80, v4, vm0, $0xb8;
	[tilespmem:$0x18100] =	vst v63  }
0x5e: {  	s11 =	rddreg [dreg:$0x14]  }
0x5f: {  	[tilespmem:s11], [sflag:$0x1] =	stream.indirect_vreg.gather [hbm4b:s3+s2], $0x80, v3, vm0, $0xb8;
	[tilespmem:$0x18100] =	vst v63  }
0x60: {  	s1 =	rddreg [dreg:$0x15]  }
0x61: {  	[tilespmem:s1], [sflag:$0x1] =	stream.indirect_vreg.gather [hbm4b:s4+s2], $0x80, v3, vm0, $0xb8;
	[tilespmem:$0x18100] =	vst v63  }
0x62: {  	s11 =	rddreg [dreg:$0x16]  }
0x63: {  	[tilespmem:s11], [sflag:$0x1] =	stream.indirect_vreg.gather [hbm4b:s5+s2], $0x80, v3, vm0, $0xb8;
	[tilespmem:$0x18100] =	vst v63  }
0x64: {  	v3 =	vld [tilespmem:$0x30];
	_ =	sdelay $0x4  }
0x65: {  	v59 =	vshrl.u32 v3, $0x3  }
0x66: {  	v4 =	vmul.u32 $0x30, v59  }
0x67: {  	v3 =	vand.u32 $0x7, v3  }
0x68: {  	v3 =	vor.u32 v3, v4  }
0x69: {  	v4 =	vperm.xlane v3, v0;
	_ =	sdelay $0x1  }
0x6a: {  	v4 =	vadd.s32 v1, v4;
	_ =	sdelay $0x2  }
0x6b: {  	s10 =	rddreg [dreg:$0x18]  }
0x6c: {  	s11 =	rddreg [dreg:$0x17];
	v3 =	vperm.xlane v3, v2  }
0x6d: {  	[tilespmem:s11], [sflag:$0x1] =	stream.indirect_vreg.gather [hbm4b:s3+s2], $0x80, v4, vm0, $0xb8;
	[tilespmem:$0x18100] =	vst v63  }
0x6e: {  	s1 =	rddreg [dreg:$0x1c];
	v3 =	vadd.s32 v1, v3  }
0x6f: {  	[tilespmem:s10], [sflag:$0x1] =	stream.indirect_vreg.gather [hbm4b:s4+s2], $0x80, v4, vm0, $0xb8;
	[tilespmem:$0x18100] =	vst v63  }
0x70: {  	s11 =	rddreg [dreg:$0x19]  }
0x71: {  	[tilespmem:s11], [sflag:$0x1] =	stream.indirect_vreg.gather [hbm4b:s5+s2], $0x80, v4, vm0, $0xb8;
	[tilespmem:$0x18100] =	vst v63  }
0x72: {  	s10 =	rddreg [dreg:$0x1a]  }
0x73: {  	[tilespmem:s10], [sflag:$0x1] =	stream.indirect_vreg.gather [hbm4b:s3+s2], $0x80, v3, vm0, $0xb8;
	[tilespmem:$0x18100] =	vst v63  }
0x74: {  	s11 =	rddreg [dreg:$0x1b]  }
0x75: {  	[tilespmem:s11], [sflag:$0x1] =	stream.indirect_vreg.gather [hbm4b:s4+s2], $0x80, v3, vm0, $0xb8;
	[tilespmem:$0x18100] =	vst v63  }
0x76: {  	s10 =	rddreg [dreg:$0x3]  }
0x77: {  	[tilespmem:s1], [sflag:$0x1] =	stream.indirect_vreg.gather [hbm4b:s5+s2], $0x80, v3, vm0, $0xb8;
	[tilespmem:$0x18100] =	vst v63  }
0x78: {  	s11 =	rddreg [dreg:$0x1d]  }
0x79: {  	[tilespmem:s11], [sflag:$0x3] =	stream.linear.gather [hbm4b:s10+s2], $0x40, $0x38;
	[tilespmem:$0x18100] =	vst v63  }
0x7a: {  	_ =	swait.ge [sflag:s7], $0x40  }
0x7b: {  	[sflag:s7] =	ssyncset.done $0x0  }
0x7c: {  	[sflag:s7] =	ssyncadd.s32 $0xFFFFFFC0  }
0x7d: {  	v3 =	vld [tilespmem:$0x80];
	_ =	sdelay $0x4  }
0x7e: {  	v60 =	vshrl.u32 v3, $0x3  }
0x7f: {  	v4 =	vmul.u32 $0x30, v60  }
0x80: {  	v3 =	vand.u32 $0x7, v3  }
0x81: {  	v3 =	vor.u32 v3, v4  }
0x82: {  	v4 =	vperm.xlane v3, v0;
	_ =	sdelay $0x1  }
0x83: {  	v4 =	vadd.s32 v1, v4;
	_ =	sdelay $0x3  }
0x84: {  	s11 =	rddreg [dreg:$0x1e];
	v3 =	vperm.xlane v3, v2  }
0x85: {  	[tilespmem:s9], [sflag:$0x2] =	stream.indirect_vreg.gather [hbm4b:s3+s2], $0x80, v4, vm0, $0xb8;
	[tilespmem:$0x18100] =	vst v63  }
0x86: {  	s10 =	rddreg [dreg:$0x1f];
	v3 =	vadd.s32 v1, v3  }
0x87: {  	[tilespmem:s11], [sflag:$0x2] =	stream.indirect_vreg.gather [hbm4b:s4+s2], $0x80, v4, vm0, $0xb8;
	[tilespmem:$0x18100] =	vst v63  }
0x88: {  	s11 =	sld [smem:$0x7FD]  }
0x89: {  	[tilespmem:s10], [sflag:$0x2] =	stream.indirect_vreg.gather [hbm4b:s5+s2], $0x80, v4, vm0, $0xb8;
	[tilespmem:$0x18100] =	vst v63  }
0x8a: {  	_ = 	snop  }
0x8b: {  	[tilespmem:s11], [sflag:$0x2] =	stream.indirect_vreg.gather [hbm4b:s3+s2], $0x80, v3, vm0, $0xb8;
	[tilespmem:$0x18100] =	vst v63  }
0x8c: {  	s10 =	simm.s32 $0xE100  }
0x8d: {  	[tilespmem:s10], [sflag:$0x2] =	stream.indirect_vreg.gather [hbm4b:s4+s2], $0x80, v3, vm0, $0xb8;
	[tilespmem:$0x18100] =	vst v63  }
0x8e: {  	s11 =	simm.s32 $0xE900  }
0x8f: {  	[tilespmem:s11], [sflag:$0x2] =	stream.indirect_vreg.gather [hbm4b:s5+s2], $0x80, v3, vm0, $0xb8;
	[tilespmem:$0x18100] =	vst v63  }
0x90: {  	v3 =	vld [tilespmem:$0x90];
	_ =	sdelay $0x4  }
0x91: {  	v61 =	vshrl.u32 v3, $0x3  }
0x92: {  	v4 =	vmul.u32 $0x30, v61  }
0x93: {  	v3 =	vand.u32 $0x7, v3  }
0x94: {  	v3 =	vor.u32 v3, v4  }
0x95: {  	v4 =	vperm.xlane v3, v0;
	_ =	sdelay $0x1  }
0x96: {  	v4 =	vadd.s32 v1, v4;
	_ =	sdelay $0x3  }
0x97: {  	v3 =	vperm.xlane v3, v2  }
0x98: {  	[tilespmem:s12], [sflag:$0x2] =	stream.indirect_vreg.gather [hbm4b:s3+s2], $0x80, v4, vm0, $0xb8;
	[tilespmem:$0x18100] =	vst v63  }
0x99: {  	v3 =	vadd.s32 v1, v3  }
0x9a: {  	[tilespmem:s13], [sflag:$0x2] =	stream.indirect_vreg.gather [hbm4b:s4+s2], $0x80, v4, vm0, $0xb8;
	[tilespmem:$0x18100] =	vst v63  }
0x9b: {  	_ = 	snop  }
0x9c: {  	[tilespmem:s14], [sflag:$0x2] =	stream.indirect_vreg.gather [hbm4b:s5+s2], $0x80, v4, vm0, $0xb8;
	[tilespmem:$0x18100] =	vst v63  }
0x9d: {  	_ = 	snop  }
0x9e: {  	[tilespmem:s15], [sflag:$0x2] =	stream.indirect_vreg.gather [hbm4b:s3+s2], $0x80, v3, vm0, $0xb8;
	[tilespmem:$0x18100] =	vst v63  }
0x9f: {  	_ = 	snop  }
0xa0: {  	[tilespmem:s16], [sflag:$0x2] =	stream.indirect_vreg.gather [hbm4b:s4+s2], $0x80, v3, vm0, $0xb8;
	[tilespmem:$0x18100] =	vst v63  }
0xa1: {  	_ = 	snop  }
0xa2: {  	[tilespmem:s17], [sflag:$0x2] =	stream.indirect_vreg.gather [hbm4b:s5+s2], $0x80, v3, vm0, $0xb8;
	[tilespmem:$0x18100] =	vst v63  }
0xa3: {  	v3 =	vld [tilespmem:$0xA0];
	_ =	sdelay $0x4  }
0xa4: {  	v62 =	vshrl.u32 v3, $0x3  }
0xa5: {  	v4 =	vmul.u32 $0x30, v62  }
0xa6: {  	v3 =	vand.u32 $0x7, v3  }
0xa7: {  	v3 =	vor.u32 v3, v4  }
0xa8: {  	v4 =	vperm.xlane v3, v0;
	_ =	sdelay $0x1  }
0xa9: {  	v4 =	vadd.s32 v1, v4;
	_ =	sdelay $0x3  }
0xaa: {  	v3 =	vperm.xlane v3, v2  }
0xab: {  	[tilespmem:s18], [sflag:$0x2] =	stream.indirect_vreg.gather [hbm4b:s3+s2], $0x80, v4, vm0, $0xb8;
	[tilespmem:$0x18100] =	vst v63  }
0xac: {  	v3 =	vadd.s32 v1, v3  }
0xad: {  	[tilespmem:s19], [sflag:$0x2] =	stream.indirect_vreg.gather [hbm4b:s4+s2], $0x80, v4, vm0, $0xb8;
	[tilespmem:$0x18100] =	vst v63  }
0xae: {  	_ = 	snop  }
0xaf: {  	[tilespmem:s20], [sflag:$0x2] =	stream.indirect_vreg.gather [hbm4b:s5+s2], $0x80, v4, vm0, $0xb8;
	[tilespmem:$0x18100] =	vst v63  }
0xb0: {  	_ = 	snop  }
0xb1: {  	[tilespmem:s21], [sflag:$0x2] =	stream.indirect_vreg.gather [hbm4b:s3+s2], $0x80, v3, vm0, $0xb8;
	[tilespmem:$0x18100] =	vst v63  }
0xb2: {  	_ = 	snop  }
0xb3: {  	[tilespmem:s22], [sflag:$0x2] =	stream.indirect_vreg.gather [hbm4b:s4+s2], $0x80, v3, vm0, $0xb8;
	[tilespmem:$0x18100] =	vst v63  }
0xb4: {  	_ = 	snop  }
0xb5: {  	[tilespmem:s23], [sflag:$0x2] =	stream.indirect_vreg.gather [hbm4b:s5+s2], $0x80, v3, vm0, $0xb8;
	[tilespmem:$0x18100] =	vst v63  }
0xb6: {  	v3 =	vld [tilespmem:$0xB0];
	_ =	sdelay $0x4  }
0xb7: {  	v63 =	vshrl.u32 v3, $0x3  }
0xb8: {  	v4 =	vmul.u32 $0x30, v63  }
0xb9: {  	v3 =	vand.u32 $0x7, v3  }
0xba: {  	v3 =	vor.u32 v3, v4  }
0xbb: {  	v4 =	vperm.xlane v3, v0;
	_ =	sdelay $0x1  }
0xbc: {  	v4 =	vadd.s32 v1, v4;
	_ =	sdelay $0x3  }
0xbd: {  	v3 =	vperm.xlane v3, v2  }
0xbe: {  	[tilespmem:s24], [sflag:$0x2] =	stream.indirect_vreg.gather [hbm4b:s3+s2], $0x80, v4, vm0, $0xb8;
	[tilespmem:$0x18100] =	vst v63  }
0xbf: {  	v3 =	vadd.s32 v1, v3  }
0xc0: {  	[tilespmem:s25], [sflag:$0x2] =	stream.indirect_vreg.gather [hbm4b:s4+s2], $0x80, v4, vm0, $0xb8;
	[tilespmem:$0x18100] =	vst v63  }
0xc1: {  	_ = 	snop  }
0xc2: {  	[tilespmem:s26], [sflag:$0x2] =	stream.indirect_vreg.gather [hbm4b:s5+s2], $0x80, v4, vm0, $0xb8;
	[tilespmem:$0x18100] =	vst v63  }
0xc3: {  	_ = 	snop  }
0xc4: {  	[tilespmem:s28], [sflag:$0x2] =	stream.indirect_vreg.gather [hbm4b:s3+s2], $0x80, v3, vm0, $0xb8;
	[tilespmem:$0x18100] =	vst v63  }
0xc5: {  	_ = 	snop  }
0xc6: {  	[tilespmem:s29], [sflag:$0x2] =	stream.indirect_vreg.gather [hbm4b:s4+s2], $0x80, v3, vm0, $0xb8;
	[tilespmem:$0x18100] =	vst v63  }
0xc7: {  	_ = 	snop  }
0xc8: {  	[tilespmem:s30], [sflag:$0x2] =	stream.indirect_vreg.gather [hbm4b:s5+s2], $0x80, v3, vm0, $0xb8;
	[tilespmem:$0x18100] =	vst v63  }
0xc9: {  	_ =	swait.ge [sflag:s31], $0xC000  }
0xca: {  	[sflag:s31] =	ssyncset.done $0x0  }
0xcb: {  	s10 =	rddreg [dreg:$0x4];
	[sflag:s31] =	ssyncadd.s32 $0xFFFF4000  }
0xcc: {  	[hbm4b:s10+s2] =	stream.linear.scatter [tilespmem:s8], [sflag:$0x3], $0xC000, $0x38;
	[tilespmem:$0x18100] =	vst v63  }
0xcd: {  	_ =	swait.ge [sflag:s7], $0xC000  }
0xce: {  	[sflag:s7] =	ssyncset.done $0x0  }
0xcf: {  	[sflag:s7] =	ssyncadd.s32 $0xFFFF4000  }
0xd0: {  	_ =	swait.ge [sflag:s0], $0xC000  }
0xd1: {  	p0 =	sne.s32 s6, $0x1;
	[sflag:s0] =	ssyncset.done $0x0  }
.Ltmp0:
0xd2: {  	s11 =	rddreg [dreg:$0x5];
	[sflag:s0] =	ssyncadd.s32 $0xFFFF4000;
	(pc) =	sbr.rel @p0 .LBB2_1-.Ltmp0, $4  }
0xd3: {  	[hbm4b:s11+s2] =	stream.linear.scatter [tilespmem:s9], [sflag:$0x3], $0xC000, $0x38;
	[tilespmem:$0x18100] =	vst v63  }
0xd4: {  	_ =	swait.ge [sflag:s7], $0xC000  }
0xd5: {  	[sflag:s7] =	ssyncset.done $0x0  }
0xd6: {  	s6 =	sadd.s32 $0xFFFFFFFF, s6;
	[sflag:s7] =	ssyncadd.s32 $0xFFFF4000  }
0xd7: {  	_ =	sfence.sel $0x180000  }
0xd8: {  	[bflag:$0x0] =	sbarrier.arrive $0xFFFF  }
0xd9: {  	_ =	strace $0x9000004D  }
0xda: {  	s0 =	stileid.u32;
	[bflag:$0x2] =	sbarrier.arrive $0xFFFF  }
0xdb: {  	p0 =	sne.s32 s0, $0x0;
	s0 =	rddreg [dreg:$0x1]  }
0xdc: {  	s0 =	sadd.s32 @!p0 $0x100000, s0  }
0xdd: {  	[sflag:s0] =	ssyncadd.tile.s32 @!p0 $0x1;
	_ =	shalt  }
.Lfunc_end2:
_tile_overlayer_lowered:
.L_overlay_start_2:
0xde: {  	(tag) =	ssettag $0x2  }
0xdf: {  	s0 =	rddreg [dreg:$0x0];
	s2 =	stileid.u32  }
0xe0: {  	s1 =	rddreg [dreg:$0x1];
	p0 =	sne.s32 s2, $0x0  }
0xe1: {  	s3 =	rddreg [dreg:$0x2];
	[bflag:$0x3] =	sbarrier.arrive $0xFFFF;
	s2 =	simm.s32 @!p0 $0x1C03  }
0xe2: {  	[timem:s3], [sflag:s2] =	dma.local @!p0 [hbm:s0], s1  }
0xe3: {  	s0 =	simm.s32 @!p0 $0x3  }
0xe4: {  	_ =	swait.ge @!p0 [sflag:s0], s1  }
0xe5: {  	s1 =	ssub.s32 @!p0 $0x0, s1;
	[sflag:s0] =	ssyncset.done @!p0 $0x0  }
0xe6: {  	[sflag:s0] =	ssyncadd.s32 @!p0 s1  }
0xe7: {  	[bflag:$0x3] =	sbarrier.arrive $0xFFFF  }
0xe8: {  	_ =	shalt  }

</sc_bundles>
